<compile_context>
chip_gen: v7x
topology: tpu7x:2x2x1
jax: 0.10.2.dev20260603
libtpu: 0.0.44.dev20260713+nightly
codegen_flags: <defaults>
</compile_context>

<pallas_src>
import functools
import math

import jax
import jax.numpy as jnp
from jax import lax
from jax.experimental import pallas as pl
from jax.experimental.pallas import tpu as pltpu
from jax.experimental.pallas import tpu_sc as plsc

N = 10000
E = 320000
D = 128
DH = D // 2
C = 40
ALPHA = 0.1
THETA = 0.5

NC = 2
NS = 16

CH = 128
PT = 160
HT = PT // 4
EP = NS * PT * CH
NP = 10112
ZR = NP // NS

_mesh = plsc.VectorSubcoreMesh(core_axis_name="c", subcore_axis_name="s")


@functools.partial(
    pl.kernel,
    out_type=jax.ShapeDtypeStruct((NC, NP, DH), jnp.float32),
    mesh=_mesh,
    compiler_params=pltpu.CompilerParams(use_tc_tiling_on_sc=False),
    scratch_types=[
        pltpu.VMEM((HT, CH), jnp.int32),
        pltpu.VMEM((HT, CH), jnp.int32),
        pltpu.VMEM((CH, DH), jnp.float32),
        pltpu.VMEM((CH, DH), jnp.float32),
        pltpu.VMEM_SHARED((NP, DH), jnp.float32),
        pltpu.VMEM_SHARED((NP, DH), jnp.float32),
        pltpu.SemaphoreType.DMA,
        pltpu.SemaphoreType.DMA,
    ],
)
def _sc_prop(h2_hbm, src_hbm, dst_hbm, zeros_hbm, out_hbm,
             src_v, dst_v, rows_a, rows_b, h_s, agg_s, sem_a, sem_b):
    cid = lax.axis_index("c")
    sid = lax.axis_index("s")
    stripe = pl.ds(sid * ZR, ZR)
    pltpu.sync_copy(zeros_hbm, agg_s.at[stripe])
    pltpu.sync_copy(h2_hbm.at[cid, stripe], h_s.at[stripe])
    plsc.subcore_barrier()

    def fire(g, buf, sem):
        pltpu.async_copy(h_s.at[src_v.at[jnp.minimum(g, HT - 1)]],
                         buf, sem)

    def drain(buf, sem):
        pltpu.make_async_copy(h_s.at[src_v.at[0]], buf, sem).wait()

    def scat(g, buf):
        pltpu.sync_copy(buf, agg_s.at[dst_v.at[g]], add=True)

    for hh in range(4):
        pltpu.sync_copy(src_hbm.at[sid, pl.ds(hh * HT, HT)], src_v)
        pltpu.sync_copy(dst_hbm.at[sid, pl.ds(hh * HT, HT)], dst_v)
        fire(0, rows_a, sem_a)

        def body(i, carry):
            g = i * 2
            fire(g + 1, rows_b, sem_b)
            drain(rows_a, sem_a)
            scat(g, rows_a)
            fire(g + 2, rows_a, sem_a)
            drain(rows_b, sem_b)
            scat(g + 1, rows_b)
            return carry

        lax.fori_loop(0, HT // 2, body, 0)
        drain(rows_a, sem_a)
    plsc.subcore_barrier()
    pltpu.sync_copy(agg_s.at[stripe], out_hbm.at[cid, stripe])


def _split_store(out_ref, res):
    out_ref[0, pl.ds(0, N), :] = res[:, :DH]
    out_ref[1, pl.ds(0, N), :] = res[:, DH:]
    z = jnp.zeros((NP - N, DH), jnp.float32)
    out_ref[0, pl.ds(N, NP - N), :] = z
    out_ref[1, pl.ds(N, NP - N), :] = z


def _lin0_body(x_ref, w_ref, b_ref, h_ref):
    h = jnp.dot(x_ref[...], w_ref[...], preferred_element_type=jnp.float32)
    _split_store(h_ref, jnp.maximum(h + b_ref[...], 0.0))


def _cat(ref2):
    return jnp.concatenate(
        [ref2[0, pl.ds(0, N), :], ref2[1, pl.ds(0, N), :]], axis=1)


def _mix_body(p_ref, x0_ref, w_ref, out_ref, *, beta):
    hmix = (1.0 - ALPHA) * _cat(p_ref) + ALPHA * _cat(x0_ref)
    xw = jnp.dot(hmix, w_ref[...], preferred_element_type=jnp.float32)
    _split_store(out_ref, jnp.maximum((1.0 - beta) * hmix + beta * xw, 0.0))


def _final_body(p_ref, x0_ref, w_ref, w1_ref, b1_ref, out_ref, *, beta):
    hmix = (1.0 - ALPHA) * _cat(p_ref) + ALPHA * _cat(x0_ref)
    xw = jnp.dot(hmix, w_ref[...], preferred_element_type=jnp.float32)
    xcur = jnp.maximum((1.0 - beta) * hmix + beta * xw, 0.0)
    o = jnp.dot(xcur, w1_ref[...], preferred_element_type=jnp.float32)
    o = o + b1_ref[...]
    m = jnp.max(o, axis=-1, keepdims=True)
    lse = m + jnp.log(jnp.sum(jnp.exp(o - m), axis=-1, keepdims=True))
    out_ref[...] = o - lse


def kernel(x, edge_index, lin0_W, lin0_b, conv_W, lin1_W, lin1_b):
    src = jnp.concatenate(
        [edge_index[0], jnp.full((EP - E,), N, jnp.int32)]).reshape(NS, PT, CH)
    dst = jnp.concatenate(
        [edge_index[1], jnp.full((EP - E,), N, jnp.int32)]).reshape(NS, PT, CH)
    zeros = jnp.zeros((ZR, DH), jnp.float32)
    w1p = jnp.zeros((D, D), jnp.float32).at[:, :C].set(lin1_W)
    b1p = jnp.full((1, D), -1e30, jnp.float32).at[0, :C].set(lin1_b)

    h = pl.pallas_call(
        _lin0_body,
        out_shape=jax.ShapeDtypeStruct((NC, NP, DH), jnp.float32),
    )(x, lin0_W, lin0_b.reshape(1, D))

    p0 = _sc_prop(h, src, dst, zeros)

    beta0 = math.log(THETA / 1.0 + 1.0)
    x1 = pl.pallas_call(
        functools.partial(_mix_body, beta=beta0),
        out_shape=jax.ShapeDtypeStruct((NC, NP, DH), jnp.float32),
    )(p0, h, conv_W[0])

    p1 = _sc_prop(x1, src, dst, zeros)

    beta1 = math.log(THETA / 2.0 + 1.0)
    out = pl.pallas_call(
        functools.partial(_final_body, beta=beta1),
        out_shape=jax.ShapeDtypeStruct((N, D), jnp.float32),
    )(p1, h, conv_W[1], w1p, b1p)

    return out[:, :C]

# --- scband reference (transcript-rebuilt; emitter-appended) ---
"""Pipeline reference for scband-gcn-16045997818030 (READ-ONLY COPY).

The authoritative reference and input builder live on the scoring server;
editing this copy changes nothing except your own understanding.
"""

import jax, jax.numpy as jnp
import numpy as np

N = 10000
E = 320000
D = 128
H = 128
C = 40
L = 2
ALPHA = 0.1
THETA = 0.5


def setup_inputs(seed: int = 0) -> dict:
    key = jax.random.key(seed)
    ks = jax.random.split(key, 8)
    inp = {}
    inp["x"] = jax.random.normal(ks[0], (N, D), dtype=jnp.float32)
    inp["edge_index"] = jax.random.randint(ks[1], (2, E), 0, N, dtype=jnp.int32)
    s0 = 1.0 / np.sqrt(D)
    inp["lin0_W"] = jax.random.uniform(ks[2], (D, H), jnp.float32, -s0, s0)
    inp["lin0_b"] = jax.random.uniform(ks[3], (H,), jnp.float32, -s0, s0)
    sh = 1.0 / np.sqrt(H)
    inp["conv_W"] = jax.random.uniform(ks[4], (L, H, H), jnp.float32, -sh, sh)
    inp["lin1_W"] = jax.random.uniform(ks[5], (H, C), jnp.float32, -sh, sh)
    inp["lin1_b"] = jax.random.uniform(ks[6], (C,), jnp.float32, -sh, sh)
    return inp


def reference(x, edge_index, lin0_W, lin0_b, conv_W, lin1_W, lin1_b):
    # GCNII (GCN2Conv stack), eval mode (dropout=0), normalize=False,
    # shared_weights=True.
    src = edge_index[0]
    dst = edge_index[1]
    h = jnp.maximum(x @ lin0_W + lin0_b, 0.0)
    x0 = h
    xcur = h
    for l in range(L):
        # propagate: adj_t @ x  (sum aggregation, unit edge weights)
        agg = jax.ops.segment_sum(xcur[src], dst, num_segments=N)
        hmix = (1.0 - ALPHA) * agg + ALPHA * x0
        beta = float(np.log(THETA / (l + 1) + 1.0))
        xcur = (1.0 - beta) * hmix + beta * (hmix @ conv_W[l])
        xcur = jnp.maximum(xcur, 0.0)
    out = xcur @ lin1_W + lin1_b
    return jax.nn.log_softmax(out, axis=-1)

if __name__ == "__main__":
    import jax
    _d = setup_inputs()
    print(jax.jit(kernel)(*tuple(_d.values())))

</pallas_src>

<mosaic_0001>
#map = affine_map<(d0, d1) -> (0, 0, 0)>
#map1 = affine_map<(d0, d1) -> (0, 0)>
module attributes {stable_mosaic.version = 14 : i64} {
  func.func @_sc_prop(%arg0: i32, %arg1: i32, %arg2: memref<2x10112x64xf32, #tpu.memory_space<hbm>>, %arg3: memref<16x160x128xi32, #tpu.memory_space<hbm>>, %arg4: memref<16x160x128xi32, #tpu.memory_space<hbm>>, %arg5: memref<632x64xf32, #tpu.memory_space<hbm>>, %arg6: memref<2x10112x64xf32, #tpu.memory_space<hbm>>, %arg7: memref<40x128xi32, #tpu.memory_space<vmem>>, %arg8: memref<40x128xi32, #tpu.memory_space<vmem>>, %arg9: memref<128x64xf32, #tpu.memory_space<vmem>>, %arg10: memref<128x64xf32, #tpu.memory_space<vmem>>, %arg11: memref<10112x64xf32, #tpu.memory_space<vmem_shared>>, %arg12: memref<10112x64xf32, #tpu.memory_space<vmem_shared>>, %arg13: memref<!tpu.dma_semaphore, #tpu.memory_space<semaphore_mem>>, %arg14: memref<!tpu.dma_semaphore, #tpu.memory_space<semaphore_mem>>) attributes {dimension_semantics = [#tpu.dimension_semantics<core_parallel>, #tpu.dimension_semantics<subcore_parallel>], iteration_bounds = array<i64: 2, 16>, scalar_prefetch = 0 : i64, scratch_operands = 8 : i64, tpu.core_type = #tpu.core_type<sc_vector_subcore>, window_params = [{transform_indices = #map}, {transform_indices = #map}, {transform_indices = #map}, {transform_indices = #map1}, {transform_indices = #map}]} {
    %mul3A = arith.constant 632 : i32
    %mul3A_0 = arith.muli %arg1, %mul3A : i32
    "tpu.region"() ({
      %run_scoped3A = tpu.sem_alloc : memref<!tpu.dma_semaphore, #tpu.memory_space<semaphore_mem>>
      %dma_start3A_86 = arith.constant 0 : i32
      %dma_start3A_87 = tpu.memref_slice %arg12[%mul3A_0, %dma_start3A_86] : memref<10112x64xf32, #tpu.memory_space<vmem_shared>> -> memref<632x64xf32, #tpu.memory_space<vmem_shared>>
      tpu.enqueue_dma source(%arg5 : memref<632x64xf32, #tpu.memory_space<hbm>>) target(%dma_start3A_87 : memref<632x64xf32, #tpu.memory_space<vmem_shared>>) target_semaphore(%run_scoped3A : memref<!tpu.dma_semaphore, #tpu.memory_space<semaphore_mem>>)
      %dma_wait3A_88 = arith.constant 0 : i32
      %dma_wait3A_89 = tpu.memref_slice %arg12[%mul3A_0, %dma_wait3A_88] : memref<10112x64xf32, #tpu.memory_space<vmem_shared>> -> memref<632x64xf32, #tpu.memory_space<vmem_shared>>
      tpu.wait_dma2 semaphore(%run_scoped3A : memref<!tpu.dma_semaphore, #tpu.memory_space<semaphore_mem>>) src(%arg5 : memref<632x64xf32, #tpu.memory_space<hbm>>) dst(%dma_wait3A_89 : memref<632x64xf32, #tpu.memory_space<vmem_shared>>)
      tpu.yield
    }) : () -> ()
    "tpu.region"() ({
      %run_scoped3A = tpu.sem_alloc : memref<!tpu.dma_semaphore, #tpu.memory_space<semaphore_mem>>
      %dma_start3A_86 = arith.constant 0 : i32
      %dma_start3A_87 = tpu.memref_slice %arg11[%mul3A_0, %dma_start3A_86] : memref<10112x64xf32, #tpu.memory_space<vmem_shared>> -> memref<632x64xf32, #tpu.memory_space<vmem_shared>>
      %dma_start3A_88 = arith.constant 0 : i32
      %dma_start3A_89 = tpu.memref_slice %arg2[%arg0, %mul3A_0, %dma_start3A_88] : memref<2x10112x64xf32, #tpu.memory_space<hbm>> -> memref<1x632x64xf32, #tpu.memory_space<hbm>>
      %dma_start3A_90 = tpu.memref_squeeze %dma_start3A_89 : memref<1x632x64xf32, #tpu.memory_space<hbm>> -> memref<632x64xf32, #tpu.memory_space<hbm>>
      tpu.enqueue_dma source(%dma_start3A_90 : memref<632x64xf32, #tpu.memory_space<hbm>>) target(%dma_start3A_87 : memref<632x64xf32, #tpu.memory_space<vmem_shared>>) target_semaphore(%run_scoped3A : memref<!tpu.dma_semaphore, #tpu.memory_space<semaphore_mem>>)
      %dma_wait3A_91 = arith.constant 0 : i32
      %dma_wait3A_92 = tpu.memref_slice %arg11[%mul3A_0, %dma_wait3A_91] : memref<10112x64xf32, #tpu.memory_space<vmem_shared>> -> memref<632x64xf32, #tpu.memory_space<vmem_shared>>
      %dma_wait3A_93 = arith.constant 0 : i32
      %dma_wait3A_94 = tpu.memref_slice %arg2[%arg0, %mul3A_0, %dma_wait3A_93] : memref<2x10112x64xf32, #tpu.memory_space<hbm>> -> memref<1x632x64xf32, #tpu.memory_space<hbm>>
      %dma_wait3A_95 = tpu.memref_squeeze %dma_wait3A_94 : memref<1x632x64xf32, #tpu.memory_space<hbm>> -> memref<632x64xf32, #tpu.memory_space<hbm>>
      tpu.wait_dma2 semaphore(%run_scoped3A : memref<!tpu.dma_semaphore, #tpu.memory_space<semaphore_mem>>) src(%dma_wait3A_95 : memref<632x64xf32, #tpu.memory_space<hbm>>) dst(%dma_wait3A_92 : memref<632x64xf32, #tpu.memory_space<vmem_shared>>)
      tpu.yield
    }) : () -> ()
    %barrier3A = arith.constant 0 : index
    tpu.barrier barrier_id(%barrier3A)
    "tpu.region"() ({
      %run_scoped3A = tpu.sem_alloc : memref<!tpu.dma_semaphore, #tpu.memory_space<semaphore_mem>>
      %dma_start3A_86 = arith.constant 0 : i32
      %dma_start3A_87 = arith.constant 0 : i32
      %dma_start3A_88 = tpu.memref_slice %arg3[%arg1, %dma_start3A_86, %dma_start3A_87] : memref<16x160x128xi32, #tpu.memory_space<hbm>> -> memref<1x40x128xi32, #tpu.memory_space<hbm>>
      %dma_start3A_89 = tpu.memref_squeeze %dma_start3A_88 : memref<1x40x128xi32, #tpu.memory_space<hbm>> -> memref<40x128xi32, #tpu.memory_space<hbm>>
      %dma_start3A_90 = arith.constant 0 : i32
      %dma_start3A_91 = arith.constant 0 : i32
      %dma_start3A_92 = tpu.memref_slice %arg3[%arg1, %dma_start3A_90, %dma_start3A_91] : memref<16x160x128xi32, #tpu.memory_space<hbm>> -> memref<1x40x128xi32, #tpu.memory_space<hbm>>
      %dma_start3A_93 = tpu.memref_squeeze %dma_start3A_92 : memref<1x40x128xi32, #tpu.memory_space<hbm>> -> memref<40x128xi32, #tpu.memory_space<hbm>>
      tpu.enqueue_dma source(%dma_start3A_93 : memref<40x128xi32, #tpu.memory_space<hbm>>) target(%arg7 : memref<40x128xi32, #tpu.memory_space<vmem>>) target_semaphore(%run_scoped3A : memref<!tpu.dma_semaphore, #tpu.memory_space<semaphore_mem>>)
      %dma_wait3A_94 = arith.constant 0 : i32
      %dma_wait3A_95 = arith.constant 0 : i32
      %dma_wait3A_96 = tpu.memref_slice %arg3[%arg1, %dma_wait3A_94, %dma_wait3A_95] : memref<16x160x128xi32, #tpu.memory_space<hbm>> -> memref<1x40x128xi32, #tpu.memory_space<hbm>>
      %dma_wait3A_97 = tpu.memref_squeeze %dma_wait3A_96 : memref<1x40x128xi32, #tpu.memory_space<hbm>> -> memref<40x128xi32, #tpu.memory_space<hbm>>
      %dma_wait3A_98 = arith.constant 0 : i32
      %dma_wait3A_99 = arith.constant 0 : i32
      %dma_wait3A_100 = tpu.memref_slice %arg3[%arg1, %dma_wait3A_98, %dma_wait3A_99] : memref<16x160x128xi32, #tpu.memory_space<hbm>> -> memref<1x40x128xi32, #tpu.memory_space<hbm>>
      %dma_wait3A_101 = tpu.memref_squeeze %dma_wait3A_100 : memref<1x40x128xi32, #tpu.memory_space<hbm>> -> memref<40x128xi32, #tpu.memory_space<hbm>>
      tpu.wait_dma2 semaphore(%run_scoped3A : memref<!tpu.dma_semaphore, #tpu.memory_space<semaphore_mem>>) src(%dma_wait3A_101 : memref<40x128xi32, #tpu.memory_space<hbm>>) dst(%arg7 : memref<40x128xi32, #tpu.memory_space<vmem>>)
      tpu.yield
    }) : () -> ()
    "tpu.region"() ({
      %run_scoped3A = tpu.sem_alloc : memref<!tpu.dma_semaphore, #tpu.memory_space<semaphore_mem>>
      %dma_start3A_86 = arith.constant 0 : i32
      %dma_start3A_87 = arith.constant 0 : i32
      %dma_start3A_88 = tpu.memref_slice %arg4[%arg1, %dma_start3A_86, %dma_start3A_87] : memref<16x160x128xi32, #tpu.memory_space<hbm>> -> memref<1x40x128xi32, #tpu.memory_space<hbm>>
      %dma_start3A_89 = tpu.memref_squeeze %dma_start3A_88 : memref<1x40x128xi32, #tpu.memory_space<hbm>> -> memref<40x128xi32, #tpu.memory_space<hbm>>
      %dma_start3A_90 = arith.constant 0 : i32
      %dma_start3A_91 = arith.constant 0 : i32
      %dma_start3A_92 = tpu.memref_slice %arg4[%arg1, %dma_start3A_90, %dma_start3A_91] : memref<16x160x128xi32, #tpu.memory_space<hbm>> -> memref<1x40x128xi32, #tpu.memory_space<hbm>>
      %dma_start3A_93 = tpu.memref_squeeze %dma_start3A_92 : memref<1x40x128xi32, #tpu.memory_space<hbm>> -> memref<40x128xi32, #tpu.memory_space<hbm>>
      tpu.enqueue_dma source(%dma_start3A_93 : memref<40x128xi32, #tpu.memory_space<hbm>>) target(%arg8 : memref<40x128xi32, #tpu.memory_space<vmem>>) target_semaphore(%run_scoped3A : memref<!tpu.dma_semaphore, #tpu.memory_space<semaphore_mem>>)
      %dma_wait3A_94 = arith.constant 0 : i32
      %dma_wait3A_95 = arith.constant 0 : i32
      %dma_wait3A_96 = tpu.memref_slice %arg4[%arg1, %dma_wait3A_94, %dma_wait3A_95] : memref<16x160x128xi32, #tpu.memory_space<hbm>> -> memref<1x40x128xi32, #tpu.memory_space<hbm>>
      %dma_wait3A_97 = tpu.memref_squeeze %dma_wait3A_96 : memref<1x40x128xi32, #tpu.memory_space<hbm>> -> memref<40x128xi32, #tpu.memory_space<hbm>>
      %dma_wait3A_98 = arith.constant 0 : i32
      %dma_wait3A_99 = arith.constant 0 : i32
      %dma_wait3A_100 = tpu.memref_slice %arg4[%arg1, %dma_wait3A_98, %dma_wait3A_99] : memref<16x160x128xi32, #tpu.memory_space<hbm>> -> memref<1x40x128xi32, #tpu.memory_space<hbm>>
      %dma_wait3A_101 = tpu.memref_squeeze %dma_wait3A_100 : memref<1x40x128xi32, #tpu.memory_space<hbm>> -> memref<40x128xi32, #tpu.memory_space<hbm>>
      tpu.wait_dma2 semaphore(%run_scoped3A : memref<!tpu.dma_semaphore, #tpu.memory_space<semaphore_mem>>) src(%dma_wait3A_101 : memref<40x128xi32, #tpu.memory_space<hbm>>) dst(%arg8 : memref<40x128xi32, #tpu.memory_space<vmem>>)
      tpu.yield
    }) : () -> ()
    %min3A = arith.constant 0 : i32
    %min3A_1 = arith.constant 39 : i32
    %min3A_2 = arith.minsi %min3A, %min3A_1 : i32
    %dma_start3A = arith.constant 0 : i32
    %dma_start3A_3 = tpu.memref_slice %arg7[%min3A_2, %dma_start3A] : memref<40x128xi32, #tpu.memory_space<vmem>> -> memref<1x128xi32, #tpu.memory_space<vmem>>
    %dma_start3A_4 = tpu.memref_squeeze %dma_start3A_3 : memref<1x128xi32, #tpu.memory_space<vmem>> -> memref<128xi32, #tpu.memory_space<vmem>>
    %dma_start3A_5 = arith.constant 0 : i32
    %dma_start3A_6 = arith.constant 0 : i32
    %dma_start3A_7 = tpu.memref_slice %arg11[%dma_start3A_5, %dma_start3A_6] : memref<10112x64xf32, #tpu.memory_space<vmem_shared>> -> memref<10112x64xf32, #tpu.memory_space<vmem_shared>>
    tpu.enqueue_indirect_dma source(%dma_start3A_7 : memref<10112x64xf32, #tpu.memory_space<vmem_shared>>) target(%arg9 : memref<128x64xf32, #tpu.memory_space<vmem>>) offsets(%dma_start3A_4 : memref<128xi32, #tpu.memory_space<vmem>>) semaphore(%arg13 : memref<!tpu.dma_semaphore, #tpu.memory_space<semaphore_mem>>)
    %scan3A = arith.constant 0 : i32
    %scan3A_8 = arith.constant 0 : i32
    %scan3A_9 = arith.constant 20 : i32
    %scan3A_10 = arith.addi %scan3A_8, %scan3A_9 : i32
    %scan3A_11 = arith.constant 1 : i32
    scf.for %scan3A_86 = %scan3A_8 to %scan3A_10 step %scan3A_11  : i32 {
      %mul3A_87 = arith.constant 2 : i32
      %mul3A_88 = arith.muli %scan3A_86, %mul3A_87 : i32
      %add3A = arith.constant 1 : i32
      %add3A_89 = arith.addi %mul3A_88, %add3A : i32
      %min3A_90 = arith.constant 39 : i32
      %min3A_91 = arith.minsi %add3A_89, %min3A_90 : i32
      %dma_start3A_92 = arith.constant 0 : i32
      %dma_start3A_93 = tpu.memref_slice %arg7[%min3A_91, %dma_start3A_92] : memref<40x128xi32, #tpu.memory_space<vmem>> -> memref<1x128xi32, #tpu.memory_space<vmem>>
      %dma_start3A_94 = tpu.memref_squeeze %dma_start3A_93 : memref<1x128xi32, #tpu.memory_space<vmem>> -> memref<128xi32, #tpu.memory_space<vmem>>
      %dma_start3A_95 = arith.constant 0 : i32
      %dma_start3A_96 = arith.constant 0 : i32
      %dma_start3A_97 = tpu.memref_slice %arg11[%dma_start3A_95, %dma_start3A_96] : memref<10112x64xf32, #tpu.memory_space<vmem_shared>> -> memref<10112x64xf32, #tpu.memory_space<vmem_shared>>
      tpu.enqueue_indirect_dma source(%dma_start3A_97 : memref<10112x64xf32, #tpu.memory_space<vmem_shared>>) target(%arg10 : memref<128x64xf32, #tpu.memory_space<vmem>>) offsets(%dma_start3A_94 : memref<128xi32, #tpu.memory_space<vmem>>) semaphore(%arg14 : memref<!tpu.dma_semaphore, #tpu.memory_space<semaphore_mem>>)
      %dma_wait3A_98 = arith.constant 0 : i32
      %dma_wait3A_99 = arith.constant 0 : i32
      %dma_wait3A_100 = tpu.memref_slice %arg7[%dma_wait3A_98, %dma_wait3A_99] : memref<40x128xi32, #tpu.memory_space<vmem>> -> memref<1x128xi32, #tpu.memory_space<vmem>>
      %dma_wait3A_101 = tpu.memref_squeeze %dma_wait3A_100 : memref<1x128xi32, #tpu.memory_space<vmem>> -> memref<128xi32, #tpu.memory_space<vmem>>
      %dma_wait3A_102 = arith.constant 0 : i32
      %dma_wait3A_103 = arith.constant 0 : i32
      %dma_wait3A_104 = tpu.memref_slice %arg11[%dma_wait3A_102, %dma_wait3A_103] : memref<10112x64xf32, #tpu.memory_space<vmem_shared>> -> memref<10112x64xf32, #tpu.memory_space<vmem_shared>>
      tpu.wait_indirect_dma semaphore(%arg13 : memref<!tpu.dma_semaphore, #tpu.memory_space<semaphore_mem>>) src(%dma_wait3A_104 : memref<10112x64xf32, #tpu.memory_space<vmem_shared>>) dst(%arg9 : memref<128x64xf32, #tpu.memory_space<vmem>>)
      "tpu.region"() ({
        %run_scoped3A = tpu.sem_alloc : memref<!tpu.dma_semaphore, #tpu.memory_space<semaphore_mem>>
        %dma_start3A_124 = arith.constant 0 : i32
        %dma_start3A_125 = tpu.memref_slice %arg8[%mul3A_88, %dma_start3A_124] : memref<40x128xi32, #tpu.memory_space<vmem>> -> memref<1x128xi32, #tpu.memory_space<vmem>>
        %dma_start3A_126 = tpu.memref_squeeze %dma_start3A_125 : memref<1x128xi32, #tpu.memory_space<vmem>> -> memref<128xi32, #tpu.memory_space<vmem>>
        %dma_start3A_127 = arith.constant 0 : i32
        %dma_start3A_128 = arith.constant 0 : i32
        %dma_start3A_129 = tpu.memref_slice %arg12[%dma_start3A_127, %dma_start3A_128] : memref<10112x64xf32, #tpu.memory_space<vmem_shared>> -> memref<10112x64xf32, #tpu.memory_space<vmem_shared>>
        tpu.enqueue_indirect_dma source(%arg9 : memref<128x64xf32, #tpu.memory_space<vmem>>) target(%dma_start3A_129 : memref<10112x64xf32, #tpu.memory_space<vmem_shared>>) offsets(%dma_start3A_126 : memref<128xi32, #tpu.memory_space<vmem>>) semaphore(%run_scoped3A : memref<!tpu.dma_semaphore, #tpu.memory_space<semaphore_mem>>) {add = true}
        %dma_wait3A_130 = arith.constant 0 : i32
        %dma_wait3A_131 = tpu.memref_slice %arg8[%mul3A_88, %dma_wait3A_130] : memref<40x128xi32, #tpu.memory_space<vmem>> -> memref<1x128xi32, #tpu.memory_space<vmem>>
        %dma_wait3A_132 = tpu.memref_squeeze %dma_wait3A_131 : memref<1x128xi32, #tpu.memory_space<vmem>> -> memref<128xi32, #tpu.memory_space<vmem>>
        %dma_wait3A_133 = arith.constant 0 : i32
        %dma_wait3A_134 = arith.constant 0 : i32
        %dma_wait3A_135 = tpu.memref_slice %arg12[%dma_wait3A_133, %dma_wait3A_134] : memref<10112x64xf32, #tpu.memory_space<vmem_shared>> -> memref<10112x64xf32, #tpu.memory_space<vmem_shared>>
        tpu.wait_indirect_dma semaphore(%run_scoped3A : memref<!tpu.dma_semaphore, #tpu.memory_space<semaphore_mem>>) src(%arg9 : memref<128x64xf32, #tpu.memory_space<vmem>>) dst(%dma_wait3A_135 : memref<10112x64xf32, #tpu.memory_space<vmem_shared>>)
        tpu.yield
      }) : () -> ()
      %add3A_105 = arith.constant 2 : i32
      %add3A_106 = arith.addi %mul3A_88, %add3A_105 : i32
      %min3A_107 = arith.constant 39 : i32
      %min3A_108 = arith.minsi %add3A_106, %min3A_107 : i32
      %dma_start3A_109 = arith.constant 0 : i32
      %dma_start3A_110 = tpu.memref_slice %arg7[%min3A_108, %dma_start3A_109] : memref<40x128xi32, #tpu.memory_space<vmem>> -> memref<1x128xi32, #tpu.memory_space<vmem>>
      %dma_start3A_111 = tpu.memref_squeeze %dma_start3A_110 : memref<1x128xi32, #tpu.memory_space<vmem>> -> memref<128xi32, #tpu.memory_space<vmem>>
      %dma_start3A_112 = arith.constant 0 : i32
      %dma_start3A_113 = arith.constant 0 : i32
      %dma_start3A_114 = tpu.memref_slice %arg11[%dma_start3A_112, %dma_start3A_113] : memref<10112x64xf32, #tpu.memory_space<vmem_shared>> -> memref<10112x64xf32, #tpu.memory_space<vmem_shared>>
      tpu.enqueue_indirect_dma source(%dma_start3A_114 : memref<10112x64xf32, #tpu.memory_space<vmem_shared>>) target(%arg9 : memref<128x64xf32, #tpu.memory_space<vmem>>) offsets(%dma_start3A_111 : memref<128xi32, #tpu.memory_space<vmem>>) semaphore(%arg13 : memref<!tpu.dma_semaphore, #tpu.memory_space<semaphore_mem>>)
      %dma_wait3A_115 = arith.constant 0 : i32
      %dma_wait3A_116 = arith.constant 0 : i32
      %dma_wait3A_117 = tpu.memref_slice %arg7[%dma_wait3A_115, %dma_wait3A_116] : memref<40x128xi32, #tpu.memory_space<vmem>> -> memref<1x128xi32, #tpu.memory_space<vmem>>
      %dma_wait3A_118 = tpu.memref_squeeze %dma_wait3A_117 : memref<1x128xi32, #tpu.memory_space<vmem>> -> memref<128xi32, #tpu.memory_space<vmem>>
      %dma_wait3A_119 = arith.constant 0 : i32
      %dma_wait3A_120 = arith.constant 0 : i32
      %dma_wait3A_121 = tpu.memref_slice %arg11[%dma_wait3A_119, %dma_wait3A_120] : memref<10112x64xf32, #tpu.memory_space<vmem_shared>> -> memref<10112x64xf32, #tpu.memory_space<vmem_shared>>
      tpu.wait_indirect_dma semaphore(%arg14 : memref<!tpu.dma_semaphore, #tpu.memory_space<semaphore_mem>>) src(%dma_wait3A_121 : memref<10112x64xf32, #tpu.memory_space<vmem_shared>>) dst(%arg10 : memref<128x64xf32, #tpu.memory_space<vmem>>)
      %add3A_122 = arith.constant 1 : i32
      %add3A_123 = arith.addi %mul3A_88, %add3A_122 : i32
      "tpu.region"() ({
        %run_scoped3A = tpu.sem_alloc : memref<!tpu.dma_semaphore, #tpu.memory_space<semaphore_mem>>
        %dma_start3A_124 = arith.constant 0 : i32
        %dma_start3A_125 = tpu.memref_slice %arg8[%add3A_123, %dma_start3A_124] : memref<40x128xi32, #tpu.memory_space<vmem>> -> memref<1x128xi32, #tpu.memory_space<vmem>>
        %dma_start3A_126 = tpu.memref_squeeze %dma_start3A_125 : memref<1x128xi32, #tpu.memory_space<vmem>> -> memref<128xi32, #tpu.memory_space<vmem>>
        %dma_start3A_127 = arith.constant 0 : i32
        %dma_start3A_128 = arith.constant 0 : i32
        %dma_start3A_129 = tpu.memref_slice %arg12[%dma_start3A_127, %dma_start3A_128] : memref<10112x64xf32, #tpu.memory_space<vmem_shared>> -> memref<10112x64xf32, #tpu.memory_space<vmem_shared>>
        tpu.enqueue_indirect_dma source(%arg10 : memref<128x64xf32, #tpu.memory_space<vmem>>) target(%dma_start3A_129 : memref<10112x64xf32, #tpu.memory_space<vmem_shared>>) offsets(%dma_start3A_126 : memref<128xi32, #tpu.memory_space<vmem>>) semaphore(%run_scoped3A : memref<!tpu.dma_semaphore, #tpu.memory_space<semaphore_mem>>) {add = true}
        %dma_wait3A_130 = arith.constant 0 : i32
        %dma_wait3A_131 = tpu.memref_slice %arg8[%add3A_123, %dma_wait3A_130] : memref<40x128xi32, #tpu.memory_space<vmem>> -> memref<1x128xi32, #tpu.memory_space<vmem>>
        %dma_wait3A_132 = tpu.memref_squeeze %dma_wait3A_131 : memref<1x128xi32, #tpu.memory_space<vmem>> -> memref<128xi32, #tpu.memory_space<vmem>>
        %dma_wait3A_133 = arith.constant 0 : i32
        %dma_wait3A_134 = arith.constant 0 : i32
        %dma_wait3A_135 = tpu.memref_slice %arg12[%dma_wait3A_133, %dma_wait3A_134] : memref<10112x64xf32, #tpu.memory_space<vmem_shared>> -> memref<10112x64xf32, #tpu.memory_space<vmem_shared>>
        tpu.wait_indirect_dma semaphore(%run_scoped3A : memref<!tpu.dma_semaphore, #tpu.memory_space<semaphore_mem>>) src(%arg10 : memref<128x64xf32, #tpu.memory_space<vmem>>) dst(%dma_wait3A_135 : memref<10112x64xf32, #tpu.memory_space<vmem_shared>>)
        tpu.yield
      }) : () -> ()
    }
    %scan3A_12 = arith.constant 20 : i32
    %dma_wait3A = arith.constant 0 : i32
    %dma_wait3A_13 = arith.constant 0 : i32
    %dma_wait3A_14 = tpu.memref_slice %arg7[%dma_wait3A, %dma_wait3A_13] : memref<40x128xi32, #tpu.memory_space<vmem>> -> memref<1x128xi32, #tpu.memory_space<vmem>>
    %dma_wait3A_15 = tpu.memref_squeeze %dma_wait3A_14 : memref<1x128xi32, #tpu.memory_space<vmem>> -> memref<128xi32, #tpu.memory_space<vmem>>
    %dma_wait3A_16 = arith.constant 0 : i32
    %dma_wait3A_17 = arith.constant 0 : i32
    %dma_wait3A_18 = tpu.memref_slice %arg11[%dma_wait3A_16, %dma_wait3A_17] : memref<10112x64xf32, #tpu.memory_space<vmem_shared>> -> memref<10112x64xf32, #tpu.memory_space<vmem_shared>>
    tpu.wait_indirect_dma semaphore(%arg13 : memref<!tpu.dma_semaphore, #tpu.memory_space<semaphore_mem>>) src(%dma_wait3A_18 : memref<10112x64xf32, #tpu.memory_space<vmem_shared>>) dst(%arg9 : memref<128x64xf32, #tpu.memory_space<vmem>>)
    "tpu.region"() ({
      %run_scoped3A = tpu.sem_alloc : memref<!tpu.dma_semaphore, #tpu.memory_space<semaphore_mem>>
      %dma_start3A_86 = arith.constant 40 : i32
      %dma_start3A_87 = arith.constant 0 : i32
      %dma_start3A_88 = tpu.memref_slice %arg3[%arg1, %dma_start3A_86, %dma_start3A_87] : memref<16x160x128xi32, #tpu.memory_space<hbm>> -> memref<1x40x128xi32, #tpu.memory_space<hbm>>
      %dma_start3A_89 = tpu.memref_squeeze %dma_start3A_88 : memref<1x40x128xi32, #tpu.memory_space<hbm>> -> memref<40x128xi32, #tpu.memory_space<hbm>>
      %dma_start3A_90 = arith.constant 40 : i32
      %dma_start3A_91 = arith.constant 0 : i32
      %dma_start3A_92 = tpu.memref_slice %arg3[%arg1, %dma_start3A_90, %dma_start3A_91] : memref<16x160x128xi32, #tpu.memory_space<hbm>> -> memref<1x40x128xi32, #tpu.memory_space<hbm>>
      %dma_start3A_93 = tpu.memref_squeeze %dma_start3A_92 : memref<1x40x128xi32, #tpu.memory_space<hbm>> -> memref<40x128xi32, #tpu.memory_space<hbm>>
      tpu.enqueue_dma source(%dma_start3A_93 : memref<40x128xi32, #tpu.memory_space<hbm>>) target(%arg7 : memref<40x128xi32, #tpu.memory_space<vmem>>) target_semaphore(%run_scoped3A : memref<!tpu.dma_semaphore, #tpu.memory_space<semaphore_mem>>)
      %dma_wait3A_94 = arith.constant 40 : i32
      %dma_wait3A_95 = arith.constant 0 : i32
      %dma_wait3A_96 = tpu.memref_slice %arg3[%arg1, %dma_wait3A_94, %dma_wait3A_95] : memref<16x160x128xi32, #tpu.memory_space<hbm>> -> memref<1x40x128xi32, #tpu.memory_space<hbm>>
      %dma_wait3A_97 = tpu.memref_squeeze %dma_wait3A_96 : memref<1x40x128xi32, #tpu.memory_space<hbm>> -> memref<40x128xi32, #tpu.memory_space<hbm>>
      %dma_wait3A_98 = arith.constant 40 : i32
      %dma_wait3A_99 = arith.constant 0 : i32
      %dma_wait3A_100 = tpu.memref_slice %arg3[%arg1, %dma_wait3A_98, %dma_wait3A_99] : memref<16x160x128xi32, #tpu.memory_space<hbm>> -> memref<1x40x128xi32, #tpu.memory_space<hbm>>
      %dma_wait3A_101 = tpu.memref_squeeze %dma_wait3A_100 : memref<1x40x128xi32, #tpu.memory_space<hbm>> -> memref<40x128xi32, #tpu.memory_space<hbm>>
      tpu.wait_dma2 semaphore(%run_scoped3A : memref<!tpu.dma_semaphore, #tpu.memory_space<semaphore_mem>>) src(%dma_wait3A_101 : memref<40x128xi32, #tpu.memory_space<hbm>>) dst(%arg7 : memref<40x128xi32, #tpu.memory_space<vmem>>)
      tpu.yield
    }) : () -> ()
    "tpu.region"() ({
      %run_scoped3A = tpu.sem_alloc : memref<!tpu.dma_semaphore, #tpu.memory_space<semaphore_mem>>
      %dma_start3A_86 = arith.constant 40 : i32
      %dma_start3A_87 = arith.constant 0 : i32
      %dma_start3A_88 = tpu.memref_slice %arg4[%arg1, %dma_start3A_86, %dma_start3A_87] : memref<16x160x128xi32, #tpu.memory_space<hbm>> -> memref<1x40x128xi32, #tpu.memory_space<hbm>>
      %dma_start3A_89 = tpu.memref_squeeze %dma_start3A_88 : memref<1x40x128xi32, #tpu.memory_space<hbm>> -> memref<40x128xi32, #tpu.memory_space<hbm>>
      %dma_start3A_90 = arith.constant 40 : i32
      %dma_start3A_91 = arith.constant 0 : i32
      %dma_start3A_92 = tpu.memref_slice %arg4[%arg1, %dma_start3A_90, %dma_start3A_91] : memref<16x160x128xi32, #tpu.memory_space<hbm>> -> memref<1x40x128xi32, #tpu.memory_space<hbm>>
      %dma_start3A_93 = tpu.memref_squeeze %dma_start3A_92 : memref<1x40x128xi32, #tpu.memory_space<hbm>> -> memref<40x128xi32, #tpu.memory_space<hbm>>
      tpu.enqueue_dma source(%dma_start3A_93 : memref<40x128xi32, #tpu.memory_space<hbm>>) target(%arg8 : memref<40x128xi32, #tpu.memory_space<vmem>>) target_semaphore(%run_scoped3A : memref<!tpu.dma_semaphore, #tpu.memory_space<semaphore_mem>>)
      %dma_wait3A_94 = arith.constant 40 : i32
      %dma_wait3A_95 = arith.constant 0 : i32
      %dma_wait3A_96 = tpu.memref_slice %arg4[%arg1, %dma_wait3A_94, %dma_wait3A_95] : memref<16x160x128xi32, #tpu.memory_space<hbm>> -> memref<1x40x128xi32, #tpu.memory_space<hbm>>
      %dma_wait3A_97 = tpu.memref_squeeze %dma_wait3A_96 : memref<1x40x128xi32, #tpu.memory_space<hbm>> -> memref<40x128xi32, #tpu.memory_space<hbm>>
      %dma_wait3A_98 = arith.constant 40 : i32
      %dma_wait3A_99 = arith.constant 0 : i32
      %dma_wait3A_100 = tpu.memref_slice %arg4[%arg1, %dma_wait3A_98, %dma_wait3A_99] : memref<16x160x128xi32, #tpu.memory_space<hbm>> -> memref<1x40x128xi32, #tpu.memory_space<hbm>>
      %dma_wait3A_101 = tpu.memref_squeeze %dma_wait3A_100 : memref<1x40x128xi32, #tpu.memory_space<hbm>> -> memref<40x128xi32, #tpu.memory_space<hbm>>
      tpu.wait_dma2 semaphore(%run_scoped3A : memref<!tpu.dma_semaphore, #tpu.memory_space<semaphore_mem>>) src(%dma_wait3A_101 : memref<40x128xi32, #tpu.memory_space<hbm>>) dst(%arg8 : memref<40x128xi32, #tpu.memory_space<vmem>>)
      tpu.yield
    }) : () -> ()
    %min3A_19 = arith.constant 0 : i32
    %min3A_20 = arith.constant 39 : i32
    %min3A_21 = arith.minsi %min3A_19, %min3A_20 : i32
    %dma_start3A_22 = arith.constant 0 : i32
    %dma_start3A_23 = tpu.memref_slice %arg7[%min3A_21, %dma_start3A_22] : memref<40x128xi32, #tpu.memory_space<vmem>> -> memref<1x128xi32, #tpu.memory_space<vmem>>
    %dma_start3A_24 = tpu.memref_squeeze %dma_start3A_23 : memref<1x128xi32, #tpu.memory_space<vmem>> -> memref<128xi32, #tpu.memory_space<vmem>>
    %dma_start3A_25 = arith.constant 0 : i32
    %dma_start3A_26 = arith.constant 0 : i32
    %dma_start3A_27 = tpu.memref_slice %arg11[%dma_start3A_25, %dma_start3A_26] : memref<10112x64xf32, #tpu.memory_space<vmem_shared>> -> memref<10112x64xf32, #tpu.memory_space<vmem_shared>>
    tpu.enqueue_indirect_dma source(%dma_start3A_27 : memref<10112x64xf32, #tpu.memory_space<vmem_shared>>) target(%arg9 : memref<128x64xf32, #tpu.memory_space<vmem>>) offsets(%dma_start3A_24 : memref<128xi32, #tpu.memory_space<vmem>>) semaphore(%arg13 : memref<!tpu.dma_semaphore, #tpu.memory_space<semaphore_mem>>)
    %scan3A_28 = arith.constant 0 : i32
    %scan3A_29 = arith.constant 0 : i32
    %scan3A_30 = arith.constant 20 : i32
    %scan3A_31 = arith.addi %scan3A_29, %scan3A_30 : i32
    %scan3A_32 = arith.constant 1 : i32
    scf.for %scan3A_86 = %scan3A_29 to %scan3A_31 step %scan3A_32  : i32 {
      %mul3A_87 = arith.constant 2 : i32
      %mul3A_88 = arith.muli %scan3A_86, %mul3A_87 : i32
      %add3A = arith.constant 1 : i32
      %add3A_89 = arith.addi %mul3A_88, %add3A : i32
      %min3A_90 = arith.constant 39 : i32
      %min3A_91 = arith.minsi %add3A_89, %min3A_90 : i32
      %dma_start3A_92 = arith.constant 0 : i32
      %dma_start3A_93 = tpu.memref_slice %arg7[%min3A_91, %dma_start3A_92] : memref<40x128xi32, #tpu.memory_space<vmem>> -> memref<1x128xi32, #tpu.memory_space<vmem>>
      %dma_start3A_94 = tpu.memref_squeeze %dma_start3A_93 : memref<1x128xi32, #tpu.memory_space<vmem>> -> memref<128xi32, #tpu.memory_space<vmem>>
      %dma_start3A_95 = arith.constant 0 : i32
      %dma_start3A_96 = arith.constant 0 : i32
      %dma_start3A_97 = tpu.memref_slice %arg11[%dma_start3A_95, %dma_start3A_96] : memref<10112x64xf32, #tpu.memory_space<vmem_shared>> -> memref<10112x64xf32, #tpu.memory_space<vmem_shared>>
      tpu.enqueue_indirect_dma source(%dma_start3A_97 : memref<10112x64xf32, #tpu.memory_space<vmem_shared>>) target(%arg10 : memref<128x64xf32, #tpu.memory_space<vmem>>) offsets(%dma_start3A_94 : memref<128xi32, #tpu.memory_space<vmem>>) semaphore(%arg14 : memref<!tpu.dma_semaphore, #tpu.memory_space<semaphore_mem>>)
      %dma_wait3A_98 = arith.constant 0 : i32
      %dma_wait3A_99 = arith.constant 0 : i32
      %dma_wait3A_100 = tpu.memref_slice %arg7[%dma_wait3A_98, %dma_wait3A_99] : memref<40x128xi32, #tpu.memory_space<vmem>> -> memref<1x128xi32, #tpu.memory_space<vmem>>
      %dma_wait3A_101 = tpu.memref_squeeze %dma_wait3A_100 : memref<1x128xi32, #tpu.memory_space<vmem>> -> memref<128xi32, #tpu.memory_space<vmem>>
      %dma_wait3A_102 = arith.constant 0 : i32
      %dma_wait3A_103 = arith.constant 0 : i32
      %dma_wait3A_104 = tpu.memref_slice %arg11[%dma_wait3A_102, %dma_wait3A_103] : memref<10112x64xf32, #tpu.memory_space<vmem_shared>> -> memref<10112x64xf32, #tpu.memory_space<vmem_shared>>
      tpu.wait_indirect_dma semaphore(%arg13 : memref<!tpu.dma_semaphore, #tpu.memory_space<semaphore_mem>>) src(%dma_wait3A_104 : memref<10112x64xf32, #tpu.memory_space<vmem_shared>>) dst(%arg9 : memref<128x64xf32, #tpu.memory_space<vmem>>)
      "tpu.region"() ({
        %run_scoped3A = tpu.sem_alloc : memref<!tpu.dma_semaphore, #tpu.memory_space<semaphore_mem>>
        %dma_start3A_124 = arith.constant 0 : i32
        %dma_start3A_125 = tpu.memref_slice %arg8[%mul3A_88, %dma_start3A_124] : memref<40x128xi32, #tpu.memory_space<vmem>> -> memref<1x128xi32, #tpu.memory_space<vmem>>
        %dma_start3A_126 = tpu.memref_squeeze %dma_start3A_125 : memref<1x128xi32, #tpu.memory_space<vmem>> -> memref<128xi32, #tpu.memory_space<vmem>>
        %dma_start3A_127 = arith.constant 0 : i32
        %dma_start3A_128 = arith.constant 0 : i32
        %dma_start3A_129 = tpu.memref_slice %arg12[%dma_start3A_127, %dma_start3A_128] : memref<10112x64xf32, #tpu.memory_space<vmem_shared>> -> memref<10112x64xf32, #tpu.memory_space<vmem_shared>>
        tpu.enqueue_indirect_dma source(%arg9 : memref<128x64xf32, #tpu.memory_space<vmem>>) target(%dma_start3A_129 : memref<10112x64xf32, #tpu.memory_space<vmem_shared>>) offsets(%dma_start3A_126 : memref<128xi32, #tpu.memory_space<vmem>>) semaphore(%run_scoped3A : memref<!tpu.dma_semaphore, #tpu.memory_space<semaphore_mem>>) {add = true}
        %dma_wait3A_130 = arith.constant 0 : i32
        %dma_wait3A_131 = tpu.memref_slice %arg8[%mul3A_88, %dma_wait3A_130] : memref<40x128xi32, #tpu.memory_space<vmem>> -> memref<1x128xi32, #tpu.memory_space<vmem>>
        %dma_wait3A_132 = tpu.memref_squeeze %dma_wait3A_131 : memref<1x128xi32, #tpu.memory_space<vmem>> -> memref<128xi32, #tpu.memory_space<vmem>>
        %dma_wait3A_133 = arith.constant 0 : i32
        %dma_wait3A_134 = arith.constant 0 : i32
        %dma_wait3A_135 = tpu.memref_slice %arg12[%dma_wait3A_133, %dma_wait3A_134] : memref<10112x64xf32, #tpu.memory_space<vmem_shared>> -> memref<10112x64xf32, #tpu.memory_space<vmem_shared>>
        tpu.wait_indirect_dma semaphore(%run_scoped3A : memref<!tpu.dma_semaphore, #tpu.memory_space<semaphore_mem>>) src(%arg9 : memref<128x64xf32, #tpu.memory_space<vmem>>) dst(%dma_wait3A_135 : memref<10112x64xf32, #tpu.memory_space<vmem_shared>>)
        tpu.yield
      }) : () -> ()
      %add3A_105 = arith.constant 2 : i32
      %add3A_106 = arith.addi %mul3A_88, %add3A_105 : i32
      %min3A_107 = arith.constant 39 : i32
      %min3A_108 = arith.minsi %add3A_106, %min3A_107 : i32
      %dma_start3A_109 = arith.constant 0 : i32
      %dma_start3A_110 = tpu.memref_slice %arg7[%min3A_108, %dma_start3A_109] : memref<40x128xi32, #tpu.memory_space<vmem>> -> memref<1x128xi32, #tpu.memory_space<vmem>>
      %dma_start3A_111 = tpu.memref_squeeze %dma_start3A_110 : memref<1x128xi32, #tpu.memory_space<vmem>> -> memref<128xi32, #tpu.memory_space<vmem>>
      %dma_start3A_112 = arith.constant 0 : i32
      %dma_start3A_113 = arith.constant 0 : i32
      %dma_start3A_114 = tpu.memref_slice %arg11[%dma_start3A_112, %dma_start3A_113] : memref<10112x64xf32, #tpu.memory_space<vmem_shared>> -> memref<10112x64xf32, #tpu.memory_space<vmem_shared>>
      tpu.enqueue_indirect_dma source(%dma_start3A_114 : memref<10112x64xf32, #tpu.memory_space<vmem_shared>>) target(%arg9 : memref<128x64xf32, #tpu.memory_space<vmem>>) offsets(%dma_start3A_111 : memref<128xi32, #tpu.memory_space<vmem>>) semaphore(%arg13 : memref<!tpu.dma_semaphore, #tpu.memory_space<semaphore_mem>>)
      %dma_wait3A_115 = arith.constant 0 : i32
      %dma_wait3A_116 = arith.constant 0 : i32
      %dma_wait3A_117 = tpu.memref_slice %arg7[%dma_wait3A_115, %dma_wait3A_116] : memref<40x128xi32, #tpu.memory_space<vmem>> -> memref<1x128xi32, #tpu.memory_space<vmem>>
      %dma_wait3A_118 = tpu.memref_squeeze %dma_wait3A_117 : memref<1x128xi32, #tpu.memory_space<vmem>> -> memref<128xi32, #tpu.memory_space<vmem>>
      %dma_wait3A_119 = arith.constant 0 : i32
      %dma_wait3A_120 = arith.constant 0 : i32
      %dma_wait3A_121 = tpu.memref_slice %arg11[%dma_wait3A_119, %dma_wait3A_120] : memref<10112x64xf32, #tpu.memory_space<vmem_shared>> -> memref<10112x64xf32, #tpu.memory_space<vmem_shared>>
      tpu.wait_indirect_dma semaphore(%arg14 : memref<!tpu.dma_semaphore, #tpu.memory_space<semaphore_mem>>) src(%dma_wait3A_121 : memref<10112x64xf32, #tpu.memory_space<vmem_shared>>) dst(%arg10 : memref<128x64xf32, #tpu.memory_space<vmem>>)
      %add3A_122 = arith.constant 1 : i32
      %add3A_123 = arith.addi %mul3A_88, %add3A_122 : i32
      "tpu.region"() ({
        %run_scoped3A = tpu.sem_alloc : memref<!tpu.dma_semaphore, #tpu.memory_space<semaphore_mem>>
        %dma_start3A_124 = arith.constant 0 : i32
        %dma_start3A_125 = tpu.memref_slice %arg8[%add3A_123, %dma_start3A_124] : memref<40x128xi32, #tpu.memory_space<vmem>> -> memref<1x128xi32, #tpu.memory_space<vmem>>
        %dma_start3A_126 = tpu.memref_squeeze %dma_start3A_125 : memref<1x128xi32, #tpu.memory_space<vmem>> -> memref<128xi32, #tpu.memory_space<vmem>>
        %dma_start3A_127 = arith.constant 0 : i32
        %dma_start3A_128 = arith.constant 0 : i32
        %dma_start3A_129 = tpu.memref_slice %arg12[%dma_start3A_127, %dma_start3A_128] : memref<10112x64xf32, #tpu.memory_space<vmem_shared>> -> memref<10112x64xf32, #tpu.memory_space<vmem_shared>>
        tpu.enqueue_indirect_dma source(%arg10 : memref<128x64xf32, #tpu.memory_space<vmem>>) target(%dma_start3A_129 : memref<10112x64xf32, #tpu.memory_space<vmem_shared>>) offsets(%dma_start3A_126 : memref<128xi32, #tpu.memory_space<vmem>>) semaphore(%run_scoped3A : memref<!tpu.dma_semaphore, #tpu.memory_space<semaphore_mem>>) {add = true}
        %dma_wait3A_130 = arith.constant 0 : i32
        %dma_wait3A_131 = tpu.memref_slice %arg8[%add3A_123, %dma_wait3A_130] : memref<40x128xi32, #tpu.memory_space<vmem>> -> memref<1x128xi32, #tpu.memory_space<vmem>>
        %dma_wait3A_132 = tpu.memref_squeeze %dma_wait3A_131 : memref<1x128xi32, #tpu.memory_space<vmem>> -> memref<128xi32, #tpu.memory_space<vmem>>
        %dma_wait3A_133 = arith.constant 0 : i32
        %dma_wait3A_134 = arith.constant 0 : i32
        %dma_wait3A_135 = tpu.memref_slice %arg12[%dma_wait3A_133, %dma_wait3A_134] : memref<10112x64xf32, #tpu.memory_space<vmem_shared>> -> memref<10112x64xf32, #tpu.memory_space<vmem_shared>>
        tpu.wait_indirect_dma semaphore(%run_scoped3A : memref<!tpu.dma_semaphore, #tpu.memory_space<semaphore_mem>>) src(%arg10 : memref<128x64xf32, #tpu.memory_space<vmem>>) dst(%dma_wait3A_135 : memref<10112x64xf32, #tpu.memory_space<vmem_shared>>)
        tpu.yield
      }) : () -> ()
    }
    %scan3A_33 = arith.constant 20 : i32
    %dma_wait3A_34 = arith.constant 0 : i32
    %dma_wait3A_35 = arith.constant 0 : i32
    %dma_wait3A_36 = tpu.memref_slice %arg7[%dma_wait3A_34, %dma_wait3A_35] : memref<40x128xi32, #tpu.memory_space<vmem>> -> memref<1x128xi32, #tpu.memory_space<vmem>>
    %dma_wait3A_37 = tpu.memref_squeeze %dma_wait3A_36 : memref<1x128xi32, #tpu.memory_space<vmem>> -> memref<128xi32, #tpu.memory_space<vmem>>
    %dma_wait3A_38 = arith.constant 0 : i32
    %dma_wait3A_39 = arith.constant 0 : i32
    %dma_wait3A_40 = tpu.memref_slice %arg11[%dma_wait3A_38, %dma_wait3A_39] : memref<10112x64xf32, #tpu.memory_space<vmem_shared>> -> memref<10112x64xf32, #tpu.memory_space<vmem_shared>>
    tpu.wait_indirect_dma semaphore(%arg13 : memref<!tpu.dma_semaphore, #tpu.memory_space<semaphore_mem>>) src(%dma_wait3A_40 : memref<10112x64xf32, #tpu.memory_space<vmem_shared>>) dst(%arg9 : memref<128x64xf32, #tpu.memory_space<vmem>>)
    "tpu.region"() ({
      %run_scoped3A = tpu.sem_alloc : memref<!tpu.dma_semaphore, #tpu.memory_space<semaphore_mem>>
      %dma_start3A_86 = arith.constant 80 : i32
      %dma_start3A_87 = arith.constant 0 : i32
      %dma_start3A_88 = tpu.memref_slice %arg3[%arg1, %dma_start3A_86, %dma_start3A_87] : memref<16x160x128xi32, #tpu.memory_space<hbm>> -> memref<1x40x128xi32, #tpu.memory_space<hbm>>
      %dma_start3A_89 = tpu.memref_squeeze %dma_start3A_88 : memref<1x40x128xi32, #tpu.memory_space<hbm>> -> memref<40x128xi32, #tpu.memory_space<hbm>>
      %dma_start3A_90 = arith.constant 80 : i32
      %dma_start3A_91 = arith.constant 0 : i32
      %dma_start3A_92 = tpu.memref_slice %arg3[%arg1, %dma_start3A_90, %dma_start3A_91] : memref<16x160x128xi32, #tpu.memory_space<hbm>> -> memref<1x40x128xi32, #tpu.memory_space<hbm>>
      %dma_start3A_93 = tpu.memref_squeeze %dma_start3A_92 : memref<1x40x128xi32, #tpu.memory_space<hbm>> -> memref<40x128xi32, #tpu.memory_space<hbm>>
      tpu.enqueue_dma source(%dma_start3A_93 : memref<40x128xi32, #tpu.memory_space<hbm>>) target(%arg7 : memref<40x128xi32, #tpu.memory_space<vmem>>) target_semaphore(%run_scoped3A : memref<!tpu.dma_semaphore, #tpu.memory_space<semaphore_mem>>)
      %dma_wait3A_94 = arith.constant 80 : i32
      %dma_wait3A_95 = arith.constant 0 : i32
      %dma_wait3A_96 = tpu.memref_slice %arg3[%arg1, %dma_wait3A_94, %dma_wait3A_95] : memref<16x160x128xi32, #tpu.memory_space<hbm>> -> memref<1x40x128xi32, #tpu.memory_space<hbm>>
      %dma_wait3A_97 = tpu.memref_squeeze %dma_wait3A_96 : memref<1x40x128xi32, #tpu.memory_space<hbm>> -> memref<40x128xi32, #tpu.memory_space<hbm>>
      %dma_wait3A_98 = arith.constant 80 : i32
      %dma_wait3A_99 = arith.constant 0 : i32
      %dma_wait3A_100 = tpu.memref_slice %arg3[%arg1, %dma_wait3A_98, %dma_wait3A_99] : memref<16x160x128xi32, #tpu.memory_space<hbm>> -> memref<1x40x128xi32, #tpu.memory_space<hbm>>
      %dma_wait3A_101 = tpu.memref_squeeze %dma_wait3A_100 : memref<1x40x128xi32, #tpu.memory_space<hbm>> -> memref<40x128xi32, #tpu.memory_space<hbm>>
      tpu.wait_dma2 semaphore(%run_scoped3A : memref<!tpu.dma_semaphore, #tpu.memory_space<semaphore_mem>>) src(%dma_wait3A_101 : memref<40x128xi32, #tpu.memory_space<hbm>>) dst(%arg7 : memref<40x128xi32, #tpu.memory_space<vmem>>)
      tpu.yield
    }) : () -> ()
    "tpu.region"() ({
      %run_scoped3A = tpu.sem_alloc : memref<!tpu.dma_semaphore, #tpu.memory_space<semaphore_mem>>
      %dma_start3A_86 = arith.constant 80 : i32
      %dma_start3A_87 = arith.constant 0 : i32
      %dma_start3A_88 = tpu.memref_slice %arg4[%arg1, %dma_start3A_86, %dma_start3A_87] : memref<16x160x128xi32, #tpu.memory_space<hbm>> -> memref<1x40x128xi32, #tpu.memory_space<hbm>>
      %dma_start3A_89 = tpu.memref_squeeze %dma_start3A_88 : memref<1x40x128xi32, #tpu.memory_space<hbm>> -> memref<40x128xi32, #tpu.memory_space<hbm>>
      %dma_start3A_90 = arith.constant 80 : i32
      %dma_start3A_91 = arith.constant 0 : i32
      %dma_start3A_92 = tpu.memref_slice %arg4[%arg1, %dma_start3A_90, %dma_start3A_91] : memref<16x160x128xi32, #tpu.memory_space<hbm>> -> memref<1x40x128xi32, #tpu.memory_space<hbm>>
      %dma_start3A_93 = tpu.memref_squeeze %dma_start3A_92 : memref<1x40x128xi32, #tpu.memory_space<hbm>> -> memref<40x128xi32, #tpu.memory_space<hbm>>
      tpu.enqueue_dma source(%dma_start3A_93 : memref<40x128xi32, #tpu.memory_space<hbm>>) target(%arg8 : memref<40x128xi32, #tpu.memory_space<vmem>>) target_semaphore(%run_scoped3A : memref<!tpu.dma_semaphore, #tpu.memory_space<semaphore_mem>>)
      %dma_wait3A_94 = arith.constant 80 : i32
      %dma_wait3A_95 = arith.constant 0 : i32
      %dma_wait3A_96 = tpu.memref_slice %arg4[%arg1, %dma_wait3A_94, %dma_wait3A_95] : memref<16x160x128xi32, #tpu.memory_space<hbm>> -> memref<1x40x128xi32, #tpu.memory_space<hbm>>
      %dma_wait3A_97 = tpu.memref_squeeze %dma_wait3A_96 : memref<1x40x128xi32, #tpu.memory_space<hbm>> -> memref<40x128xi32, #tpu.memory_space<hbm>>
      %dma_wait3A_98 = arith.constant 80 : i32
      %dma_wait3A_99 = arith.constant 0 : i32
      %dma_wait3A_100 = tpu.memref_slice %arg4[%arg1, %dma_wait3A_98, %dma_wait3A_99] : memref<16x160x128xi32, #tpu.memory_space<hbm>> -> memref<1x40x128xi32, #tpu.memory_space<hbm>>
      %dma_wait3A_101 = tpu.memref_squeeze %dma_wait3A_100 : memref<1x40x128xi32, #tpu.memory_space<hbm>> -> memref<40x128xi32, #tpu.memory_space<hbm>>
      tpu.wait_dma2 semaphore(%run_scoped3A : memref<!tpu.dma_semaphore, #tpu.memory_space<semaphore_mem>>) src(%dma_wait3A_101 : memref<40x128xi32, #tpu.memory_space<hbm>>) dst(%arg8 : memref<40x128xi32, #tpu.memory_space<vmem>>)
      tpu.yield
    }) : () -> ()
    %min3A_41 = arith.constant 0 : i32
    %min3A_42 = arith.constant 39 : i32
    %min3A_43 = arith.minsi %min3A_41, %min3A_42 : i32
    %dma_start3A_44 = arith.constant 0 : i32
    %dma_start3A_45 = tpu.memref_slice %arg7[%min3A_43, %dma_start3A_44] : memref<40x128xi32, #tpu.memory_space<vmem>> -> memref<1x128xi32, #tpu.memory_space<vmem>>
    %dma_start3A_46 = tpu.memref_squeeze %dma_start3A_45 : memref<1x128xi32, #tpu.memory_space<vmem>> -> memref<128xi32, #tpu.memory_space<vmem>>
    %dma_start3A_47 = arith.constant 0 : i32
    %dma_start3A_48 = arith.constant 0 : i32
    %dma_start3A_49 = tpu.memref_slice %arg11[%dma_start3A_47, %dma_start3A_48] : memref<10112x64xf32, #tpu.memory_space<vmem_shared>> -> memref<10112x64xf32, #tpu.memory_space<vmem_shared>>
    tpu.enqueue_indirect_dma source(%dma_start3A_49 : memref<10112x64xf32, #tpu.memory_space<vmem_shared>>) target(%arg9 : memref<128x64xf32, #tpu.memory_space<vmem>>) offsets(%dma_start3A_46 : memref<128xi32, #tpu.memory_space<vmem>>) semaphore(%arg13 : memref<!tpu.dma_semaphore, #tpu.memory_space<semaphore_mem>>)
    %scan3A_50 = arith.constant 0 : i32
    %scan3A_51 = arith.constant 0 : i32
    %scan3A_52 = arith.constant 20 : i32
    %scan3A_53 = arith.addi %scan3A_51, %scan3A_52 : i32
    %scan3A_54 = arith.constant 1 : i32
    scf.for %scan3A_86 = %scan3A_51 to %scan3A_53 step %scan3A_54  : i32 {
      %mul3A_87 = arith.constant 2 : i32
      %mul3A_88 = arith.muli %scan3A_86, %mul3A_87 : i32
      %add3A = arith.constant 1 : i32
      %add3A_89 = arith.addi %mul3A_88, %add3A : i32
      %min3A_90 = arith.constant 39 : i32
      %min3A_91 = arith.minsi %add3A_89, %min3A_90 : i32
      %dma_start3A_92 = arith.constant 0 : i32
      %dma_start3A_93 = tpu.memref_slice %arg7[%min3A_91, %dma_start3A_92] : memref<40x128xi32, #tpu.memory_space<vmem>> -> memref<1x128xi32, #tpu.memory_space<vmem>>
      %dma_start3A_94 = tpu.memref_squeeze %dma_start3A_93 : memref<1x128xi32, #tpu.memory_space<vmem>> -> memref<128xi32, #tpu.memory_space<vmem>>
      %dma_start3A_95 = arith.constant 0 : i32
      %dma_start3A_96 = arith.constant 0 : i32
      %dma_start3A_97 = tpu.memref_slice %arg11[%dma_start3A_95, %dma_start3A_96] : memref<10112x64xf32, #tpu.memory_space<vmem_shared>> -> memref<10112x64xf32, #tpu.memory_space<vmem_shared>>
      tpu.enqueue_indirect_dma source(%dma_start3A_97 : memref<10112x64xf32, #tpu.memory_space<vmem_shared>>) target(%arg10 : memref<128x64xf32, #tpu.memory_space<vmem>>) offsets(%dma_start3A_94 : memref<128xi32, #tpu.memory_space<vmem>>) semaphore(%arg14 : memref<!tpu.dma_semaphore, #tpu.memory_space<semaphore_mem>>)
      %dma_wait3A_98 = arith.constant 0 : i32
      %dma_wait3A_99 = arith.constant 0 : i32
      %dma_wait3A_100 = tpu.memref_slice %arg7[%dma_wait3A_98, %dma_wait3A_99] : memref<40x128xi32, #tpu.memory_space<vmem>> -> memref<1x128xi32, #tpu.memory_space<vmem>>
      %dma_wait3A_101 = tpu.memref_squeeze %dma_wait3A_100 : memref<1x128xi32, #tpu.memory_space<vmem>> -> memref<128xi32, #tpu.memory_space<vmem>>
      %dma_wait3A_102 = arith.constant 0 : i32
      %dma_wait3A_103 = arith.constant 0 : i32
      %dma_wait3A_104 = tpu.memref_slice %arg11[%dma_wait3A_102, %dma_wait3A_103] : memref<10112x64xf32, #tpu.memory_space<vmem_shared>> -> memref<10112x64xf32, #tpu.memory_space<vmem_shared>>
      tpu.wait_indirect_dma semaphore(%arg13 : memref<!tpu.dma_semaphore, #tpu.memory_space<semaphore_mem>>) src(%dma_wait3A_104 : memref<10112x64xf32, #tpu.memory_space<vmem_shared>>) dst(%arg9 : memref<128x64xf32, #tpu.memory_space<vmem>>)
      "tpu.region"() ({
        %run_scoped3A = tpu.sem_alloc : memref<!tpu.dma_semaphore, #tpu.memory_space<semaphore_mem>>
        %dma_start3A_124 = arith.constant 0 : i32
        %dma_start3A_125 = tpu.memref_slice %arg8[%mul3A_88, %dma_start3A_124] : memref<40x128xi32, #tpu.memory_space<vmem>> -> memref<1x128xi32, #tpu.memory_space<vmem>>
        %dma_start3A_126 = tpu.memref_squeeze %dma_start3A_125 : memref<1x128xi32, #tpu.memory_space<vmem>> -> memref<128xi32, #tpu.memory_space<vmem>>
        %dma_start3A_127 = arith.constant 0 : i32
        %dma_start3A_128 = arith.constant 0 : i32
        %dma_start3A_129 = tpu.memref_slice %arg12[%dma_start3A_127, %dma_start3A_128] : memref<10112x64xf32, #tpu.memory_space<vmem_shared>> -> memref<10112x64xf32, #tpu.memory_space<vmem_shared>>
        tpu.enqueue_indirect_dma source(%arg9 : memref<128x64xf32, #tpu.memory_space<vmem>>) target(%dma_start3A_129 : memref<10112x64xf32, #tpu.memory_space<vmem_shared>>) offsets(%dma_start3A_126 : memref<128xi32, #tpu.memory_space<vmem>>) semaphore(%run_scoped3A : memref<!tpu.dma_semaphore, #tpu.memory_space<semaphore_mem>>) {add = true}
        %dma_wait3A_130 = arith.constant 0 : i32
        %dma_wait3A_131 = tpu.memref_slice %arg8[%mul3A_88, %dma_wait3A_130] : memref<40x128xi32, #tpu.memory_space<vmem>> -> memref<1x128xi32, #tpu.memory_space<vmem>>
        %dma_wait3A_132 = tpu.memref_squeeze %dma_wait3A_131 : memref<1x128xi32, #tpu.memory_space<vmem>> -> memref<128xi32, #tpu.memory_space<vmem>>
        %dma_wait3A_133 = arith.constant 0 : i32
        %dma_wait3A_134 = arith.constant 0 : i32
        %dma_wait3A_135 = tpu.memref_slice %arg12[%dma_wait3A_133, %dma_wait3A_134] : memref<10112x64xf32, #tpu.memory_space<vmem_shared>> -> memref<10112x64xf32, #tpu.memory_space<vmem_shared>>
        tpu.wait_indirect_dma semaphore(%run_scoped3A : memref<!tpu.dma_semaphore, #tpu.memory_space<semaphore_mem>>) src(%arg9 : memref<128x64xf32, #tpu.memory_space<vmem>>) dst(%dma_wait3A_135 : memref<10112x64xf32, #tpu.memory_space<vmem_shared>>)
        tpu.yield
      }) : () -> ()
      %add3A_105 = arith.constant 2 : i32
      %add3A_106 = arith.addi %mul3A_88, %add3A_105 : i32
      %min3A_107 = arith.constant 39 : i32
      %min3A_108 = arith.minsi %add3A_106, %min3A_107 : i32
      %dma_start3A_109 = arith.constant 0 : i32
      %dma_start3A_110 = tpu.memref_slice %arg7[%min3A_108, %dma_start3A_109] : memref<40x128xi32, #tpu.memory_space<vmem>> -> memref<1x128xi32, #tpu.memory_space<vmem>>
      %dma_start3A_111 = tpu.memref_squeeze %dma_start3A_110 : memref<1x128xi32, #tpu.memory_space<vmem>> -> memref<128xi32, #tpu.memory_space<vmem>>
      %dma_start3A_112 = arith.constant 0 : i32
      %dma_start3A_113 = arith.constant 0 : i32
      %dma_start3A_114 = tpu.memref_slice %arg11[%dma_start3A_112, %dma_start3A_113] : memref<10112x64xf32, #tpu.memory_space<vmem_shared>> -> memref<10112x64xf32, #tpu.memory_space<vmem_shared>>
      tpu.enqueue_indirect_dma source(%dma_start3A_114 : memref<10112x64xf32, #tpu.memory_space<vmem_shared>>) target(%arg9 : memref<128x64xf32, #tpu.memory_space<vmem>>) offsets(%dma_start3A_111 : memref<128xi32, #tpu.memory_space<vmem>>) semaphore(%arg13 : memref<!tpu.dma_semaphore, #tpu.memory_space<semaphore_mem>>)
      %dma_wait3A_115 = arith.constant 0 : i32
      %dma_wait3A_116 = arith.constant 0 : i32
      %dma_wait3A_117 = tpu.memref_slice %arg7[%dma_wait3A_115, %dma_wait3A_116] : memref<40x128xi32, #tpu.memory_space<vmem>> -> memref<1x128xi32, #tpu.memory_space<vmem>>
      %dma_wait3A_118 = tpu.memref_squeeze %dma_wait3A_117 : memref<1x128xi32, #tpu.memory_space<vmem>> -> memref<128xi32, #tpu.memory_space<vmem>>
      %dma_wait3A_119 = arith.constant 0 : i32
      %dma_wait3A_120 = arith.constant 0 : i32
      %dma_wait3A_121 = tpu.memref_slice %arg11[%dma_wait3A_119, %dma_wait3A_120] : memref<10112x64xf32, #tpu.memory_space<vmem_shared>> -> memref<10112x64xf32, #tpu.memory_space<vmem_shared>>
      tpu.wait_indirect_dma semaphore(%arg14 : memref<!tpu.dma_semaphore, #tpu.memory_space<semaphore_mem>>) src(%dma_wait3A_121 : memref<10112x64xf32, #tpu.memory_space<vmem_shared>>) dst(%arg10 : memref<128x64xf32, #tpu.memory_space<vmem>>)
      %add3A_122 = arith.constant 1 : i32
      %add3A_123 = arith.addi %mul3A_88, %add3A_122 : i32
      "tpu.region"() ({
        %run_scoped3A = tpu.sem_alloc : memref<!tpu.dma_semaphore, #tpu.memory_space<semaphore_mem>>
        %dma_start3A_124 = arith.constant 0 : i32
        %dma_start3A_125 = tpu.memref_slice %arg8[%add3A_123, %dma_start3A_124] : memref<40x128xi32, #tpu.memory_space<vmem>> -> memref<1x128xi32, #tpu.memory_space<vmem>>
        %dma_start3A_126 = tpu.memref_squeeze %dma_start3A_125 : memref<1x128xi32, #tpu.memory_space<vmem>> -> memref<128xi32, #tpu.memory_space<vmem>>
        %dma_start3A_127 = arith.constant 0 : i32
        %dma_start3A_128 = arith.constant 0 : i32
        %dma_start3A_129 = tpu.memref_slice %arg12[%dma_start3A_127, %dma_start3A_128] : memref<10112x64xf32, #tpu.memory_space<vmem_shared>> -> memref<10112x64xf32, #tpu.memory_space<vmem_shared>>
        tpu.enqueue_indirect_dma source(%arg10 : memref<128x64xf32, #tpu.memory_space<vmem>>) target(%dma_start3A_129 : memref<10112x64xf32, #tpu.memory_space<vmem_shared>>) offsets(%dma_start3A_126 : memref<128xi32, #tpu.memory_space<vmem>>) semaphore(%run_scoped3A : memref<!tpu.dma_semaphore, #tpu.memory_space<semaphore_mem>>) {add = true}
        %dma_wait3A_130 = arith.constant 0 : i32
        %dma_wait3A_131 = tpu.memref_slice %arg8[%add3A_123, %dma_wait3A_130] : memref<40x128xi32, #tpu.memory_space<vmem>> -> memref<1x128xi32, #tpu.memory_space<vmem>>
        %dma_wait3A_132 = tpu.memref_squeeze %dma_wait3A_131 : memref<1x128xi32, #tpu.memory_space<vmem>> -> memref<128xi32, #tpu.memory_space<vmem>>
        %dma_wait3A_133 = arith.constant 0 : i32
        %dma_wait3A_134 = arith.constant 0 : i32
        %dma_wait3A_135 = tpu.memref_slice %arg12[%dma_wait3A_133, %dma_wait3A_134] : memref<10112x64xf32, #tpu.memory_space<vmem_shared>> -> memref<10112x64xf32, #tpu.memory_space<vmem_shared>>
        tpu.wait_indirect_dma semaphore(%run_scoped3A : memref<!tpu.dma_semaphore, #tpu.memory_space<semaphore_mem>>) src(%arg10 : memref<128x64xf32, #tpu.memory_space<vmem>>) dst(%dma_wait3A_135 : memref<10112x64xf32, #tpu.memory_space<vmem_shared>>)
        tpu.yield
      }) : () -> ()
    }
    %scan3A_55 = arith.constant 20 : i32
    %dma_wait3A_56 = arith.constant 0 : i32
    %dma_wait3A_57 = arith.constant 0 : i32
    %dma_wait3A_58 = tpu.memref_slice %arg7[%dma_wait3A_56, %dma_wait3A_57] : memref<40x128xi32, #tpu.memory_space<vmem>> -> memref<1x128xi32, #tpu.memory_space<vmem>>
    %dma_wait3A_59 = tpu.memref_squeeze %dma_wait3A_58 : memref<1x128xi32, #tpu.memory_space<vmem>> -> memref<128xi32, #tpu.memory_space<vmem>>
    %dma_wait3A_60 = arith.constant 0 : i32
    %dma_wait3A_61 = arith.constant 0 : i32
    %dma_wait3A_62 = tpu.memref_slice %arg11[%dma_wait3A_60, %dma_wait3A_61] : memref<10112x64xf32, #tpu.memory_space<vmem_shared>> -> memref<10112x64xf32, #tpu.memory_space<vmem_shared>>
    tpu.wait_indirect_dma semaphore(%arg13 : memref<!tpu.dma_semaphore, #tpu.memory_space<semaphore_mem>>) src(%dma_wait3A_62 : memref<10112x64xf32, #tpu.memory_space<vmem_shared>>) dst(%arg9 : memref<128x64xf32, #tpu.memory_space<vmem>>)
    "tpu.region"() ({
      %run_scoped3A = tpu.sem_alloc : memref<!tpu.dma_semaphore, #tpu.memory_space<semaphore_mem>>
      %dma_start3A_86 = arith.constant 120 : i32
      %dma_start3A_87 = arith.constant 0 : i32
      %dma_start3A_88 = tpu.memref_slice %arg3[%arg1, %dma_start3A_86, %dma_start3A_87] : memref<16x160x128xi32, #tpu.memory_space<hbm>> -> memref<1x40x128xi32, #tpu.memory_space<hbm>>
      %dma_start3A_89 = tpu.memref_squeeze %dma_start3A_88 : memref<1x40x128xi32, #tpu.memory_space<hbm>> -> memref<40x128xi32, #tpu.memory_space<hbm>>
      %dma_start3A_90 = arith.constant 120 : i32
      %dma_start3A_91 = arith.constant 0 : i32
      %dma_start3A_92 = tpu.memref_slice %arg3[%arg1, %dma_start3A_90, %dma_start3A_91] : memref<16x160x128xi32, #tpu.memory_space<hbm>> -> memref<1x40x128xi32, #tpu.memory_space<hbm>>
      %dma_start3A_93 = tpu.memref_squeeze %dma_start3A_92 : memref<1x40x128xi32, #tpu.memory_space<hbm>> -> memref<40x128xi32, #tpu.memory_space<hbm>>
      tpu.enqueue_dma source(%dma_start3A_93 : memref<40x128xi32, #tpu.memory_space<hbm>>) target(%arg7 : memref<40x128xi32, #tpu.memory_space<vmem>>) target_semaphore(%run_scoped3A : memref<!tpu.dma_semaphore, #tpu.memory_space<semaphore_mem>>)
      %dma_wait3A_94 = arith.constant 120 : i32
      %dma_wait3A_95 = arith.constant 0 : i32
      %dma_wait3A_96 = tpu.memref_slice %arg3[%arg1, %dma_wait3A_94, %dma_wait3A_95] : memref<16x160x128xi32, #tpu.memory_space<hbm>> -> memref<1x40x128xi32, #tpu.memory_space<hbm>>
      %dma_wait3A_97 = tpu.memref_squeeze %dma_wait3A_96 : memref<1x40x128xi32, #tpu.memory_space<hbm>> -> memref<40x128xi32, #tpu.memory_space<hbm>>
      %dma_wait3A_98 = arith.constant 120 : i32
      %dma_wait3A_99 = arith.constant 0 : i32
      %dma_wait3A_100 = tpu.memref_slice %arg3[%arg1, %dma_wait3A_98, %dma_wait3A_99] : memref<16x160x128xi32, #tpu.memory_space<hbm>> -> memref<1x40x128xi32, #tpu.memory_space<hbm>>
      %dma_wait3A_101 = tpu.memref_squeeze %dma_wait3A_100 : memref<1x40x128xi32, #tpu.memory_space<hbm>> -> memref<40x128xi32, #tpu.memory_space<hbm>>
      tpu.wait_dma2 semaphore(%run_scoped3A : memref<!tpu.dma_semaphore, #tpu.memory_space<semaphore_mem>>) src(%dma_wait3A_101 : memref<40x128xi32, #tpu.memory_space<hbm>>) dst(%arg7 : memref<40x128xi32, #tpu.memory_space<vmem>>)
      tpu.yield
    }) : () -> ()
    "tpu.region"() ({
      %run_scoped3A = tpu.sem_alloc : memref<!tpu.dma_semaphore, #tpu.memory_space<semaphore_mem>>
      %dma_start3A_86 = arith.constant 120 : i32
      %dma_start3A_87 = arith.constant 0 : i32
      %dma_start3A_88 = tpu.memref_slice %arg4[%arg1, %dma_start3A_86, %dma_start3A_87] : memref<16x160x128xi32, #tpu.memory_space<hbm>> -> memref<1x40x128xi32, #tpu.memory_space<hbm>>
      %dma_start3A_89 = tpu.memref_squeeze %dma_start3A_88 : memref<1x40x128xi32, #tpu.memory_space<hbm>> -> memref<40x128xi32, #tpu.memory_space<hbm>>
      %dma_start3A_90 = arith.constant 120 : i32
      %dma_start3A_91 = arith.constant 0 : i32
      %dma_start3A_92 = tpu.memref_slice %arg4[%arg1, %dma_start3A_90, %dma_start3A_91] : memref<16x160x128xi32, #tpu.memory_space<hbm>> -> memref<1x40x128xi32, #tpu.memory_space<hbm>>
      %dma_start3A_93 = tpu.memref_squeeze %dma_start3A_92 : memref<1x40x128xi32, #tpu.memory_space<hbm>> -> memref<40x128xi32, #tpu.memory_space<hbm>>
      tpu.enqueue_dma source(%dma_start3A_93 : memref<40x128xi32, #tpu.memory_space<hbm>>) target(%arg8 : memref<40x128xi32, #tpu.memory_space<vmem>>) target_semaphore(%run_scoped3A : memref<!tpu.dma_semaphore, #tpu.memory_space<semaphore_mem>>)
      %dma_wait3A_94 = arith.constant 120 : i32
      %dma_wait3A_95 = arith.constant 0 : i32
      %dma_wait3A_96 = tpu.memref_slice %arg4[%arg1, %dma_wait3A_94, %dma_wait3A_95] : memref<16x160x128xi32, #tpu.memory_space<hbm>> -> memref<1x40x128xi32, #tpu.memory_space<hbm>>
      %dma_wait3A_97 = tpu.memref_squeeze %dma_wait3A_96 : memref<1x40x128xi32, #tpu.memory_space<hbm>> -> memref<40x128xi32, #tpu.memory_space<hbm>>
      %dma_wait3A_98 = arith.constant 120 : i32
      %dma_wait3A_99 = arith.constant 0 : i32
      %dma_wait3A_100 = tpu.memref_slice %arg4[%arg1, %dma_wait3A_98, %dma_wait3A_99] : memref<16x160x128xi32, #tpu.memory_space<hbm>> -> memref<1x40x128xi32, #tpu.memory_space<hbm>>
      %dma_wait3A_101 = tpu.memref_squeeze %dma_wait3A_100 : memref<1x40x128xi32, #tpu.memory_space<hbm>> -> memref<40x128xi32, #tpu.memory_space<hbm>>
      tpu.wait_dma2 semaphore(%run_scoped3A : memref<!tpu.dma_semaphore, #tpu.memory_space<semaphore_mem>>) src(%dma_wait3A_101 : memref<40x128xi32, #tpu.memory_space<hbm>>) dst(%arg8 : memref<40x128xi32, #tpu.memory_space<vmem>>)
      tpu.yield
    }) : () -> ()
    %min3A_63 = arith.constant 0 : i32
    %min3A_64 = arith.constant 39 : i32
    %min3A_65 = arith.minsi %min3A_63, %min3A_64 : i32
    %dma_start3A_66 = arith.constant 0 : i32
    %dma_start3A_67 = tpu.memref_slice %arg7[%min3A_65, %dma_start3A_66] : memref<40x128xi32, #tpu.memory_space<vmem>> -> memref<1x128xi32, #tpu.memory_space<vmem>>
    %dma_start3A_68 = tpu.memref_squeeze %dma_start3A_67 : memref<1x128xi32, #tpu.memory_space<vmem>> -> memref<128xi32, #tpu.memory_space<vmem>>
    %dma_start3A_69 = arith.constant 0 : i32
    %dma_start3A_70 = arith.constant 0 : i32
    %dma_start3A_71 = tpu.memref_slice %arg11[%dma_start3A_69, %dma_start3A_70] : memref<10112x64xf32, #tpu.memory_space<vmem_shared>> -> memref<10112x64xf32, #tpu.memory_space<vmem_shared>>
    tpu.enqueue_indirect_dma source(%dma_start3A_71 : memref<10112x64xf32, #tpu.memory_space<vmem_shared>>) target(%arg9 : memref<128x64xf32, #tpu.memory_space<vmem>>) offsets(%dma_start3A_68 : memref<128xi32, #tpu.memory_space<vmem>>) semaphore(%arg13 : memref<!tpu.dma_semaphore, #tpu.memory_space<semaphore_mem>>)
    %scan3A_72 = arith.constant 0 : i32
    %scan3A_73 = arith.constant 0 : i32
    %scan3A_74 = arith.constant 20 : i32
    %scan3A_75 = arith.addi %scan3A_73, %scan3A_74 : i32
    %scan3A_76 = arith.constant 1 : i32
    scf.for %scan3A_86 = %scan3A_73 to %scan3A_75 step %scan3A_76  : i32 {
      %mul3A_87 = arith.constant 2 : i32
      %mul3A_88 = arith.muli %scan3A_86, %mul3A_87 : i32
      %add3A = arith.constant 1 : i32
      %add3A_89 = arith.addi %mul3A_88, %add3A : i32
      %min3A_90 = arith.constant 39 : i32
      %min3A_91 = arith.minsi %add3A_89, %min3A_90 : i32
      %dma_start3A_92 = arith.constant 0 : i32
      %dma_start3A_93 = tpu.memref_slice %arg7[%min3A_91, %dma_start3A_92] : memref<40x128xi32, #tpu.memory_space<vmem>> -> memref<1x128xi32, #tpu.memory_space<vmem>>
      %dma_start3A_94 = tpu.memref_squeeze %dma_start3A_93 : memref<1x128xi32, #tpu.memory_space<vmem>> -> memref<128xi32, #tpu.memory_space<vmem>>
      %dma_start3A_95 = arith.constant 0 : i32
      %dma_start3A_96 = arith.constant 0 : i32
      %dma_start3A_97 = tpu.memref_slice %arg11[%dma_start3A_95, %dma_start3A_96] : memref<10112x64xf32, #tpu.memory_space<vmem_shared>> -> memref<10112x64xf32, #tpu.memory_space<vmem_shared>>
      tpu.enqueue_indirect_dma source(%dma_start3A_97 : memref<10112x64xf32, #tpu.memory_space<vmem_shared>>) target(%arg10 : memref<128x64xf32, #tpu.memory_space<vmem>>) offsets(%dma_start3A_94 : memref<128xi32, #tpu.memory_space<vmem>>) semaphore(%arg14 : memref<!tpu.dma_semaphore, #tpu.memory_space<semaphore_mem>>)
      %dma_wait3A_98 = arith.constant 0 : i32
      %dma_wait3A_99 = arith.constant 0 : i32
      %dma_wait3A_100 = tpu.memref_slice %arg7[%dma_wait3A_98, %dma_wait3A_99] : memref<40x128xi32, #tpu.memory_space<vmem>> -> memref<1x128xi32, #tpu.memory_space<vmem>>
      %dma_wait3A_101 = tpu.memref_squeeze %dma_wait3A_100 : memref<1x128xi32, #tpu.memory_space<vmem>> -> memref<128xi32, #tpu.memory_space<vmem>>
      %dma_wait3A_102 = arith.constant 0 : i32
      %dma_wait3A_103 = arith.constant 0 : i32
      %dma_wait3A_104 = tpu.memref_slice %arg11[%dma_wait3A_102, %dma_wait3A_103] : memref<10112x64xf32, #tpu.memory_space<vmem_shared>> -> memref<10112x64xf32, #tpu.memory_space<vmem_shared>>
      tpu.wait_indirect_dma semaphore(%arg13 : memref<!tpu.dma_semaphore, #tpu.memory_space<semaphore_mem>>) src(%dma_wait3A_104 : memref<10112x64xf32, #tpu.memory_space<vmem_shared>>) dst(%arg9 : memref<128x64xf32, #tpu.memory_space<vmem>>)
      "tpu.region"() ({
        %run_scoped3A = tpu.sem_alloc : memref<!tpu.dma_semaphore, #tpu.memory_space<semaphore_mem>>
        %dma_start3A_124 = arith.constant 0 : i32
        %dma_start3A_125 = tpu.memref_slice %arg8[%mul3A_88, %dma_start3A_124] : memref<40x128xi32, #tpu.memory_space<vmem>> -> memref<1x128xi32, #tpu.memory_space<vmem>>
        %dma_start3A_126 = tpu.memref_squeeze %dma_start3A_125 : memref<1x128xi32, #tpu.memory_space<vmem>> -> memref<128xi32, #tpu.memory_space<vmem>>
        %dma_start3A_127 = arith.constant 0 : i32
        %dma_start3A_128 = arith.constant 0 : i32
        %dma_start3A_129 = tpu.memref_slice %arg12[%dma_start3A_127, %dma_start3A_128] : memref<10112x64xf32, #tpu.memory_space<vmem_shared>> -> memref<10112x64xf32, #tpu.memory_space<vmem_shared>>
        tpu.enqueue_indirect_dma source(%arg9 : memref<128x64xf32, #tpu.memory_space<vmem>>) target(%dma_start3A_129 : memref<10112x64xf32, #tpu.memory_space<vmem_shared>>) offsets(%dma_start3A_126 : memref<128xi32, #tpu.memory_space<vmem>>) semaphore(%run_scoped3A : memref<!tpu.dma_semaphore, #tpu.memory_space<semaphore_mem>>) {add = true}
        %dma_wait3A_130 = arith.constant 0 : i32
        %dma_wait3A_131 = tpu.memref_slice %arg8[%mul3A_88, %dma_wait3A_130] : memref<40x128xi32, #tpu.memory_space<vmem>> -> memref<1x128xi32, #tpu.memory_space<vmem>>
        %dma_wait3A_132 = tpu.memref_squeeze %dma_wait3A_131 : memref<1x128xi32, #tpu.memory_space<vmem>> -> memref<128xi32, #tpu.memory_space<vmem>>
        %dma_wait3A_133 = arith.constant 0 : i32
        %dma_wait3A_134 = arith.constant 0 : i32
        %dma_wait3A_135 = tpu.memref_slice %arg12[%dma_wait3A_133, %dma_wait3A_134] : memref<10112x64xf32, #tpu.memory_space<vmem_shared>> -> memref<10112x64xf32, #tpu.memory_space<vmem_shared>>
        tpu.wait_indirect_dma semaphore(%run_scoped3A : memref<!tpu.dma_semaphore, #tpu.memory_space<semaphore_mem>>) src(%arg9 : memref<128x64xf32, #tpu.memory_space<vmem>>) dst(%dma_wait3A_135 : memref<10112x64xf32, #tpu.memory_space<vmem_shared>>)
        tpu.yield
      }) : () -> ()
      %add3A_105 = arith.constant 2 : i32
      %add3A_106 = arith.addi %mul3A_88, %add3A_105 : i32
      %min3A_107 = arith.constant 39 : i32
      %min3A_108 = arith.minsi %add3A_106, %min3A_107 : i32
      %dma_start3A_109 = arith.constant 0 : i32
      %dma_start3A_110 = tpu.memref_slice %arg7[%min3A_108, %dma_start3A_109] : memref<40x128xi32, #tpu.memory_space<vmem>> -> memref<1x128xi32, #tpu.memory_space<vmem>>
      %dma_start3A_111 = tpu.memref_squeeze %dma_start3A_110 : memref<1x128xi32, #tpu.memory_space<vmem>> -> memref<128xi32, #tpu.memory_space<vmem>>
      %dma_start3A_112 = arith.constant 0 : i32
      %dma_start3A_113 = arith.constant 0 : i32
      %dma_start3A_114 = tpu.memref_slice %arg11[%dma_start3A_112, %dma_start3A_113] : memref<10112x64xf32, #tpu.memory_space<vmem_shared>> -> memref<10112x64xf32, #tpu.memory_space<vmem_shared>>
      tpu.enqueue_indirect_dma source(%dma_start3A_114 : memref<10112x64xf32, #tpu.memory_space<vmem_shared>>) target(%arg9 : memref<128x64xf32, #tpu.memory_space<vmem>>) offsets(%dma_start3A_111 : memref<128xi32, #tpu.memory_space<vmem>>) semaphore(%arg13 : memref<!tpu.dma_semaphore, #tpu.memory_space<semaphore_mem>>)
      %dma_wait3A_115 = arith.constant 0 : i32
      %dma_wait3A_116 = arith.constant 0 : i32
      %dma_wait3A_117 = tpu.memref_slice %arg7[%dma_wait3A_115, %dma_wait3A_116] : memref<40x128xi32, #tpu.memory_space<vmem>> -> memref<1x128xi32, #tpu.memory_space<vmem>>
      %dma_wait3A_118 = tpu.memref_squeeze %dma_wait3A_117 : memref<1x128xi32, #tpu.memory_space<vmem>> -> memref<128xi32, #tpu.memory_space<vmem>>
      %dma_wait3A_119 = arith.constant 0 : i32
      %dma_wait3A_120 = arith.constant 0 : i32
      %dma_wait3A_121 = tpu.memref_slice %arg11[%dma_wait3A_119, %dma_wait3A_120] : memref<10112x64xf32, #tpu.memory_space<vmem_shared>> -> memref<10112x64xf32, #tpu.memory_space<vmem_shared>>
      tpu.wait_indirect_dma semaphore(%arg14 : memref<!tpu.dma_semaphore, #tpu.memory_space<semaphore_mem>>) src(%dma_wait3A_121 : memref<10112x64xf32, #tpu.memory_space<vmem_shared>>) dst(%arg10 : memref<128x64xf32, #tpu.memory_space<vmem>>)
      %add3A_122 = arith.constant 1 : i32
      %add3A_123 = arith.addi %mul3A_88, %add3A_122 : i32
      "tpu.region"() ({
        %run_scoped3A = tpu.sem_alloc : memref<!tpu.dma_semaphore, #tpu.memory_space<semaphore_mem>>
        %dma_start3A_124 = arith.constant 0 : i32
        %dma_start3A_125 = tpu.memref_slice %arg8[%add3A_123, %dma_start3A_124] : memref<40x128xi32, #tpu.memory_space<vmem>> -> memref<1x128xi32, #tpu.memory_space<vmem>>
        %dma_start3A_126 = tpu.memref_squeeze %dma_start3A_125 : memref<1x128xi32, #tpu.memory_space<vmem>> -> memref<128xi32, #tpu.memory_space<vmem>>
        %dma_start3A_127 = arith.constant 0 : i32
        %dma_start3A_128 = arith.constant 0 : i32
        %dma_start3A_129 = tpu.memref_slice %arg12[%dma_start3A_127, %dma_start3A_128] : memref<10112x64xf32, #tpu.memory_space<vmem_shared>> -> memref<10112x64xf32, #tpu.memory_space<vmem_shared>>
        tpu.enqueue_indirect_dma source(%arg10 : memref<128x64xf32, #tpu.memory_space<vmem>>) target(%dma_start3A_129 : memref<10112x64xf32, #tpu.memory_space<vmem_shared>>) offsets(%dma_start3A_126 : memref<128xi32, #tpu.memory_space<vmem>>) semaphore(%run_scoped3A : memref<!tpu.dma_semaphore, #tpu.memory_space<semaphore_mem>>) {add = true}
        %dma_wait3A_130 = arith.constant 0 : i32
        %dma_wait3A_131 = tpu.memref_slice %arg8[%add3A_123, %dma_wait3A_130] : memref<40x128xi32, #tpu.memory_space<vmem>> -> memref<1x128xi32, #tpu.memory_space<vmem>>
        %dma_wait3A_132 = tpu.memref_squeeze %dma_wait3A_131 : memref<1x128xi32, #tpu.memory_space<vmem>> -> memref<128xi32, #tpu.memory_space<vmem>>
        %dma_wait3A_133 = arith.constant 0 : i32
        %dma_wait3A_134 = arith.constant 0 : i32
        %dma_wait3A_135 = tpu.memref_slice %arg12[%dma_wait3A_133, %dma_wait3A_134] : memref<10112x64xf32, #tpu.memory_space<vmem_shared>> -> memref<10112x64xf32, #tpu.memory_space<vmem_shared>>
        tpu.wait_indirect_dma semaphore(%run_scoped3A : memref<!tpu.dma_semaphore, #tpu.memory_space<semaphore_mem>>) src(%arg10 : memref<128x64xf32, #tpu.memory_space<vmem>>) dst(%dma_wait3A_135 : memref<10112x64xf32, #tpu.memory_space<vmem_shared>>)
        tpu.yield
      }) : () -> ()
    }
    %scan3A_77 = arith.constant 20 : i32
    %dma_wait3A_78 = arith.constant 0 : i32
    %dma_wait3A_79 = arith.constant 0 : i32
    %dma_wait3A_80 = tpu.memref_slice %arg7[%dma_wait3A_78, %dma_wait3A_79] : memref<40x128xi32, #tpu.memory_space<vmem>> -> memref<1x128xi32, #tpu.memory_space<vmem>>
    %dma_wait3A_81 = tpu.memref_squeeze %dma_wait3A_80 : memref<1x128xi32, #tpu.memory_space<vmem>> -> memref<128xi32, #tpu.memory_space<vmem>>
    %dma_wait3A_82 = arith.constant 0 : i32
    %dma_wait3A_83 = arith.constant 0 : i32
    %dma_wait3A_84 = tpu.memref_slice %arg11[%dma_wait3A_82, %dma_wait3A_83] : memref<10112x64xf32, #tpu.memory_space<vmem_shared>> -> memref<10112x64xf32, #tpu.memory_space<vmem_shared>>
    tpu.wait_indirect_dma semaphore(%arg13 : memref<!tpu.dma_semaphore, #tpu.memory_space<semaphore_mem>>) src(%dma_wait3A_84 : memref<10112x64xf32, #tpu.memory_space<vmem_shared>>) dst(%arg9 : memref<128x64xf32, #tpu.memory_space<vmem>>)
    %barrier3A_85 = arith.constant 0 : index
    tpu.barrier barrier_id(%barrier3A_85)
    "tpu.region"() ({
      %run_scoped3A = tpu.sem_alloc : memref<!tpu.dma_semaphore, #tpu.memory_space<semaphore_mem>>
      %dma_start3A_86 = arith.constant 0 : i32
      %dma_start3A_87 = tpu.memref_slice %arg6[%arg0, %mul3A_0, %dma_start3A_86] : memref<2x10112x64xf32, #tpu.memory_space<hbm>> -> memref<1x632x64xf32, #tpu.memory_space<hbm>>
      %dma_start3A_88 = tpu.memref_squeeze %dma_start3A_87 : memref<1x632x64xf32, #tpu.memory_space<hbm>> -> memref<632x64xf32, #tpu.memory_space<hbm>>
      %dma_start3A_89 = arith.constant 0 : i32
      %dma_start3A_90 = tpu.memref_slice %arg12[%mul3A_0, %dma_start3A_89] : memref<10112x64xf32, #tpu.memory_space<vmem_shared>> -> memref<632x64xf32, #tpu.memory_space<vmem_shared>>
      tpu.enqueue_dma source(%dma_start3A_90 : memref<632x64xf32, #tpu.memory_space<vmem_shared>>) target(%dma_start3A_88 : memref<632x64xf32, #tpu.memory_space<hbm>>) target_semaphore(%run_scoped3A : memref<!tpu.dma_semaphore, #tpu.memory_space<semaphore_mem>>)
      %dma_wait3A_91 = arith.constant 0 : i32
      %dma_wait3A_92 = tpu.memref_slice %arg6[%arg0, %mul3A_0, %dma_wait3A_91] : memref<2x10112x64xf32, #tpu.memory_space<hbm>> -> memref<1x632x64xf32, #tpu.memory_space<hbm>>
      %dma_wait3A_93 = tpu.memref_squeeze %dma_wait3A_92 : memref<1x632x64xf32, #tpu.memory_space<hbm>> -> memref<632x64xf32, #tpu.memory_space<hbm>>
      %dma_wait3A_94 = arith.constant 0 : i32
      %dma_wait3A_95 = tpu.memref_slice %arg12[%mul3A_0, %dma_wait3A_94] : memref<10112x64xf32, #tpu.memory_space<vmem_shared>> -> memref<632x64xf32, #tpu.memory_space<vmem_shared>>
      tpu.wait_dma2 semaphore(%run_scoped3A : memref<!tpu.dma_semaphore, #tpu.memory_space<semaphore_mem>>) src(%dma_wait3A_95 : memref<632x64xf32, #tpu.memory_space<vmem_shared>>) dst(%dma_wait3A_93 : memref<632x64xf32, #tpu.memory_space<hbm>>)
      tpu.yield
    }) : () -> ()
    return
  }
}

#map = affine_map<(d0, d1) -> (0, 0, 0)>
#map1 = affine_map<(d0, d1) -> (0, 0)>
module attributes {stable_mosaic.version = 14 : i64} {
  func.func @_sc_prop(%arg0: i32, %arg1: i32, %arg2: memref<2x10112x64xf32, #tpu.memory_space<hbm>>, %arg3: memref<16x160x128xi32, #tpu.memory_space<hbm>>, %arg4: memref<16x160x128xi32, #tpu.memory_space<hbm>>, %arg5: memref<632x64xf32, #tpu.memory_space<hbm>>, %arg6: memref<2x10112x64xf32, #tpu.memory_space<hbm>>, %arg7: memref<40x128xi32, #tpu.memory_space<vmem>>, %arg8: memref<40x128xi32, #tpu.memory_space<vmem>>, %arg9: memref<128x64xf32, #tpu.memory_space<vmem>>, %arg10: memref<128x64xf32, #tpu.memory_space<vmem>>, %arg11: memref<10112x64xf32, #tpu.memory_space<vmem_shared>>, %arg12: memref<10112x64xf32, #tpu.memory_space<vmem_shared>>, %arg13: memref<!tpu.dma_semaphore, #tpu.memory_space<semaphore_mem>>, %arg14: memref<!tpu.dma_semaphore, #tpu.memory_space<semaphore_mem>>) attributes {dimension_semantics = [#tpu.dimension_semantics<core_parallel>, #tpu.dimension_semantics<subcore_parallel>], iteration_bounds = array<i64: 2, 16>, scalar_prefetch = 0 : i64, scratch_operands = 8 : i64, tpu.core_type = #tpu.core_type<sc_vector_subcore>, window_params = [{transform_indices = #map}, {transform_indices = #map}, {transform_indices = #map}, {transform_indices = #map1}, {transform_indices = #map}]} {
    %mul3A = arith.constant 632 : i32
    %mul3A_0 = arith.muli %arg1, %mul3A : i32
    "tpu.region"() ({
      %run_scoped3A = tpu.sem_alloc : memref<!tpu.dma_semaphore, #tpu.memory_space<semaphore_mem>>
      %dma_start3A_86 = arith.constant 0 : i32
      %dma_start3A_87 = tpu.memref_slice %arg12[%mul3A_0, %dma_start3A_86] : memref<10112x64xf32, #tpu.memory_space<vmem_shared>> -> memref<632x64xf32, #tpu.memory_space<vmem_shared>>
      tpu.enqueue_dma source(%arg5 : memref<632x64xf32, #tpu.memory_space<hbm>>) target(%dma_start3A_87 : memref<632x64xf32, #tpu.memory_space<vmem_shared>>) target_semaphore(%run_scoped3A : memref<!tpu.dma_semaphore, #tpu.memory_space<semaphore_mem>>)
      %dma_wait3A_88 = arith.constant 0 : i32
      %dma_wait3A_89 = tpu.memref_slice %arg12[%mul3A_0, %dma_wait3A_88] : memref<10112x64xf32, #tpu.memory_space<vmem_shared>> -> memref<632x64xf32, #tpu.memory_space<vmem_shared>>
      tpu.wait_dma2 semaphore(%run_scoped3A : memref<!tpu.dma_semaphore, #tpu.memory_space<semaphore_mem>>) src(%arg5 : memref<632x64xf32, #tpu.memory_space<hbm>>) dst(%dma_wait3A_89 : memref<632x64xf32, #tpu.memory_space<vmem_shared>>)
      tpu.yield
    }) : () -> ()
    "tpu.region"() ({
      %run_scoped3A = tpu.sem_alloc : memref<!tpu.dma_semaphore, #tpu.memory_space<semaphore_mem>>
      %dma_start3A_86 = arith.constant 0 : i32
      %dma_start3A_87 = tpu.memref_slice %arg11[%mul3A_0, %dma_start3A_86] : memref<10112x64xf32, #tpu.memory_space<vmem_shared>> -> memref<632x64xf32, #tpu.memory_space<vmem_shared>>
      %dma_start3A_88 = arith.constant 0 : i32
      %dma_start3A_89 = tpu.memref_slice %arg2[%arg0, %mul3A_0, %dma_start3A_88] : memref<2x10112x64xf32, #tpu.memory_space<hbm>> -> memref<1x632x64xf32, #tpu.memory_space<hbm>>
      %dma_start3A_90 = tpu.memref_squeeze %dma_start3A_89 : memref<1x632x64xf32, #tpu.memory_space<hbm>> -> memref<632x64xf32, #tpu.memory_space<hbm>>
      tpu.enqueue_dma source(%dma_start3A_90 : memref<632x64xf32, #tpu.memory_space<hbm>>) target(%dma_start3A_87 : memref<632x64xf32, #tpu.memory_space<vmem_shared>>) target_semaphore(%run_scoped3A : memref<!tpu.dma_semaphore, #tpu.memory_space<semaphore_mem>>)
      %dma_wait3A_91 = arith.constant 0 : i32
      %dma_wait3A_92 = tpu.memref_slice %arg11[%mul3A_0, %dma_wait3A_91] : memref<10112x64xf32, #tpu.memory_space<vmem_shared>> -> memref<632x64xf32, #tpu.memory_space<vmem_shared>>
      %dma_wait3A_93 = arith.constant 0 : i32
      %dma_wait3A_94 = tpu.memref_slice %arg2[%arg0, %mul3A_0, %dma_wait3A_93] : memref<2x10112x64xf32, #tpu.memory_space<hbm>> -> memref<1x632x64xf32, #tpu.memory_space<hbm>>
      %dma_wait3A_95 = tpu.memref_squeeze %dma_wait3A_94 : memref<1x632x64xf32, #tpu.memory_space<hbm>> -> memref<632x64xf32, #tpu.memory_space<hbm>>
      tpu.wait_dma2 semaphore(%run_scoped3A : memref<!tpu.dma_semaphore, #tpu.memory_space<semaphore_mem>>) src(%dma_wait3A_95 : memref<632x64xf32, #tpu.memory_space<hbm>>) dst(%dma_wait3A_92 : memref<632x64xf32, #tpu.memory_space<vmem_shared>>)
      tpu.yield
    }) : () -> ()
    %barrier3A = arith.constant 0 : index
    tpu.barrier barrier_id(%barrier3A)
    "tpu.region"() ({
      %run_scoped3A = tpu.sem_alloc : memref<!tpu.dma_semaphore, #tpu.memory_space<semaphore_mem>>
      %dma_start3A_86 = arith.constant 0 : i32
      %dma_start3A_87 = arith.constant 0 : i32
      %dma_start3A_88 = tpu.memref_slice %arg3[%arg1, %dma_start3A_86, %dma_start3A_87] : memref<16x160x128xi32, #tpu.memory_space<hbm>> -> memref<1x40x128xi32, #tpu.memory_space<hbm>>
      %dma_start3A_89 = tpu.memref_squeeze %dma_start3A_88 : memref<1x40x128xi32, #tpu.memory_space<hbm>> -> memref<40x128xi32, #tpu.memory_space<hbm>>
      %dma_start3A_90 = arith.constant 0 : i32
      %dma_start3A_91 = arith.constant 0 : i32
      %dma_start3A_92 = tpu.memref_slice %arg3[%arg1, %dma_start3A_90, %dma_start3A_91] : memref<16x160x128xi32, #tpu.memory_space<hbm>> -> memref<1x40x128xi32, #tpu.memory_space<hbm>>
      %dma_start3A_93 = tpu.memref_squeeze %dma_start3A_92 : memref<1x40x128xi32, #tpu.memory_space<hbm>> -> memref<40x128xi32, #tpu.memory_space<hbm>>
      tpu.enqueue_dma source(%dma_start3A_93 : memref<40x128xi32, #tpu.memory_space<hbm>>) target(%arg7 : memref<40x128xi32, #tpu.memory_space<vmem>>) target_semaphore(%run_scoped3A : memref<!tpu.dma_semaphore, #tpu.memory_space<semaphore_mem>>)
      %dma_wait3A_94 = arith.constant 0 : i32
      %dma_wait3A_95 = arith.constant 0 : i32
      %dma_wait3A_96 = tpu.memref_slice %arg3[%arg1, %dma_wait3A_94, %dma_wait3A_95] : memref<16x160x128xi32, #tpu.memory_space<hbm>> -> memref<1x40x128xi32, #tpu.memory_space<hbm>>
      %dma_wait3A_97 = tpu.memref_squeeze %dma_wait3A_96 : memref<1x40x128xi32, #tpu.memory_space<hbm>> -> memref<40x128xi32, #tpu.memory_space<hbm>>
      %dma_wait3A_98 = arith.constant 0 : i32
      %dma_wait3A_99 = arith.constant 0 : i32
      %dma_wait3A_100 = tpu.memref_slice %arg3[%arg1, %dma_wait3A_98, %dma_wait3A_99] : memref<16x160x128xi32, #tpu.memory_space<hbm>> -> memref<1x40x128xi32, #tpu.memory_space<hbm>>
      %dma_wait3A_101 = tpu.memref_squeeze %dma_wait3A_100 : memref<1x40x128xi32, #tpu.memory_space<hbm>> -> memref<40x128xi32, #tpu.memory_space<hbm>>
      tpu.wait_dma2 semaphore(%run_scoped3A : memref<!tpu.dma_semaphore, #tpu.memory_space<semaphore_mem>>) src(%dma_wait3A_101 : memref<40x128xi32, #tpu.memory_space<hbm>>) dst(%arg7 : memref<40x128xi32, #tpu.memory_space<vmem>>)
      tpu.yield
    }) : () -> ()
    "tpu.region"() ({
      %run_scoped3A = tpu.sem_alloc : memref<!tpu.dma_semaphore, #tpu.memory_space<semaphore_mem>>
      %dma_start3A_86 = arith.constant 0 : i32
      %dma_start3A_87 = arith.constant 0 : i32
      %dma_start3A_88 = tpu.memref_slice %arg4[%arg1, %dma_start3A_86, %dma_start3A_87] : memref<16x160x128xi32, #tpu.memory_space<hbm>> -> memref<1x40x128xi32, #tpu.memory_space<hbm>>
      %dma_start3A_89 = tpu.memref_squeeze %dma_start3A_88 : memref<1x40x128xi32, #tpu.memory_space<hbm>> -> memref<40x128xi32, #tpu.memory_space<hbm>>
      %dma_start3A_90 = arith.constant 0 : i32
      %dma_start3A_91 = arith.constant 0 : i32
      %dma_start3A_92 = tpu.memref_slice %arg4[%arg1, %dma_start3A_90, %dma_start3A_91] : memref<16x160x128xi32, #tpu.memory_space<hbm>> -> memref<1x40x128xi32, #tpu.memory_space<hbm>>
      %dma_start3A_93 = tpu.memref_squeeze %dma_start3A_92 : memref<1x40x128xi32, #tpu.memory_space<hbm>> -> memref<40x128xi32, #tpu.memory_space<hbm>>
      tpu.enqueue_dma source(%dma_start3A_93 : memref<40x128xi32, #tpu.memory_space<hbm>>) target(%arg8 : memref<40x128xi32, #tpu.memory_space<vmem>>) target_semaphore(%run_scoped3A : memref<!tpu.dma_semaphore, #tpu.memory_space<semaphore_mem>>)
      %dma_wait3A_94 = arith.constant 0 : i32
      %dma_wait3A_95 = arith.constant 0 : i32
      %dma_wait3A_96 = tpu.memref_slice %arg4[%arg1, %dma_wait3A_94, %dma_wait3A_95] : memref<16x160x128xi32, #tpu.memory_space<hbm>> -> memref<1x40x128xi32, #tpu.memory_space<hbm>>
      %dma_wait3A_97 = tpu.memref_squeeze %dma_wait3A_96 : memref<1x40x128xi32, #tpu.memory_space<hbm>> -> memref<40x128xi32, #tpu.memory_space<hbm>>
      %dma_wait3A_98 = arith.constant 0 : i32
      %dma_wait3A_99 = arith.constant 0 : i32
      %dma_wait3A_100 = tpu.memref_slice %arg4[%arg1, %dma_wait3A_98, %dma_wait3A_99] : memref<16x160x128xi32, #tpu.memory_space<hbm>> -> memref<1x40x128xi32, #tpu.memory_space<hbm>>
      %dma_wait3A_101 = tpu.memref_squeeze %dma_wait3A_100 : memref<1x40x128xi32, #tpu.memory_space<hbm>> -> memref<40x128xi32, #tpu.memory_space<hbm>>
      tpu.wait_dma2 semaphore(%run_scoped3A : memref<!tpu.dma_semaphore, #tpu.memory_space<semaphore_mem>>) src(%dma_wait3A_101 : memref<40x128xi32, #tpu.memory_space<hbm>>) dst(%arg8 : memref<40x128xi32, #tpu.memory_space<vmem>>)
      tpu.yield
    }) : () -> ()
    %min3A = arith.constant 0 : i32
    %min3A_1 = arith.constant 39 : i32
    %min3A_2 = arith.minsi %min3A, %min3A_1 : i32
    %dma_start3A = arith.constant 0 : i32
    %dma_start3A_3 = tpu.memref_slice %arg7[%min3A_2, %dma_start3A] : memref<40x128xi32, #tpu.memory_space<vmem>> -> memref<1x128xi32, #tpu.memory_space<vmem>>
    %dma_start3A_4 = tpu.memref_squeeze %dma_start3A_3 : memref<1x128xi32, #tpu.memory_space<vmem>> -> memref<128xi32, #tpu.memory_space<vmem>>
    %dma_start3A_5 = arith.constant 0 : i32
    %dma_start3A_6 = arith.constant 0 : i32
    %dma_start3A_7 = tpu.memref_slice %arg11[%dma_start3A_5, %dma_start3A_6] : memref<10112x64xf32, #tpu.memory_space<vmem_shared>> -> memref<10112x64xf32, #tpu.memory_space<vmem_shared>>
    tpu.enqueue_indirect_dma source(%dma_start3A_7 : memref<10112x64xf32, #tpu.memory_space<vmem_shared>>) target(%arg9 : memref<128x64xf32, #tpu.memory_space<vmem>>) offsets(%dma_start3A_4 : memref<128xi32, #tpu.memory_space<vmem>>) semaphore(%arg13 : memref<!tpu.dma_semaphore, #tpu.memory_space<semaphore_mem>>)
    %scan3A = arith.constant 0 : i32
    %scan3A_8 = arith.constant 0 : i32
    %scan3A_9 = arith.constant 20 : i32
    %scan3A_10 = arith.addi %scan3A_8, %scan3A_9 : i32
    %scan3A_11 = arith.constant 1 : i32
    scf.for %scan3A_86 = %scan3A_8 to %scan3A_10 step %scan3A_11  : i32 {
      %mul3A_87 = arith.constant 2 : i32
      %mul3A_88 = arith.muli %scan3A_86, %mul3A_87 : i32
      %add3A = arith.constant 1 : i32
      %add3A_89 = arith.addi %mul3A_88, %add3A : i32
      %min3A_90 = arith.constant 39 : i32
      %min3A_91 = arith.minsi %add3A_89, %min3A_90 : i32
      %dma_start3A_92 = arith.constant 0 : i32
      %dma_start3A_93 = tpu.memref_slice %arg7[%min3A_91, %dma_start3A_92] : memref<40x128xi32, #tpu.memory_space<vmem>> -> memref<1x128xi32, #tpu.memory_space<vmem>>
      %dma_start3A_94 = tpu.memref_squeeze %dma_start3A_93 : memref<1x128xi32, #tpu.memory_space<vmem>> -> memref<128xi32, #tpu.memory_space<vmem>>
      %dma_start3A_95 = arith.constant 0 : i32
      %dma_start3A_96 = arith.constant 0 : i32
      %dma_start3A_97 = tpu.memref_slice %arg11[%dma_start3A_95, %dma_start3A_96] : memref<10112x64xf32, #tpu.memory_space<vmem_shared>> -> memref<10112x64xf32, #tpu.memory_space<vmem_shared>>
      tpu.enqueue_indirect_dma source(%dma_start3A_97 : memref<10112x64xf32, #tpu.memory_space<vmem_shared>>) target(%arg10 : memref<128x64xf32, #tpu.memory_space<vmem>>) offsets(%dma_start3A_94 : memref<128xi32, #tpu.memory_space<vmem>>) semaphore(%arg14 : memref<!tpu.dma_semaphore, #tpu.memory_space<semaphore_mem>>)
      %dma_wait3A_98 = arith.constant 0 : i32
      %dma_wait3A_99 = arith.constant 0 : i32
      %dma_wait3A_100 = tpu.memref_slice %arg7[%dma_wait3A_98, %dma_wait3A_99] : memref<40x128xi32, #tpu.memory_space<vmem>> -> memref<1x128xi32, #tpu.memory_space<vmem>>
      %dma_wait3A_101 = tpu.memref_squeeze %dma_wait3A_100 : memref<1x128xi32, #tpu.memory_space<vmem>> -> memref<128xi32, #tpu.memory_space<vmem>>
      %dma_wait3A_102 = arith.constant 0 : i32
      %dma_wait3A_103 = arith.constant 0 : i32
      %dma_wait3A_104 = tpu.memref_slice %arg11[%dma_wait3A_102, %dma_wait3A_103] : memref<10112x64xf32, #tpu.memory_space<vmem_shared>> -> memref<10112x64xf32, #tpu.memory_space<vmem_shared>>
      tpu.wait_indirect_dma semaphore(%arg13 : memref<!tpu.dma_semaphore, #tpu.memory_space<semaphore_mem>>) src(%dma_wait3A_104 : memref<10112x64xf32, #tpu.memory_space<vmem_shared>>) dst(%arg9 : memref<128x64xf32, #tpu.memory_space<vmem>>)
      "tpu.region"() ({
        %run_scoped3A = tpu.sem_alloc : memref<!tpu.dma_semaphore, #tpu.memory_space<semaphore_mem>>
        %dma_start3A_124 = arith.constant 0 : i32
        %dma_start3A_125 = tpu.memref_slice %arg8[%mul3A_88, %dma_start3A_124] : memref<40x128xi32, #tpu.memory_space<vmem>> -> memref<1x128xi32, #tpu.memory_space<vmem>>
        %dma_start3A_126 = tpu.memref_squeeze %dma_start3A_125 : memref<1x128xi32, #tpu.memory_space<vmem>> -> memref<128xi32, #tpu.memory_space<vmem>>
        %dma_start3A_127 = arith.constant 0 : i32
        %dma_start3A_128 = arith.constant 0 : i32
        %dma_start3A_129 = tpu.memref_slice %arg12[%dma_start3A_127, %dma_start3A_128] : memref<10112x64xf32, #tpu.memory_space<vmem_shared>> -> memref<10112x64xf32, #tpu.memory_space<vmem_shared>>
        tpu.enqueue_indirect_dma source(%arg9 : memref<128x64xf32, #tpu.memory_space<vmem>>) target(%dma_start3A_129 : memref<10112x64xf32, #tpu.memory_space<vmem_shared>>) offsets(%dma_start3A_126 : memref<128xi32, #tpu.memory_space<vmem>>) semaphore(%run_scoped3A : memref<!tpu.dma_semaphore, #tpu.memory_space<semaphore_mem>>) {add = true}
        %dma_wait3A_130 = arith.constant 0 : i32
        %dma_wait3A_131 = tpu.memref_slice %arg8[%mul3A_88, %dma_wait3A_130] : memref<40x128xi32, #tpu.memory_space<vmem>> -> memref<1x128xi32, #tpu.memory_space<vmem>>
        %dma_wait3A_132 = tpu.memref_squeeze %dma_wait3A_131 : memref<1x128xi32, #tpu.memory_space<vmem>> -> memref<128xi32, #tpu.memory_space<vmem>>
        %dma_wait3A_133 = arith.constant 0 : i32
        %dma_wait3A_134 = arith.constant 0 : i32
        %dma_wait3A_135 = tpu.memref_slice %arg12[%dma_wait3A_133, %dma_wait3A_134] : memref<10112x64xf32, #tpu.memory_space<vmem_shared>> -> memref<10112x64xf32, #tpu.memory_space<vmem_shared>>
        tpu.wait_indirect_dma semaphore(%run_scoped3A : memref<!tpu.dma_semaphore, #tpu.memory_space<semaphore_mem>>) src(%arg9 : memref<128x64xf32, #tpu.memory_space<vmem>>) dst(%dma_wait3A_135 : memref<10112x64xf32, #tpu.memory_space<vmem_shared>>)
        tpu.yield
      }) : () -> ()
      %add3A_105 = arith.constant 2 : i32
      %add3A_106 = arith.addi %mul3A_88, %add3A_105 : i32
      %min3A_107 = arith.constant 39 : i32
      %min3A_108 = arith.minsi %add3A_106, %min3A_107 : i32
      %dma_start3A_109 = arith.constant 0 : i32
      %dma_start3A_110 = tpu.memref_slice %arg7[%min3A_108, %dma_start3A_109] : memref<40x128xi32, #tpu.memory_space<vmem>> -> memref<1x128xi32, #tpu.memory_space<vmem>>
      %dma_start3A_111 = tpu.memref_squeeze %dma_start3A_110 : memref<1x128xi32, #tpu.memory_space<vmem>> -> memref<128xi32, #tpu.memory_space<vmem>>
      %dma_start3A_112 = arith.constant 0 : i32
      %dma_start3A_113 = arith.constant 0 : i32
      %dma_start3A_114 = tpu.memref_slice %arg11[%dma_start3A_112, %dma_start3A_113] : memref<10112x64xf32, #tpu.memory_space<vmem_shared>> -> memref<10112x64xf32, #tpu.memory_space<vmem_shared>>
      tpu.enqueue_indirect_dma source(%dma_start3A_114 : memref<10112x64xf32, #tpu.memory_space<vmem_shared>>) target(%arg9 : memref<128x64xf32, #tpu.memory_space<vmem>>) offsets(%dma_start3A_111 : memref<128xi32, #tpu.memory_space<vmem>>) semaphore(%arg13 : memref<!tpu.dma_semaphore, #tpu.memory_space<semaphore_mem>>)
      %dma_wait3A_115 = arith.constant 0 : i32
      %dma_wait3A_116 = arith.constant 0 : i32
      %dma_wait3A_117 = tpu.memref_slice %arg7[%dma_wait3A_115, %dma_wait3A_116] : memref<40x128xi32, #tpu.memory_space<vmem>> -> memref<1x128xi32, #tpu.memory_space<vmem>>
      %dma_wait3A_118 = tpu.memref_squeeze %dma_wait3A_117 : memref<1x128xi32, #tpu.memory_space<vmem>> -> memref<128xi32, #tpu.memory_space<vmem>>
      %dma_wait3A_119 = arith.constant 0 : i32
      %dma_wait3A_120 = arith.constant 0 : i32
      %dma_wait3A_121 = tpu.memref_slice %arg11[%dma_wait3A_119, %dma_wait3A_120] : memref<10112x64xf32, #tpu.memory_space<vmem_shared>> -> memref<10112x64xf32, #tpu.memory_space<vmem_shared>>
      tpu.wait_indirect_dma semaphore(%arg14 : memref<!tpu.dma_semaphore, #tpu.memory_space<semaphore_mem>>) src(%dma_wait3A_121 : memref<10112x64xf32, #tpu.memory_space<vmem_shared>>) dst(%arg10 : memref<128x64xf32, #tpu.memory_space<vmem>>)
      %add3A_122 = arith.constant 1 : i32
      %add3A_123 = arith.addi %mul3A_88, %add3A_122 : i32
      "tpu.region"() ({
        %run_scoped3A = tpu.sem_alloc : memref<!tpu.dma_semaphore, #tpu.memory_space<semaphore_mem>>
        %dma_start3A_124 = arith.constant 0 : i32
        %dma_start3A_125 = tpu.memref_slice %arg8[%add3A_123, %dma_start3A_124] : memref<40x128xi32, #tpu.memory_space<vmem>> -> memref<1x128xi32, #tpu.memory_space<vmem>>
        %dma_start3A_126 = tpu.memref_squeeze %dma_start3A_125 : memref<1x128xi32, #tpu.memory_space<vmem>> -> memref<128xi32, #tpu.memory_space<vmem>>
        %dma_start3A_127 = arith.constant 0 : i32
        %dma_start3A_128 = arith.constant 0 : i32
        %dma_start3A_129 = tpu.memref_slice %arg12[%dma_start3A_127, %dma_start3A_128] : memref<10112x64xf32, #tpu.memory_space<vmem_shared>> -> memref<10112x64xf32, #tpu.memory_space<vmem_shared>>
        tpu.enqueue_indirect_dma source(%arg10 : memref<128x64xf32, #tpu.memory_space<vmem>>) target(%dma_start3A_129 : memref<10112x64xf32, #tpu.memory_space<vmem_shared>>) offsets(%dma_start3A_126 : memref<128xi32, #tpu.memory_space<vmem>>) semaphore(%run_scoped3A : memref<!tpu.dma_semaphore, #tpu.memory_space<semaphore_mem>>) {add = true}
        %dma_wait3A_130 = arith.constant 0 : i32
        %dma_wait3A_131 = tpu.memref_slice %arg8[%add3A_123, %dma_wait3A_130] : memref<40x128xi32, #tpu.memory_space<vmem>> -> memref<1x128xi32, #tpu.memory_space<vmem>>
        %dma_wait3A_132 = tpu.memref_squeeze %dma_wait3A_131 : memref<1x128xi32, #tpu.memory_space<vmem>> -> memref<128xi32, #tpu.memory_space<vmem>>
        %dma_wait3A_133 = arith.constant 0 : i32
        %dma_wait3A_134 = arith.constant 0 : i32
        %dma_wait3A_135 = tpu.memref_slice %arg12[%dma_wait3A_133, %dma_wait3A_134] : memref<10112x64xf32, #tpu.memory_space<vmem_shared>> -> memref<10112x64xf32, #tpu.memory_space<vmem_shared>>
        tpu.wait_indirect_dma semaphore(%run_scoped3A : memref<!tpu.dma_semaphore, #tpu.memory_space<semaphore_mem>>) src(%arg10 : memref<128x64xf32, #tpu.memory_space<vmem>>) dst(%dma_wait3A_135 : memref<10112x64xf32, #tpu.memory_space<vmem_shared>>)
        tpu.yield
      }) : () -> ()
    }
    %scan3A_12 = arith.constant 20 : i32
    %dma_wait3A = arith.constant 0 : i32
    %dma_wait3A_13 = arith.constant 0 : i32
    %dma_wait3A_14 = tpu.memref_slice %arg7[%dma_wait3A, %dma_wait3A_13] : memref<40x128xi32, #tpu.memory_space<vmem>> -> memref<1x128xi32, #tpu.memory_space<vmem>>
    %dma_wait3A_15 = tpu.memref_squeeze %dma_wait3A_14 : memref<1x128xi32, #tpu.memory_space<vmem>> -> memref<128xi32, #tpu.memory_space<vmem>>
    %dma_wait3A_16 = arith.constant 0 : i32
    %dma_wait3A_17 = arith.constant 0 : i32
    %dma_wait3A_18 = tpu.memref_slice %arg11[%dma_wait3A_16, %dma_wait3A_17] : memref<10112x64xf32, #tpu.memory_space<vmem_shared>> -> memref<10112x64xf32, #tpu.memory_space<vmem_shared>>
    tpu.wait_indirect_dma semaphore(%arg13 : memref<!tpu.dma_semaphore, #tpu.memory_space<semaphore_mem>>) src(%dma_wait3A_18 : memref<10112x64xf32, #tpu.memory_space<vmem_shared>>) dst(%arg9 : memref<128x64xf32, #tpu.memory_space<vmem>>)
    "tpu.region"() ({
      %run_scoped3A = tpu.sem_alloc : memref<!tpu.dma_semaphore, #tpu.memory_space<semaphore_mem>>
      %dma_start3A_86 = arith.constant 40 : i32
      %dma_start3A_87 = arith.constant 0 : i32
      %dma_start3A_88 = tpu.memref_slice %arg3[%arg1, %dma_start3A_86, %dma_start3A_87] : memref<16x160x128xi32, #tpu.memory_space<hbm>> -> memref<1x40x128xi32, #tpu.memory_space<hbm>>
      %dma_start3A_89 = tpu.memref_squeeze %dma_start3A_88 : memref<1x40x128xi32, #tpu.memory_space<hbm>> -> memref<40x128xi32, #tpu.memory_space<hbm>>
      %dma_start3A_90 = arith.constant 40 : i32
      %dma_start3A_91 = arith.constant 0 : i32
      %dma_start3A_92 = tpu.memref_slice %arg3[%arg1, %dma_start3A_90, %dma_start3A_91] : memref<16x160x128xi32, #tpu.memory_space<hbm>> -> memref<1x40x128xi32, #tpu.memory_space<hbm>>
      %dma_start3A_93 = tpu.memref_squeeze %dma_start3A_92 : memref<1x40x128xi32, #tpu.memory_space<hbm>> -> memref<40x128xi32, #tpu.memory_space<hbm>>
      tpu.enqueue_dma source(%dma_start3A_93 : memref<40x128xi32, #tpu.memory_space<hbm>>) target(%arg7 : memref<40x128xi32, #tpu.memory_space<vmem>>) target_semaphore(%run_scoped3A : memref<!tpu.dma_semaphore, #tpu.memory_space<semaphore_mem>>)
      %dma_wait3A_94 = arith.constant 40 : i32
      %dma_wait3A_95 = arith.constant 0 : i32
      %dma_wait3A_96 = tpu.memref_slice %arg3[%arg1, %dma_wait3A_94, %dma_wait3A_95] : memref<16x160x128xi32, #tpu.memory_space<hbm>> -> memref<1x40x128xi32, #tpu.memory_space<hbm>>
      %dma_wait3A_97 = tpu.memref_squeeze %dma_wait3A_96 : memref<1x40x128xi32, #tpu.memory_space<hbm>> -> memref<40x128xi32, #tpu.memory_space<hbm>>
      %dma_wait3A_98 = arith.constant 40 : i32
      %dma_wait3A_99 = arith.constant 0 : i32
      %dma_wait3A_100 = tpu.memref_slice %arg3[%arg1, %dma_wait3A_98, %dma_wait3A_99] : memref<16x160x128xi32, #tpu.memory_space<hbm>> -> memref<1x40x128xi32, #tpu.memory_space<hbm>>
      %dma_wait3A_101 = tpu.memref_squeeze %dma_wait3A_100 : memref<1x40x128xi32, #tpu.memory_space<hbm>> -> memref<40x128xi32, #tpu.memory_space<hbm>>
      tpu.wait_dma2 semaphore(%run_scoped3A : memref<!tpu.dma_semaphore, #tpu.memory_space<semaphore_mem>>) src(%dma_wait3A_101 : memref<40x128xi32, #tpu.memory_space<hbm>>) dst(%arg7 : memref<40x128xi32, #tpu.memory_space<vmem>>)
      tpu.yield
    }) : () -> ()
    "tpu.region"() ({
      %run_scoped3A = tpu.sem_alloc : memref<!tpu.dma_semaphore, #tpu.memory_space<semaphore_mem>>
      %dma_start3A_86 = arith.constant 40 : i32
      %dma_start3A_87 = arith.constant 0 : i32
      %dma_start3A_88 = tpu.memref_slice %arg4[%arg1, %dma_start3A_86, %dma_start3A_87] : memref<16x160x128xi32, #tpu.memory_space<hbm>> -> memref<1x40x128xi32, #tpu.memory_space<hbm>>
      %dma_start3A_89 = tpu.memref_squeeze %dma_start3A_88 : memref<1x40x128xi32, #tpu.memory_space<hbm>> -> memref<40x128xi32, #tpu.memory_space<hbm>>
      %dma_start3A_90 = arith.constant 40 : i32
      %dma_start3A_91 = arith.constant 0 : i32
      %dma_start3A_92 = tpu.memref_slice %arg4[%arg1, %dma_start3A_90, %dma_start3A_91] : memref<16x160x128xi32, #tpu.memory_space<hbm>> -> memref<1x40x128xi32, #tpu.memory_space<hbm>>
      %dma_start3A_93 = tpu.memref_squeeze %dma_start3A_92 : memref<1x40x128xi32, #tpu.memory_space<hbm>> -> memref<40x128xi32, #tpu.memory_space<hbm>>
      tpu.enqueue_dma source(%dma_start3A_93 : memref<40x128xi32, #tpu.memory_space<hbm>>) target(%arg8 : memref<40x128xi32, #tpu.memory_space<vmem>>) target_semaphore(%run_scoped3A : memref<!tpu.dma_semaphore, #tpu.memory_space<semaphore_mem>>)
      %dma_wait3A_94 = arith.constant 40 : i32
      %dma_wait3A_95 = arith.constant 0 : i32
      %dma_wait3A_96 = tpu.memref_slice %arg4[%arg1, %dma_wait3A_94, %dma_wait3A_95] : memref<16x160x128xi32, #tpu.memory_space<hbm>> -> memref<1x40x128xi32, #tpu.memory_space<hbm>>
      %dma_wait3A_97 = tpu.memref_squeeze %dma_wait3A_96 : memref<1x40x128xi32, #tpu.memory_space<hbm>> -> memref<40x128xi32, #tpu.memory_space<hbm>>
      %dma_wait3A_98 = arith.constant 40 : i32
      %dma_wait3A_99 = arith.constant 0 : i32
      %dma_wait3A_100 = tpu.memref_slice %arg4[%arg1, %dma_wait3A_98, %dma_wait3A_99] : memref<16x160x128xi32, #tpu.memory_space<hbm>> -> memref<1x40x128xi32, #tpu.memory_space<hbm>>
      %dma_wait3A_101 = tpu.memref_squeeze %dma_wait3A_100 : memref<1x40x128xi32, #tpu.memory_space<hbm>> -> memref<40x128xi32, #tpu.memory_space<hbm>>
      tpu.wait_dma2 semaphore(%run_scoped3A : memref<!tpu.dma_semaphore, #tpu.memory_space<semaphore_mem>>) src(%dma_wait3A_101 : memref<40x128xi32, #tpu.memory_space<hbm>>) dst(%arg8 : memref<40x128xi32, #tpu.memory_space<vmem>>)
      tpu.yield
    }) : () -> ()
    %min3A_19 = arith.constant 0 : i32
    %min3A_20 = arith.constant 39 : i32
    %min3A_21 = arith.minsi %min3A_19, %min3A_20 : i32
    %dma_start3A_22 = arith.constant 0 : i32
    %dma_start3A_23 = tpu.memref_slice %arg7[%min3A_21, %dma_start3A_22] : memref<40x128xi32, #tpu.memory_space<vmem>> -> memref<1x128xi32, #tpu.memory_space<vmem>>
    %dma_start3A_24 = tpu.memref_squeeze %dma_start3A_23 : memref<1x128xi32, #tpu.memory_space<vmem>> -> memref<128xi32, #tpu.memory_space<vmem>>
    %dma_start3A_25 = arith.constant 0 : i32
    %dma_start3A_26 = arith.constant 0 : i32
    %dma_start3A_27 = tpu.memref_slice %arg11[%dma_start3A_25, %dma_start3A_26] : memref<10112x64xf32, #tpu.memory_space<vmem_shared>> -> memref<10112x64xf32, #tpu.memory_space<vmem_shared>>
    tpu.enqueue_indirect_dma source(%dma_start3A_27 : memref<10112x64xf32, #tpu.memory_space<vmem_shared>>) target(%arg9 : memref<128x64xf32, #tpu.memory_space<vmem>>) offsets(%dma_start3A_24 : memref<128xi32, #tpu.memory_space<vmem>>) semaphore(%arg13 : memref<!tpu.dma_semaphore, #tpu.memory_space<semaphore_mem>>)
    %scan3A_28 = arith.constant 0 : i32
    %scan3A_29 = arith.constant 0 : i32
    %scan3A_30 = arith.constant 20 : i32
    %scan3A_31 = arith.addi %scan3A_29, %scan3A_30 : i32
    %scan3A_32 = arith.constant 1 : i32
    scf.for %scan3A_86 = %scan3A_29 to %scan3A_31 step %scan3A_32  : i32 {
      %mul3A_87 = arith.constant 2 : i32
      %mul3A_88 = arith.muli %scan3A_86, %mul3A_87 : i32
      %add3A = arith.constant 1 : i32
      %add3A_89 = arith.addi %mul3A_88, %add3A : i32
      %min3A_90 = arith.constant 39 : i32
      %min3A_91 = arith.minsi %add3A_89, %min3A_90 : i32
      %dma_start3A_92 = arith.constant 0 : i32
      %dma_start3A_93 = tpu.memref_slice %arg7[%min3A_91, %dma_start3A_92] : memref<40x128xi32, #tpu.memory_space<vmem>> -> memref<1x128xi32, #tpu.memory_space<vmem>>
      %dma_start3A_94 = tpu.memref_squeeze %dma_start3A_93 : memref<1x128xi32, #tpu.memory_space<vmem>> -> memref<128xi32, #tpu.memory_space<vmem>>
      %dma_start3A_95 = arith.constant 0 : i32
      %dma_start3A_96 = arith.constant 0 : i32
      %dma_start3A_97 = tpu.memref_slice %arg11[%dma_start3A_95, %dma_start3A_96] : memref<10112x64xf32, #tpu.memory_space<vmem_shared>> -> memref<10112x64xf32, #tpu.memory_space<vmem_shared>>
      tpu.enqueue_indirect_dma source(%dma_start3A_97 : memref<10112x64xf32, #tpu.memory_space<vmem_shared>>) target(%arg10 : memref<128x64xf32, #tpu.memory_space<vmem>>) offsets(%dma_start3A_94 : memref<128xi32, #tpu.memory_space<vmem>>) semaphore(%arg14 : memref<!tpu.dma_semaphore, #tpu.memory_space<semaphore_mem>>)
      %dma_wait3A_98 = arith.constant 0 : i32
      %dma_wait3A_99 = arith.constant 0 : i32
      %dma_wait3A_100 = tpu.memref_slice %arg7[%dma_wait3A_98, %dma_wait3A_99] : memref<40x128xi32, #tpu.memory_space<vmem>> -> memref<1x128xi32, #tpu.memory_space<vmem>>
      %dma_wait3A_101 = tpu.memref_squeeze %dma_wait3A_100 : memref<1x128xi32, #tpu.memory_space<vmem>> -> memref<128xi32, #tpu.memory_space<vmem>>
      %dma_wait3A_102 = arith.constant 0 : i32
      %dma_wait3A_103 = arith.constant 0 : i32
      %dma_wait3A_104 = tpu.memref_slice %arg11[%dma_wait3A_102, %dma_wait3A_103] : memref<10112x64xf32, #tpu.memory_space<vmem_shared>> -> memref<10112x64xf32, #tpu.memory_space<vmem_shared>>
      tpu.wait_indirect_dma semaphore(%arg13 : memref<!tpu.dma_semaphore, #tpu.memory_space<semaphore_mem>>) src(%dma_wait3A_104 : memref<10112x64xf32, #tpu.memory_space<vmem_shared>>) dst(%arg9 : memref<128x64xf32, #tpu.memory_space<vmem>>)
      "tpu.region"() ({
        %run_scoped3A = tpu.sem_alloc : memref<!tpu.dma_semaphore, #tpu.memory_space<semaphore_mem>>
        %dma_start3A_124 = arith.constant 0 : i32
        %dma_start3A_125 = tpu.memref_slice %arg8[%mul3A_88, %dma_start3A_124] : memref<40x128xi32, #tpu.memory_space<vmem>> -> memref<1x128xi32, #tpu.memory_space<vmem>>
        %dma_start3A_126 = tpu.memref_squeeze %dma_start3A_125 : memref<1x128xi32, #tpu.memory_space<vmem>> -> memref<128xi32, #tpu.memory_space<vmem>>
        %dma_start3A_127 = arith.constant 0 : i32
        %dma_start3A_128 = arith.constant 0 : i32
        %dma_start3A_129 = tpu.memref_slice %arg12[%dma_start3A_127, %dma_start3A_128] : memref<10112x64xf32, #tpu.memory_space<vmem_shared>> -> memref<10112x64xf32, #tpu.memory_space<vmem_shared>>
        tpu.enqueue_indirect_dma source(%arg9 : memref<128x64xf32, #tpu.memory_space<vmem>>) target(%dma_start3A_129 : memref<10112x64xf32, #tpu.memory_space<vmem_shared>>) offsets(%dma_start3A_126 : memref<128xi32, #tpu.memory_space<vmem>>) semaphore(%run_scoped3A : memref<!tpu.dma_semaphore, #tpu.memory_space<semaphore_mem>>) {add = true}
        %dma_wait3A_130 = arith.constant 0 : i32
        %dma_wait3A_131 = tpu.memref_slice %arg8[%mul3A_88, %dma_wait3A_130] : memref<40x128xi32, #tpu.memory_space<vmem>> -> memref<1x128xi32, #tpu.memory_space<vmem>>
        %dma_wait3A_132 = tpu.memref_squeeze %dma_wait3A_131 : memref<1x128xi32, #tpu.memory_space<vmem>> -> memref<128xi32, #tpu.memory_space<vmem>>
        %dma_wait3A_133 = arith.constant 0 : i32
        %dma_wait3A_134 = arith.constant 0 : i32
        %dma_wait3A_135 = tpu.memref_slice %arg12[%dma_wait3A_133, %dma_wait3A_134] : memref<10112x64xf32, #tpu.memory_space<vmem_shared>> -> memref<10112x64xf32, #tpu.memory_space<vmem_shared>>
        tpu.wait_indirect_dma semaphore(%run_scoped3A : memref<!tpu.dma_semaphore, #tpu.memory_space<semaphore_mem>>) src(%arg9 : memref<128x64xf32, #tpu.memory_space<vmem>>) dst(%dma_wait3A_135 : memref<10112x64xf32, #tpu.memory_space<vmem_shared>>)
        tpu.yield
      }) : () -> ()
      %add3A_105 = arith.constant 2 : i32
      %add3A_106 = arith.addi %mul3A_88, %add3A_105 : i32
      %min3A_107 = arith.constant 39 : i32
      %min3A_108 = arith.minsi %add3A_106, %min3A_107 : i32
      %dma_start3A_109 = arith.constant 0 : i32
      %dma_start3A_110 = tpu.memref_slice %arg7[%min3A_108, %dma_start3A_109] : memref<40x128xi32, #tpu.memory_space<vmem>> -> memref<1x128xi32, #tpu.memory_space<vmem>>
      %dma_start3A_111 = tpu.memref_squeeze %dma_start3A_110 : memref<1x128xi32, #tpu.memory_space<vmem>> -> memref<128xi32, #tpu.memory_space<vmem>>
      %dma_start3A_112 = arith.constant 0 : i32
      %dma_start3A_113 = arith.constant 0 : i32
      %dma_start3A_114 = tpu.memref_slice %arg11[%dma_start3A_112, %dma_start3A_113] : memref<10112x64xf32, #tpu.memory_space<vmem_shared>> -> memref<10112x64xf32, #tpu.memory_space<vmem_shared>>
      tpu.enqueue_indirect_dma source(%dma_start3A_114 : memref<10112x64xf32, #tpu.memory_space<vmem_shared>>) target(%arg9 : memref<128x64xf32, #tpu.memory_space<vmem>>) offsets(%dma_start3A_111 : memref<128xi32, #tpu.memory_space<vmem>>) semaphore(%arg13 : memref<!tpu.dma_semaphore, #tpu.memory_space<semaphore_mem>>)
      %dma_wait3A_115 = arith.constant 0 : i32
      %dma_wait3A_116 = arith.constant 0 : i32
      %dma_wait3A_117 = tpu.memref_slice %arg7[%dma_wait3A_115, %dma_wait3A_116] : memref<40x128xi32, #tpu.memory_space<vmem>> -> memref<1x128xi32, #tpu.memory_space<vmem>>
      %dma_wait3A_118 = tpu.memref_squeeze %dma_wait3A_117 : memref<1x128xi32, #tpu.memory_space<vmem>> -> memref<128xi32, #tpu.memory_space<vmem>>
      %dma_wait3A_119 = arith.constant 0 : i32
      %dma_wait3A_120 = arith.constant 0 : i32
      %dma_wait3A_121 = tpu.memref_slice %arg11[%dma_wait3A_119, %dma_wait3A_120] : memref<10112x64xf32, #tpu.memory_space<vmem_shared>> -> memref<10112x64xf32, #tpu.memory_space<vmem_shared>>
      tpu.wait_indirect_dma semaphore(%arg14 : memref<!tpu.dma_semaphore, #tpu.memory_space<semaphore_mem>>) src(%dma_wait3A_121 : memref<10112x64xf32, #tpu.memory_space<vmem_shared>>) dst(%arg10 : memref<128x64xf32, #tpu.memory_space<vmem>>)
      %add3A_122 = arith.constant 1 : i32
      %add3A_123 = arith.addi %mul3A_88, %add3A_122 : i32
      "tpu.region"() ({
        %run_scoped3A = tpu.sem_alloc : memref<!tpu.dma_semaphore, #tpu.memory_space<semaphore_mem>>
        %dma_start3A_124 = arith.constant 0 : i32
        %dma_start3A_125 = tpu.memref_slice %arg8[%add3A_123, %dma_start3A_124] : memref<40x128xi32, #tpu.memory_space<vmem>> -> memref<1x128xi32, #tpu.memory_space<vmem>>
        %dma_start3A_126 = tpu.memref_squeeze %dma_start3A_125 : memref<1x128xi32, #tpu.memory_space<vmem>> -> memref<128xi32, #tpu.memory_space<vmem>>
        %dma_start3A_127 = arith.constant 0 : i32
        %dma_start3A_128 = arith.constant 0 : i32
        %dma_start3A_129 = tpu.memref_slice %arg12[%dma_start3A_127, %dma_start3A_128] : memref<10112x64xf32, #tpu.memory_space<vmem_shared>> -> memref<10112x64xf32, #tpu.memory_space<vmem_shared>>
        tpu.enqueue_indirect_dma source(%arg10 : memref<128x64xf32, #tpu.memory_space<vmem>>) target(%dma_start3A_129 : memref<10112x64xf32, #tpu.memory_space<vmem_shared>>) offsets(%dma_start3A_126 : memref<128xi32, #tpu.memory_space<vmem>>) semaphore(%run_scoped3A : memref<!tpu.dma_semaphore, #tpu.memory_space<semaphore_mem>>) {add = true}
        %dma_wait3A_130 = arith.constant 0 : i32
        %dma_wait3A_131 = tpu.memref_slice %arg8[%add3A_123, %dma_wait3A_130] : memref<40x128xi32, #tpu.memory_space<vmem>> -> memref<1x128xi32, #tpu.memory_space<vmem>>
        %dma_wait3A_132 = tpu.memref_squeeze %dma_wait3A_131 : memref<1x128xi32, #tpu.memory_space<vmem>> -> memref<128xi32, #tpu.memory_space<vmem>>
        %dma_wait3A_133 = arith.constant 0 : i32
        %dma_wait3A_134 = arith.constant 0 : i32
        %dma_wait3A_135 = tpu.memref_slice %arg12[%dma_wait3A_133, %dma_wait3A_134] : memref<10112x64xf32, #tpu.memory_space<vmem_shared>> -> memref<10112x64xf32, #tpu.memory_space<vmem_shared>>
        tpu.wait_indirect_dma semaphore(%run_scoped3A : memref<!tpu.dma_semaphore, #tpu.memory_space<semaphore_mem>>) src(%arg10 : memref<128x64xf32, #tpu.memory_space<vmem>>) dst(%dma_wait3A_135 : memref<10112x64xf32, #tpu.memory_space<vmem_shared>>)
        tpu.yield
      }) : () -> ()
    }
    %scan3A_33 = arith.constant 20 : i32
    %dma_wait3A_34 = arith.constant 0 : i32
    %dma_wait3A_35 = arith.constant 0 : i32
    %dma_wait3A_36 = tpu.memref_slice %arg7[%dma_wait3A_34, %dma_wait3A_35] : memref<40x128xi32, #tpu.memory_space<vmem>> -> memref<1x128xi32, #tpu.memory_space<vmem>>
    %dma_wait3A_37 = tpu.memref_squeeze %dma_wait3A_36 : memref<1x128xi32, #tpu.memory_space<vmem>> -> memref<128xi32, #tpu.memory_space<vmem>>
    %dma_wait3A_38 = arith.constant 0 : i32
    %dma_wait3A_39 = arith.constant 0 : i32
    %dma_wait3A_40 = tpu.memref_slice %arg11[%dma_wait3A_38, %dma_wait3A_39] : memref<10112x64xf32, #tpu.memory_space<vmem_shared>> -> memref<10112x64xf32, #tpu.memory_space<vmem_shared>>
    tpu.wait_indirect_dma semaphore(%arg13 : memref<!tpu.dma_semaphore, #tpu.memory_space<semaphore_mem>>) src(%dma_wait3A_40 : memref<10112x64xf32, #tpu.memory_space<vmem_shared>>) dst(%arg9 : memref<128x64xf32, #tpu.memory_space<vmem>>)
    "tpu.region"() ({
      %run_scoped3A = tpu.sem_alloc : memref<!tpu.dma_semaphore, #tpu.memory_space<semaphore_mem>>
      %dma_start3A_86 = arith.constant 80 : i32
      %dma_start3A_87 = arith.constant 0 : i32
      %dma_start3A_88 = tpu.memref_slice %arg3[%arg1, %dma_start3A_86, %dma_start3A_87] : memref<16x160x128xi32, #tpu.memory_space<hbm>> -> memref<1x40x128xi32, #tpu.memory_space<hbm>>
      %dma_start3A_89 = tpu.memref_squeeze %dma_start3A_88 : memref<1x40x128xi32, #tpu.memory_space<hbm>> -> memref<40x128xi32, #tpu.memory_space<hbm>>
      %dma_start3A_90 = arith.constant 80 : i32
      %dma_start3A_91 = arith.constant 0 : i32
      %dma_start3A_92 = tpu.memref_slice %arg3[%arg1, %dma_start3A_90, %dma_start3A_91] : memref<16x160x128xi32, #tpu.memory_space<hbm>> -> memref<1x40x128xi32, #tpu.memory_space<hbm>>
      %dma_start3A_93 = tpu.memref_squeeze %dma_start3A_92 : memref<1x40x128xi32, #tpu.memory_space<hbm>> -> memref<40x128xi32, #tpu.memory_space<hbm>>
      tpu.enqueue_dma source(%dma_start3A_93 : memref<40x128xi32, #tpu.memory_space<hbm>>) target(%arg7 : memref<40x128xi32, #tpu.memory_space<vmem>>) target_semaphore(%run_scoped3A : memref<!tpu.dma_semaphore, #tpu.memory_space<semaphore_mem>>)
      %dma_wait3A_94 = arith.constant 80 : i32
      %dma_wait3A_95 = arith.constant 0 : i32
      %dma_wait3A_96 = tpu.memref_slice %arg3[%arg1, %dma_wait3A_94, %dma_wait3A_95] : memref<16x160x128xi32, #tpu.memory_space<hbm>> -> memref<1x40x128xi32, #tpu.memory_space<hbm>>
      %dma_wait3A_97 = tpu.memref_squeeze %dma_wait3A_96 : memref<1x40x128xi32, #tpu.memory_space<hbm>> -> memref<40x128xi32, #tpu.memory_space<hbm>>
      %dma_wait3A_98 = arith.constant 80 : i32
      %dma_wait3A_99 = arith.constant 0 : i32
      %dma_wait3A_100 = tpu.memref_slice %arg3[%arg1, %dma_wait3A_98, %dma_wait3A_99] : memref<16x160x128xi32, #tpu.memory_space<hbm>> -> memref<1x40x128xi32, #tpu.memory_space<hbm>>
      %dma_wait3A_101 = tpu.memref_squeeze %dma_wait3A_100 : memref<1x40x128xi32, #tpu.memory_space<hbm>> -> memref<40x128xi32, #tpu.memory_space<hbm>>
      tpu.wait_dma2 semaphore(%run_scoped3A : memref<!tpu.dma_semaphore, #tpu.memory_space<semaphore_mem>>) src(%dma_wait3A_101 : memref<40x128xi32, #tpu.memory_space<hbm>>) dst(%arg7 : memref<40x128xi32, #tpu.memory_space<vmem>>)
      tpu.yield
    }) : () -> ()
    "tpu.region"() ({
      %run_scoped3A = tpu.sem_alloc : memref<!tpu.dma_semaphore, #tpu.memory_space<semaphore_mem>>
      %dma_start3A_86 = arith.constant 80 : i32
      %dma_start3A_87 = arith.constant 0 : i32
      %dma_start3A_88 = tpu.memref_slice %arg4[%arg1, %dma_start3A_86, %dma_start3A_87] : memref<16x160x128xi32, #tpu.memory_space<hbm>> -> memref<1x40x128xi32, #tpu.memory_space<hbm>>
      %dma_start3A_89 = tpu.memref_squeeze %dma_start3A_88 : memref<1x40x128xi32, #tpu.memory_space<hbm>> -> memref<40x128xi32, #tpu.memory_space<hbm>>
      %dma_start3A_90 = arith.constant 80 : i32
      %dma_start3A_91 = arith.constant 0 : i32
      %dma_start3A_92 = tpu.memref_slice %arg4[%arg1, %dma_start3A_90, %dma_start3A_91] : memref<16x160x128xi32, #tpu.memory_space<hbm>> -> memref<1x40x128xi32, #tpu.memory_space<hbm>>
      %dma_start3A_93 = tpu.memref_squeeze %dma_start3A_92 : memref<1x40x128xi32, #tpu.memory_space<hbm>> -> memref<40x128xi32, #tpu.memory_space<hbm>>
      tpu.enqueue_dma source(%dma_start3A_93 : memref<40x128xi32, #tpu.memory_space<hbm>>) target(%arg8 : memref<40x128xi32, #tpu.memory_space<vmem>>) target_semaphore(%run_scoped3A : memref<!tpu.dma_semaphore, #tpu.memory_space<semaphore_mem>>)
      %dma_wait3A_94 = arith.constant 80 : i32
      %dma_wait3A_95 = arith.constant 0 : i32
      %dma_wait3A_96 = tpu.memref_slice %arg4[%arg1, %dma_wait3A_94, %dma_wait3A_95] : memref<16x160x128xi32, #tpu.memory_space<hbm>> -> memref<1x40x128xi32, #tpu.memory_space<hbm>>
      %dma_wait3A_97 = tpu.memref_squeeze %dma_wait3A_96 : memref<1x40x128xi32, #tpu.memory_space<hbm>> -> memref<40x128xi32, #tpu.memory_space<hbm>>
      %dma_wait3A_98 = arith.constant 80 : i32
      %dma_wait3A_99 = arith.constant 0 : i32
      %dma_wait3A_100 = tpu.memref_slice %arg4[%arg1, %dma_wait3A_98, %dma_wait3A_99] : memref<16x160x128xi32, #tpu.memory_space<hbm>> -> memref<1x40x128xi32, #tpu.memory_space<hbm>>
      %dma_wait3A_101 = tpu.memref_squeeze %dma_wait3A_100 : memref<1x40x128xi32, #tpu.memory_space<hbm>> -> memref<40x128xi32, #tpu.memory_space<hbm>>
      tpu.wait_dma2 semaphore(%run_scoped3A : memref<!tpu.dma_semaphore, #tpu.memory_space<semaphore_mem>>) src(%dma_wait3A_101 : memref<40x128xi32, #tpu.memory_space<hbm>>) dst(%arg8 : memref<40x128xi32, #tpu.memory_space<vmem>>)
      tpu.yield
    }) : () -> ()
    %min3A_41 = arith.constant 0 : i32
    %min3A_42 = arith.constant 39 : i32
    %min3A_43 = arith.minsi %min3A_41, %min3A_42 : i32
    %dma_start3A_44 = arith.constant 0 : i32
    %dma_start3A_45 = tpu.memref_slice %arg7[%min3A_43, %dma_start3A_44] : memref<40x128xi32, #tpu.memory_space<vmem>> -> memref<1x128xi32, #tpu.memory_space<vmem>>
    %dma_start3A_46 = tpu.memref_squeeze %dma_start3A_45 : memref<1x128xi32, #tpu.memory_space<vmem>> -> memref<128xi32, #tpu.memory_space<vmem>>
    %dma_start3A_47 = arith.constant 0 : i32
    %dma_start3A_48 = arith.constant 0 : i32
    %dma_start3A_49 = tpu.memref_slice %arg11[%dma_start3A_47, %dma_start3A_48] : memref<10112x64xf32, #tpu.memory_space<vmem_shared>> -> memref<10112x64xf32, #tpu.memory_space<vmem_shared>>
    tpu.enqueue_indirect_dma source(%dma_start3A_49 : memref<10112x64xf32, #tpu.memory_space<vmem_shared>>) target(%arg9 : memref<128x64xf32, #tpu.memory_space<vmem>>) offsets(%dma_start3A_46 : memref<128xi32, #tpu.memory_space<vmem>>) semaphore(%arg13 : memref<!tpu.dma_semaphore, #tpu.memory_space<semaphore_mem>>)
    %scan3A_50 = arith.constant 0 : i32
    %scan3A_51 = arith.constant 0 : i32
    %scan3A_52 = arith.constant 20 : i32
    %scan3A_53 = arith.addi %scan3A_51, %scan3A_52 : i32
    %scan3A_54 = arith.constant 1 : i32
    scf.for %scan3A_86 = %scan3A_51 to %scan3A_53 step %scan3A_54  : i32 {
      %mul3A_87 = arith.constant 2 : i32
      %mul3A_88 = arith.muli %scan3A_86, %mul3A_87 : i32
      %add3A = arith.constant 1 : i32
      %add3A_89 = arith.addi %mul3A_88, %add3A : i32
      %min3A_90 = arith.constant 39 : i32
      %min3A_91 = arith.minsi %add3A_89, %min3A_90 : i32
      %dma_start3A_92 = arith.constant 0 : i32
      %dma_start3A_93 = tpu.memref_slice %arg7[%min3A_91, %dma_start3A_92] : memref<40x128xi32, #tpu.memory_space<vmem>> -> memref<1x128xi32, #tpu.memory_space<vmem>>
      %dma_start3A_94 = tpu.memref_squeeze %dma_start3A_93 : memref<1x128xi32, #tpu.memory_space<vmem>> -> memref<128xi32, #tpu.memory_space<vmem>>
      %dma_start3A_95 = arith.constant 0 : i32
      %dma_start3A_96 = arith.constant 0 : i32
      %dma_start3A_97 = tpu.memref_slice %arg11[%dma_start3A_95, %dma_start3A_96] : memref<10112x64xf32, #tpu.memory_space<vmem_shared>> -> memref<10112x64xf32, #tpu.memory_space<vmem_shared>>
      tpu.enqueue_indirect_dma source(%dma_start3A_97 : memref<10112x64xf32, #tpu.memory_space<vmem_shared>>) target(%arg10 : memref<128x64xf32, #tpu.memory_space<vmem>>) offsets(%dma_start3A_94 : memref<128xi32, #tpu.memory_space<vmem>>) semaphore(%arg14 : memref<!tpu.dma_semaphore, #tpu.memory_space<semaphore_mem>>)
      %dma_wait3A_98 = arith.constant 0 : i32
      %dma_wait3A_99 = arith.constant 0 : i32
      %dma_wait3A_100 = tpu.memref_slice %arg7[%dma_wait3A_98, %dma_wait3A_99] : memref<40x128xi32, #tpu.memory_space<vmem>> -> memref<1x128xi32, #tpu.memory_space<vmem>>
      %dma_wait3A_101 = tpu.memref_squeeze %dma_wait3A_100 : memref<1x128xi32, #tpu.memory_space<vmem>> -> memref<128xi32, #tpu.memory_space<vmem>>
      %dma_wait3A_102 = arith.constant 0 : i32
      %dma_wait3A_103 = arith.constant 0 : i32
      %dma_wait3A_104 = tpu.memref_slice %arg11[%dma_wait3A_102, %dma_wait3A_103] : memref<10112x64xf32, #tpu.memory_space<vmem_shared>> -> memref<10112x64xf32, #tpu.memory_space<vmem_shared>>
      tpu.wait_indirect_dma semaphore(%arg13 : memref<!tpu.dma_semaphore, #tpu.memory_space<semaphore_mem>>) src(%dma_wait3A_104 : memref<10112x64xf32, #tpu.memory_space<vmem_shared>>) dst(%arg9 : memref<128x64xf32, #tpu.memory_space<vmem>>)
      "tpu.region"() ({
        %run_scoped3A = tpu.sem_alloc : memref<!tpu.dma_semaphore, #tpu.memory_space<semaphore_mem>>
        %dma_start3A_124 = arith.constant 0 : i32
        %dma_start3A_125 = tpu.memref_slice %arg8[%mul3A_88, %dma_start3A_124] : memref<40x128xi32, #tpu.memory_space<vmem>> -> memref<1x128xi32, #tpu.memory_space<vmem>>
        %dma_start3A_126 = tpu.memref_squeeze %dma_start3A_125 : memref<1x128xi32, #tpu.memory_space<vmem>> -> memref<128xi32, #tpu.memory_space<vmem>>
        %dma_start3A_127 = arith.constant 0 : i32
        %dma_start3A_128 = arith.constant 0 : i32
        %dma_start3A_129 = tpu.memref_slice %arg12[%dma_start3A_127, %dma_start3A_128] : memref<10112x64xf32, #tpu.memory_space<vmem_shared>> -> memref<10112x64xf32, #tpu.memory_space<vmem_shared>>
        tpu.enqueue_indirect_dma source(%arg9 : memref<128x64xf32, #tpu.memory_space<vmem>>) target(%dma_start3A_129 : memref<10112x64xf32, #tpu.memory_space<vmem_shared>>) offsets(%dma_start3A_126 : memref<128xi32, #tpu.memory_space<vmem>>) semaphore(%run_scoped3A : memref<!tpu.dma_semaphore, #tpu.memory_space<semaphore_mem>>) {add = true}
        %dma_wait3A_130 = arith.constant 0 : i32
        %dma_wait3A_131 = tpu.memref_slice %arg8[%mul3A_88, %dma_wait3A_130] : memref<40x128xi32, #tpu.memory_space<vmem>> -> memref<1x128xi32, #tpu.memory_space<vmem>>
        %dma_wait3A_132 = tpu.memref_squeeze %dma_wait3A_131 : memref<1x128xi32, #tpu.memory_space<vmem>> -> memref<128xi32, #tpu.memory_space<vmem>>
        %dma_wait3A_133 = arith.constant 0 : i32
        %dma_wait3A_134 = arith.constant 0 : i32
        %dma_wait3A_135 = tpu.memref_slice %arg12[%dma_wait3A_133, %dma_wait3A_134] : memref<10112x64xf32, #tpu.memory_space<vmem_shared>> -> memref<10112x64xf32, #tpu.memory_space<vmem_shared>>
        tpu.wait_indirect_dma semaphore(%run_scoped3A : memref<!tpu.dma_semaphore, #tpu.memory_space<semaphore_mem>>) src(%arg9 : memref<128x64xf32, #tpu.memory_space<vmem>>) dst(%dma_wait3A_135 : memref<10112x64xf32, #tpu.memory_space<vmem_shared>>)
        tpu.yield
      }) : () -> ()
      %add3A_105 = arith.constant 2 : i32
      %add3A_106 = arith.addi %mul3A_88, %add3A_105 : i32
      %min3A_107 = arith.constant 39 : i32
      %min3A_108 = arith.minsi %add3A_106, %min3A_107 : i32
      %dma_start3A_109 = arith.constant 0 : i32
      %dma_start3A_110 = tpu.memref_slice %arg7[%min3A_108, %dma_start3A_109] : memref<40x128xi32, #tpu.memory_space<vmem>> -> memref<1x128xi32, #tpu.memory_space<vmem>>
      %dma_start3A_111 = tpu.memref_squeeze %dma_start3A_110 : memref<1x128xi32, #tpu.memory_space<vmem>> -> memref<128xi32, #tpu.memory_space<vmem>>
      %dma_start3A_112 = arith.constant 0 : i32
      %dma_start3A_113 = arith.constant 0 : i32
      %dma_start3A_114 = tpu.memref_slice %arg11[%dma_start3A_112, %dma_start3A_113] : memref<10112x64xf32, #tpu.memory_space<vmem_shared>> -> memref<10112x64xf32, #tpu.memory_space<vmem_shared>>
      tpu.enqueue_indirect_dma source(%dma_start3A_114 : memref<10112x64xf32, #tpu.memory_space<vmem_shared>>) target(%arg9 : memref<128x64xf32, #tpu.memory_space<vmem>>) offsets(%dma_start3A_111 : memref<128xi32, #tpu.memory_space<vmem>>) semaphore(%arg13 : memref<!tpu.dma_semaphore, #tpu.memory_space<semaphore_mem>>)
      %dma_wait3A_115 = arith.constant 0 : i32
      %dma_wait3A_116 = arith.constant 0 : i32
      %dma_wait3A_117 = tpu.memref_slice %arg7[%dma_wait3A_115, %dma_wait3A_116] : memref<40x128xi32, #tpu.memory_space<vmem>> -> memref<1x128xi32, #tpu.memory_space<vmem>>
      %dma_wait3A_118 = tpu.memref_squeeze %dma_wait3A_117 : memref<1x128xi32, #tpu.memory_space<vmem>> -> memref<128xi32, #tpu.memory_space<vmem>>
      %dma_wait3A_119 = arith.constant 0 : i32
      %dma_wait3A_120 = arith.constant 0 : i32
      %dma_wait3A_121 = tpu.memref_slice %arg11[%dma_wait3A_119, %dma_wait3A_120] : memref<10112x64xf32, #tpu.memory_space<vmem_shared>> -> memref<10112x64xf32, #tpu.memory_space<vmem_shared>>
      tpu.wait_indirect_dma semaphore(%arg14 : memref<!tpu.dma_semaphore, #tpu.memory_space<semaphore_mem>>) src(%dma_wait3A_121 : memref<10112x64xf32, #tpu.memory_space<vmem_shared>>) dst(%arg10 : memref<128x64xf32, #tpu.memory_space<vmem>>)
      %add3A_122 = arith.constant 1 : i32
      %add3A_123 = arith.addi %mul3A_88, %add3A_122 : i32
      "tpu.region"() ({
        %run_scoped3A = tpu.sem_alloc : memref<!tpu.dma_semaphore, #tpu.memory_space<semaphore_mem>>
        %dma_start3A_124 = arith.constant 0 : i32
        %dma_start3A_125 = tpu.memref_slice %arg8[%add3A_123, %dma_start3A_124] : memref<40x128xi32, #tpu.memory_space<vmem>> -> memref<1x128xi32, #tpu.memory_space<vmem>>
        %dma_start3A_126 = tpu.memref_squeeze %dma_start3A_125 : memref<1x128xi32, #tpu.memory_space<vmem>> -> memref<128xi32, #tpu.memory_space<vmem>>
        %dma_start3A_127 = arith.constant 0 : i32
        %dma_start3A_128 = arith.constant 0 : i32
        %dma_start3A_129 = tpu.memref_slice %arg12[%dma_start3A_127, %dma_start3A_128] : memref<10112x64xf32, #tpu.memory_space<vmem_shared>> -> memref<10112x64xf32, #tpu.memory_space<vmem_shared>>
        tpu.enqueue_indirect_dma source(%arg10 : memref<128x64xf32, #tpu.memory_space<vmem>>) target(%dma_start3A_129 : memref<10112x64xf32, #tpu.memory_space<vmem_shared>>) offsets(%dma_start3A_126 : memref<128xi32, #tpu.memory_space<vmem>>) semaphore(%run_scoped3A : memref<!tpu.dma_semaphore, #tpu.memory_space<semaphore_mem>>) {add = true}
        %dma_wait3A_130 = arith.constant 0 : i32
        %dma_wait3A_131 = tpu.memref_slice %arg8[%add3A_123, %dma_wait3A_130] : memref<40x128xi32, #tpu.memory_space<vmem>> -> memref<1x128xi32, #tpu.memory_space<vmem>>
        %dma_wait3A_132 = tpu.memref_squeeze %dma_wait3A_131 : memref<1x128xi32, #tpu.memory_space<vmem>> -> memref<128xi32, #tpu.memory_space<vmem>>
        %dma_wait3A_133 = arith.constant 0 : i32
        %dma_wait3A_134 = arith.constant 0 : i32
        %dma_wait3A_135 = tpu.memref_slice %arg12[%dma_wait3A_133, %dma_wait3A_134] : memref<10112x64xf32, #tpu.memory_space<vmem_shared>> -> memref<10112x64xf32, #tpu.memory_space<vmem_shared>>
        tpu.wait_indirect_dma semaphore(%run_scoped3A : memref<!tpu.dma_semaphore, #tpu.memory_space<semaphore_mem>>) src(%arg10 : memref<128x64xf32, #tpu.memory_space<vmem>>) dst(%dma_wait3A_135 : memref<10112x64xf32, #tpu.memory_space<vmem_shared>>)
        tpu.yield
      }) : () -> ()
    }
    %scan3A_55 = arith.constant 20 : i32
    %dma_wait3A_56 = arith.constant 0 : i32
    %dma_wait3A_57 = arith.constant 0 : i32
    %dma_wait3A_58 = tpu.memref_slice %arg7[%dma_wait3A_56, %dma_wait3A_57] : memref<40x128xi32, #tpu.memory_space<vmem>> -> memref<1x128xi32, #tpu.memory_space<vmem>>
    %dma_wait3A_59 = tpu.memref_squeeze %dma_wait3A_58 : memref<1x128xi32, #tpu.memory_space<vmem>> -> memref<128xi32, #tpu.memory_space<vmem>>
    %dma_wait3A_60 = arith.constant 0 : i32
    %dma_wait3A_61 = arith.constant 0 : i32
    %dma_wait3A_62 = tpu.memref_slice %arg11[%dma_wait3A_60, %dma_wait3A_61] : memref<10112x64xf32, #tpu.memory_space<vmem_shared>> -> memref<10112x64xf32, #tpu.memory_space<vmem_shared>>
    tpu.wait_indirect_dma semaphore(%arg13 : memref<!tpu.dma_semaphore, #tpu.memory_space<semaphore_mem>>) src(%dma_wait3A_62 : memref<10112x64xf32, #tpu.memory_space<vmem_shared>>) dst(%arg9 : memref<128x64xf32, #tpu.memory_space<vmem>>)
    "tpu.region"() ({
      %run_scoped3A = tpu.sem_alloc : memref<!tpu.dma_semaphore, #tpu.memory_space<semaphore_mem>>
      %dma_start3A_86 = arith.constant 120 : i32
      %dma_start3A_87 = arith.constant 0 : i32
      %dma_start3A_88 = tpu.memref_slice %arg3[%arg1, %dma_start3A_86, %dma_start3A_87] : memref<16x160x128xi32, #tpu.memory_space<hbm>> -> memref<1x40x128xi32, #tpu.memory_space<hbm>>
      %dma_start3A_89 = tpu.memref_squeeze %dma_start3A_88 : memref<1x40x128xi32, #tpu.memory_space<hbm>> -> memref<40x128xi32, #tpu.memory_space<hbm>>
      %dma_start3A_90 = arith.constant 120 : i32
      %dma_start3A_91 = arith.constant 0 : i32
      %dma_start3A_92 = tpu.memref_slice %arg3[%arg1, %dma_start3A_90, %dma_start3A_91] : memref<16x160x128xi32, #tpu.memory_space<hbm>> -> memref<1x40x128xi32, #tpu.memory_space<hbm>>
      %dma_start3A_93 = tpu.memref_squeeze %dma_start3A_92 : memref<1x40x128xi32, #tpu.memory_space<hbm>> -> memref<40x128xi32, #tpu.memory_space<hbm>>
      tpu.enqueue_dma source(%dma_start3A_93 : memref<40x128xi32, #tpu.memory_space<hbm>>) target(%arg7 : memref<40x128xi32, #tpu.memory_space<vmem>>) target_semaphore(%run_scoped3A : memref<!tpu.dma_semaphore, #tpu.memory_space<semaphore_mem>>)
      %dma_wait3A_94 = arith.constant 120 : i32
      %dma_wait3A_95 = arith.constant 0 : i32
      %dma_wait3A_96 = tpu.memref_slice %arg3[%arg1, %dma_wait3A_94, %dma_wait3A_95] : memref<16x160x128xi32, #tpu.memory_space<hbm>> -> memref<1x40x128xi32, #tpu.memory_space<hbm>>
      %dma_wait3A_97 = tpu.memref_squeeze %dma_wait3A_96 : memref<1x40x128xi32, #tpu.memory_space<hbm>> -> memref<40x128xi32, #tpu.memory_space<hbm>>
      %dma_wait3A_98 = arith.constant 120 : i32
      %dma_wait3A_99 = arith.constant 0 : i32
      %dma_wait3A_100 = tpu.memref_slice %arg3[%arg1, %dma_wait3A_98, %dma_wait3A_99] : memref<16x160x128xi32, #tpu.memory_space<hbm>> -> memref<1x40x128xi32, #tpu.memory_space<hbm>>
      %dma_wait3A_101 = tpu.memref_squeeze %dma_wait3A_100 : memref<1x40x128xi32, #tpu.memory_space<hbm>> -> memref<40x128xi32, #tpu.memory_space<hbm>>
      tpu.wait_dma2 semaphore(%run_scoped3A : memref<!tpu.dma_semaphore, #tpu.memory_space<semaphore_mem>>) src(%dma_wait3A_101 : memref<40x128xi32, #tpu.memory_space<hbm>>) dst(%arg7 : memref<40x128xi32, #tpu.memory_space<vmem>>)
      tpu.yield
    }) : () -> ()
    "tpu.region"() ({
      %run_scoped3A = tpu.sem_alloc : memref<!tpu.dma_semaphore, #tpu.memory_space<semaphore_mem>>
      %dma_start3A_86 = arith.constant 120 : i32
      %dma_start3A_87 = arith.constant 0 : i32
      %dma_start3A_88 = tpu.memref_slice %arg4[%arg1, %dma_start3A_86, %dma_start3A_87] : memref<16x160x128xi32, #tpu.memory_space<hbm>> -> memref<1x40x128xi32, #tpu.memory_space<hbm>>
      %dma_start3A_89 = tpu.memref_squeeze %dma_start3A_88 : memref<1x40x128xi32, #tpu.memory_space<hbm>> -> memref<40x128xi32, #tpu.memory_space<hbm>>
      %dma_start3A_90 = arith.constant 120 : i32
      %dma_start3A_91 = arith.constant 0 : i32
      %dma_start3A_92 = tpu.memref_slice %arg4[%arg1, %dma_start3A_90, %dma_start3A_91] : memref<16x160x128xi32, #tpu.memory_space<hbm>> -> memref<1x40x128xi32, #tpu.memory_space<hbm>>
      %dma_start3A_93 = tpu.memref_squeeze %dma_start3A_92 : memref<1x40x128xi32, #tpu.memory_space<hbm>> -> memref<40x128xi32, #tpu.memory_space<hbm>>
      tpu.enqueue_dma source(%dma_start3A_93 : memref<40x128xi32, #tpu.memory_space<hbm>>) target(%arg8 : memref<40x128xi32, #tpu.memory_space<vmem>>) target_semaphore(%run_scoped3A : memref<!tpu.dma_semaphore, #tpu.memory_space<semaphore_mem>>)
      %dma_wait3A_94 = arith.constant 120 : i32
      %dma_wait3A_95 = arith.constant 0 : i32
      %dma_wait3A_96 = tpu.memref_slice %arg4[%arg1, %dma_wait3A_94, %dma_wait3A_95] : memref<16x160x128xi32, #tpu.memory_space<hbm>> -> memref<1x40x128xi32, #tpu.memory_space<hbm>>
      %dma_wait3A_97 = tpu.memref_squeeze %dma_wait3A_96 : memref<1x40x128xi32, #tpu.memory_space<hbm>> -> memref<40x128xi32, #tpu.memory_space<hbm>>
      %dma_wait3A_98 = arith.constant 120 : i32
      %dma_wait3A_99 = arith.constant 0 : i32
      %dma_wait3A_100 = tpu.memref_slice %arg4[%arg1, %dma_wait3A_98, %dma_wait3A_99] : memref<16x160x128xi32, #tpu.memory_space<hbm>> -> memref<1x40x128xi32, #tpu.memory_space<hbm>>
      %dma_wait3A_101 = tpu.memref_squeeze %dma_wait3A_100 : memref<1x40x128xi32, #tpu.memory_space<hbm>> -> memref<40x128xi32, #tpu.memory_space<hbm>>
      tpu.wait_dma2 semaphore(%run_scoped3A : memref<!tpu.dma_semaphore, #tpu.memory_space<semaphore_mem>>) src(%dma_wait3A_101 : memref<40x128xi32, #tpu.memory_space<hbm>>) dst(%arg8 : memref<40x128xi32, #tpu.memory_space<vmem>>)
      tpu.yield
    }) : () -> ()
    %min3A_63 = arith.constant 0 : i32
    %min3A_64 = arith.constant 39 : i32
    %min3A_65 = arith.minsi %min3A_63, %min3A_64 : i32
    %dma_start3A_66 = arith.constant 0 : i32
    %dma_start3A_67 = tpu.memref_slice %arg7[%min3A_65, %dma_start3A_66] : memref<40x128xi32, #tpu.memory_space<vmem>> -> memref<1x128xi32, #tpu.memory_space<vmem>>
    %dma_start3A_68 = tpu.memref_squeeze %dma_start3A_67 : memref<1x128xi32, #tpu.memory_space<vmem>> -> memref<128xi32, #tpu.memory_space<vmem>>
    %dma_start3A_69 = arith.constant 0 : i32
    %dma_start3A_70 = arith.constant 0 : i32
    %dma_start3A_71 = tpu.memref_slice %arg11[%dma_start3A_69, %dma_start3A_70] : memref<10112x64xf32, #tpu.memory_space<vmem_shared>> -> memref<10112x64xf32, #tpu.memory_space<vmem_shared>>
    tpu.enqueue_indirect_dma source(%dma_start3A_71 : memref<10112x64xf32, #tpu.memory_space<vmem_shared>>) target(%arg9 : memref<128x64xf32, #tpu.memory_space<vmem>>) offsets(%dma_start3A_68 : memref<128xi32, #tpu.memory_space<vmem>>) semaphore(%arg13 : memref<!tpu.dma_semaphore, #tpu.memory_space<semaphore_mem>>)
    %scan3A_72 = arith.constant 0 : i32
    %scan3A_73 = arith.constant 0 : i32
    %scan3A_74 = arith.constant 20 : i32
    %scan3A_75 = arith.addi %scan3A_73, %scan3A_74 : i32
    %scan3A_76 = arith.constant 1 : i32
    scf.for %scan3A_86 = %scan3A_73 to %scan3A_75 step %scan3A_76  : i32 {
      %mul3A_87 = arith.constant 2 : i32
      %mul3A_88 = arith.muli %scan3A_86, %mul3A_87 : i32
      %add3A = arith.constant 1 : i32
      %add3A_89 = arith.addi %mul3A_88, %add3A : i32
      %min3A_90 = arith.constant 39 : i32
      %min3A_91 = arith.minsi %add3A_89, %min3A_90 : i32
      %dma_start3A_92 = arith.constant 0 : i32
      %dma_start3A_93 = tpu.memref_slice %arg7[%min3A_91, %dma_start3A_92] : memref<40x128xi32, #tpu.memory_space<vmem>> -> memref<1x128xi32, #tpu.memory_space<vmem>>
      %dma_start3A_94 = tpu.memref_squeeze %dma_start3A_93 : memref<1x128xi32, #tpu.memory_space<vmem>> -> memref<128xi32, #tpu.memory_space<vmem>>
      %dma_start3A_95 = arith.constant 0 : i32
      %dma_start3A_96 = arith.constant 0 : i32
      %dma_start3A_97 = tpu.memref_slice %arg11[%dma_start3A_95, %dma_start3A_96] : memref<10112x64xf32, #tpu.memory_space<vmem_shared>> -> memref<10112x64xf32, #tpu.memory_space<vmem_shared>>
      tpu.enqueue_indirect_dma source(%dma_start3A_97 : memref<10112x64xf32, #tpu.memory_space<vmem_shared>>) target(%arg10 : memref<128x64xf32, #tpu.memory_space<vmem>>) offsets(%dma_start3A_94 : memref<128xi32, #tpu.memory_space<vmem>>) semaphore(%arg14 : memref<!tpu.dma_semaphore, #tpu.memory_space<semaphore_mem>>)
      %dma_wait3A_98 = arith.constant 0 : i32
      %dma_wait3A_99 = arith.constant 0 : i32
      %dma_wait3A_100 = tpu.memref_slice %arg7[%dma_wait3A_98, %dma_wait3A_99] : memref<40x128xi32, #tpu.memory_space<vmem>> -> memref<1x128xi32, #tpu.memory_space<vmem>>
      %dma_wait3A_101 = tpu.memref_squeeze %dma_wait3A_100 : memref<1x128xi32, #tpu.memory_space<vmem>> -> memref<128xi32, #tpu.memory_space<vmem>>
      %dma_wait3A_102 = arith.constant 0 : i32
      %dma_wait3A_103 = arith.constant 0 : i32
      %dma_wait3A_104 = tpu.memref_slice %arg11[%dma_wait3A_102, %dma_wait3A_103] : memref<10112x64xf32, #tpu.memory_space<vmem_shared>> -> memref<10112x64xf32, #tpu.memory_space<vmem_shared>>
      tpu.wait_indirect_dma semaphore(%arg13 : memref<!tpu.dma_semaphore, #tpu.memory_space<semaphore_mem>>) src(%dma_wait3A_104 : memref<10112x64xf32, #tpu.memory_space<vmem_shared>>) dst(%arg9 : memref<128x64xf32, #tpu.memory_space<vmem>>)
      "tpu.region"() ({
        %run_scoped3A = tpu.sem_alloc : memref<!tpu.dma_semaphore, #tpu.memory_space<semaphore_mem>>
        %dma_start3A_124 = arith.constant 0 : i32
        %dma_start3A_125 = tpu.memref_slice %arg8[%mul3A_88, %dma_start3A_124] : memref<40x128xi32, #tpu.memory_space<vmem>> -> memref<1x128xi32, #tpu.memory_space<vmem>>
        %dma_start3A_126 = tpu.memref_squeeze %dma_start3A_125 : memref<1x128xi32, #tpu.memory_space<vmem>> -> memref<128xi32, #tpu.memory_space<vmem>>
        %dma_start3A_127 = arith.constant 0 : i32
        %dma_start3A_128 = arith.constant 0 : i32
        %dma_start3A_129 = tpu.memref_slice %arg12[%dma_start3A_127, %dma_start3A_128] : memref<10112x64xf32, #tpu.memory_space<vmem_shared>> -> memref<10112x64xf32, #tpu.memory_space<vmem_shared>>
        tpu.enqueue_indirect_dma source(%arg9 : memref<128x64xf32, #tpu.memory_space<vmem>>) target(%dma_start3A_129 : memref<10112x64xf32, #tpu.memory_space<vmem_shared>>) offsets(%dma_start3A_126 : memref<128xi32, #tpu.memory_space<vmem>>) semaphore(%run_scoped3A : memref<!tpu.dma_semaphore, #tpu.memory_space<semaphore_mem>>) {add = true}
        %dma_wait3A_130 = arith.constant 0 : i32
        %dma_wait3A_131 = tpu.memref_slice %arg8[%mul3A_88, %dma_wait3A_130] : memref<40x128xi32, #tpu.memory_space<vmem>> -> memref<1x128xi32, #tpu.memory_space<vmem>>
        %dma_wait3A_132 = tpu.memref_squeeze %dma_wait3A_131 : memref<1x128xi32, #tpu.memory_space<vmem>> -> memref<128xi32, #tpu.memory_space<vmem>>
        %dma_wait3A_133 = arith.constant 0 : i32
        %dma_wait3A_134 = arith.constant 0 : i32
        %dma_wait3A_135 = tpu.memref_slice %arg12[%dma_wait3A_133, %dma_wait3A_134] : memref<10112x64xf32, #tpu.memory_space<vmem_shared>> -> memref<10112x64xf32, #tpu.memory_space<vmem_shared>>
        tpu.wait_indirect_dma semaphore(%run_scoped3A : memref<!tpu.dma_semaphore, #tpu.memory_space<semaphore_mem>>) src(%arg9 : memref<128x64xf32, #tpu.memory_space<vmem>>) dst(%dma_wait3A_135 : memref<10112x64xf32, #tpu.memory_space<vmem_shared>>)
        tpu.yield
      }) : () -> ()
      %add3A_105 = arith.constant 2 : i32
      %add3A_106 = arith.addi %mul3A_88, %add3A_105 : i32
      %min3A_107 = arith.constant 39 : i32
      %min3A_108 = arith.minsi %add3A_106, %min3A_107 : i32
      %dma_start3A_109 = arith.constant 0 : i32
      %dma_start3A_110 = tpu.memref_slice %arg7[%min3A_108, %dma_start3A_109] : memref<40x128xi32, #tpu.memory_space<vmem>> -> memref<1x128xi32, #tpu.memory_space<vmem>>
      %dma_start3A_111 = tpu.memref_squeeze %dma_start3A_110 : memref<1x128xi32, #tpu.memory_space<vmem>> -> memref<128xi32, #tpu.memory_space<vmem>>
      %dma_start3A_112 = arith.constant 0 : i32
      %dma_start3A_113 = arith.constant 0 : i32
      %dma_start3A_114 = tpu.memref_slice %arg11[%dma_start3A_112, %dma_start3A_113] : memref<10112x64xf32, #tpu.memory_space<vmem_shared>> -> memref<10112x64xf32, #tpu.memory_space<vmem_shared>>
      tpu.enqueue_indirect_dma source(%dma_start3A_114 : memref<10112x64xf32, #tpu.memory_space<vmem_shared>>) target(%arg9 : memref<128x64xf32, #tpu.memory_space<vmem>>) offsets(%dma_start3A_111 : memref<128xi32, #tpu.memory_space<vmem>>) semaphore(%arg13 : memref<!tpu.dma_semaphore, #tpu.memory_space<semaphore_mem>>)
      %dma_wait3A_115 = arith.constant 0 : i32
      %dma_wait3A_116 = arith.constant 0 : i32
      %dma_wait3A_117 = tpu.memref_slice %arg7[%dma_wait3A_115, %dma_wait3A_116] : memref<40x128xi32, #tpu.memory_space<vmem>> -> memref<1x128xi32, #tpu.memory_space<vmem>>
      %dma_wait3A_118 = tpu.memref_squeeze %dma_wait3A_117 : memref<1x128xi32, #tpu.memory_space<vmem>> -> memref<128xi32, #tpu.memory_space<vmem>>
      %dma_wait3A_119 = arith.constant 0 : i32
      %dma_wait3A_120 = arith.constant 0 : i32
      %dma_wait3A_121 = tpu.memref_slice %arg11[%dma_wait3A_119, %dma_wait3A_120] : memref<10112x64xf32, #tpu.memory_space<vmem_shared>> -> memref<10112x64xf32, #tpu.memory_space<vmem_shared>>
      tpu.wait_indirect_dma semaphore(%arg14 : memref<!tpu.dma_semaphore, #tpu.memory_space<semaphore_mem>>) src(%dma_wait3A_121 : memref<10112x64xf32, #tpu.memory_space<vmem_shared>>) dst(%arg10 : memref<128x64xf32, #tpu.memory_space<vmem>>)
      %add3A_122 = arith.constant 1 : i32
      %add3A_123 = arith.addi %mul3A_88, %add3A_122 : i32
      "tpu.region"() ({
        %run_scoped3A = tpu.sem_alloc : memref<!tpu.dma_semaphore, #tpu.memory_space<semaphore_mem>>
        %dma_start3A_124 = arith.constant 0 : i32
        %dma_start3A_125 = tpu.memref_slice %arg8[%add3A_123, %dma_start3A_124] : memref<40x128xi32, #tpu.memory_space<vmem>> -> memref<1x128xi32, #tpu.memory_space<vmem>>
        %dma_start3A_126 = tpu.memref_squeeze %dma_start3A_125 : memref<1x128xi32, #tpu.memory_space<vmem>> -> memref<128xi32, #tpu.memory_space<vmem>>
        %dma_start3A_127 = arith.constant 0 : i32
        %dma_start3A_128 = arith.constant 0 : i32
        %dma_start3A_129 = tpu.memref_slice %arg12[%dma_start3A_127, %dma_start3A_128] : memref<10112x64xf32, #tpu.memory_space<vmem_shared>> -> memref<10112x64xf32, #tpu.memory_space<vmem_shared>>
        tpu.enqueue_indirect_dma source(%arg10 : memref<128x64xf32, #tpu.memory_space<vmem>>) target(%dma_start3A_129 : memref<10112x64xf32, #tpu.memory_space<vmem_shared>>) offsets(%dma_start3A_126 : memref<128xi32, #tpu.memory_space<vmem>>) semaphore(%run_scoped3A : memref<!tpu.dma_semaphore, #tpu.memory_space<semaphore_mem>>) {add = true}
        %dma_wait3A_130 = arith.constant 0 : i32
        %dma_wait3A_131 = tpu.memref_slice %arg8[%add3A_123, %dma_wait3A_130] : memref<40x128xi32, #tpu.memory_space<vmem>> -> memref<1x128xi32, #tpu.memory_space<vmem>>
        %dma_wait3A_132 = tpu.memref_squeeze %dma_wait3A_131 : memref<1x128xi32, #tpu.memory_space<vmem>> -> memref<128xi32, #tpu.memory_space<vmem>>
        %dma_wait3A_133 = arith.constant 0 : i32
        %dma_wait3A_134 = arith.constant 0 : i32
        %dma_wait3A_135 = tpu.memref_slice %arg12[%dma_wait3A_133, %dma_wait3A_134] : memref<10112x64xf32, #tpu.memory_space<vmem_shared>> -> memref<10112x64xf32, #tpu.memory_space<vmem_shared>>
        tpu.wait_indirect_dma semaphore(%run_scoped3A : memref<!tpu.dma_semaphore, #tpu.memory_space<semaphore_mem>>) src(%arg10 : memref<128x64xf32, #tpu.memory_space<vmem>>) dst(%dma_wait3A_135 : memref<10112x64xf32, #tpu.memory_space<vmem_shared>>)
        tpu.yield
      }) : () -> ()
    }
    %scan3A_77 = arith.constant 20 : i32
    %dma_wait3A_78 = arith.constant 0 : i32
    %dma_wait3A_79 = arith.constant 0 : i32
    %dma_wait3A_80 = tpu.memref_slice %arg7[%dma_wait3A_78, %dma_wait3A_79] : memref<40x128xi32, #tpu.memory_space<vmem>> -> memref<1x128xi32, #tpu.memory_space<vmem>>
    %dma_wait3A_81 = tpu.memref_squeeze %dma_wait3A_80 : memref<1x128xi32, #tpu.memory_space<vmem>> -> memref<128xi32, #tpu.memory_space<vmem>>
    %dma_wait3A_82 = arith.constant 0 : i32
    %dma_wait3A_83 = arith.constant 0 : i32
    %dma_wait3A_84 = tpu.memref_slice %arg11[%dma_wait3A_82, %dma_wait3A_83] : memref<10112x64xf32, #tpu.memory_space<vmem_shared>> -> memref<10112x64xf32, #tpu.memory_space<vmem_shared>>
    tpu.wait_indirect_dma semaphore(%arg13 : memref<!tpu.dma_semaphore, #tpu.memory_space<semaphore_mem>>) src(%dma_wait3A_84 : memref<10112x64xf32, #tpu.memory_space<vmem_shared>>) dst(%arg9 : memref<128x64xf32, #tpu.memory_space<vmem>>)
    %barrier3A_85 = arith.constant 0 : index
    tpu.barrier barrier_id(%barrier3A_85)
    "tpu.region"() ({
      %run_scoped3A = tpu.sem_alloc : memref<!tpu.dma_semaphore, #tpu.memory_space<semaphore_mem>>
      %dma_start3A_86 = arith.constant 0 : i32
      %dma_start3A_87 = tpu.memref_slice %arg6[%arg0, %mul3A_0, %dma_start3A_86] : memref<2x10112x64xf32, #tpu.memory_space<hbm>> -> memref<1x632x64xf32, #tpu.memory_space<hbm>>
      %dma_start3A_88 = tpu.memref_squeeze %dma_start3A_87 : memref<1x632x64xf32, #tpu.memory_space<hbm>> -> memref<632x64xf32, #tpu.memory_space<hbm>>
      %dma_start3A_89 = arith.constant 0 : i32
      %dma_start3A_90 = tpu.memref_slice %arg12[%mul3A_0, %dma_start3A_89] : memref<10112x64xf32, #tpu.memory_space<vmem_shared>> -> memref<632x64xf32, #tpu.memory_space<vmem_shared>>
      tpu.enqueue_dma source(%dma_start3A_90 : memref<632x64xf32, #tpu.memory_space<vmem_shared>>) target(%dma_start3A_88 : memref<632x64xf32, #tpu.memory_space<hbm>>) target_semaphore(%run_scoped3A : memref<!tpu.dma_semaphore, #tpu.memory_space<semaphore_mem>>)
      %dma_wait3A_91 = arith.constant 0 : i32
      %dma_wait3A_92 = tpu.memref_slice %arg6[%arg0, %mul3A_0, %dma_wait3A_91] : memref<2x10112x64xf32, #tpu.memory_space<hbm>> -> memref<1x632x64xf32, #tpu.memory_space<hbm>>
      %dma_wait3A_93 = tpu.memref_squeeze %dma_wait3A_92 : memref<1x632x64xf32, #tpu.memory_space<hbm>> -> memref<632x64xf32, #tpu.memory_space<hbm>>
      %dma_wait3A_94 = arith.constant 0 : i32
      %dma_wait3A_95 = tpu.memref_slice %arg12[%mul3A_0, %dma_wait3A_94] : memref<10112x64xf32, #tpu.memory_space<vmem_shared>> -> memref<632x64xf32, #tpu.memory_space<vmem_shared>>
      tpu.wait_dma2 semaphore(%run_scoped3A : memref<!tpu.dma_semaphore, #tpu.memory_space<semaphore_mem>>) src(%dma_wait3A_95 : memref<632x64xf32, #tpu.memory_space<vmem_shared>>) dst(%dma_wait3A_93 : memref<632x64xf32, #tpu.memory_space<hbm>>)
      tpu.yield
    }) : () -> ()
    return
  }
}

module attributes {stable_mosaic.version = 14 : i64} {
  func.func @_lin0_body(%arg0: memref<10000x128xf32, #tpu.memory_space<vmem>>, %arg1: memref<128x128xf32, #tpu.memory_space<vmem>>, %arg2: memref<1x128xf32, #tpu.memory_space<vmem>>, %arg3: memref<2x10112x64xf32, #tpu.memory_space<vmem>>) attributes {dimension_semantics = [], scalar_prefetch = 0 : i64, scratch_operands = 0 : i64, tpu.core_type = #tpu.core_type<tc>} {
    %get3A = arith.constant 0 : index
    %get3A_0 = arith.constant 0 : index
    %get3A_1 = vector.load %arg0[%get3A, %get3A_0] : memref<10000x128xf32, #tpu.memory_space<vmem>>, vector<10000x128xf32>
    %get3A_2 = arith.constant 0 : index
    %get3A_3 = arith.constant 0 : index
    %get3A_4 = vector.load %arg1[%get3A_2, %get3A_3] : memref<128x128xf32, #tpu.memory_space<vmem>>, vector<128x128xf32>
    %dot_general3A = arith.constant dense<0.000000e+00> : vector<10000x128xf32>
    %dot_general3A_5 = tpu.matmul %get3A_1, %get3A_4, %dot_general3A {dimension_numbers = #tpu.dot_dimension_numbers<[1], [0], [0], [1], [0, 0, 1, 1], [], []>, transpose_lhs_hint = false} : vector<10000x128xf32>, vector<128x128xf32>, vector<10000x128xf32> -> vector<10000x128xf32>
    %get3A_6 = arith.constant 0 : index
    %get3A_7 = arith.constant 0 : index
    %get3A_8 = vector.load %arg2[%get3A_6, %get3A_7] : memref<1x128xf32, #tpu.memory_space<vmem>>, vector<1x128xf32>
    %add3A = vector.broadcast %get3A_8 : vector<1x128xf32> to vector<10000x128xf32>
    %add3A_9 = arith.addf %dot_general3A_5, %add3A : vector<10000x128xf32>
    %max3A = arith.constant 0.000000e+00 : f32
    %max3A_10 = vector.broadcast %max3A : f32 to vector<10000x128xf32>
    %max3A_11 = arith.maximumf %add3A_9, %max3A_10 : vector<10000x128xf32>
    %slice3A = vector.extract_strided_slice %max3A_11 {offsets = [0, 0], sizes = [10000, 64], strides = [1, 1]} : vector<10000x128xf32> to vector<10000x64xf32>
    %swap3A = arith.constant 0 : index
    %swap3A_12 = arith.constant 0 : index
    %swap3A_13 = arith.constant 0 : index
    %swap3A_14 = vector.load %arg3[%swap3A, %swap3A_12, %swap3A_13] : memref<2x10112x64xf32, #tpu.memory_space<vmem>>, vector<1x10000x64xf32>
    %swap3A_15 = vector.shape_cast %swap3A_14 : vector<1x10000x64xf32> to vector<10000x64xf32>
    %swap3A_16 = vector.shape_cast %slice3A : vector<10000x64xf32> to vector<1x10000x64xf32>
    tpu.vector_store %arg3[%swap3A, %swap3A_12, %swap3A_13], %swap3A_16 {strides = array<i32>} : memref<2x10112x64xf32, #tpu.memory_space<vmem>>, vector<1x10000x64xf32>,
    %slice3A_17 = vector.extract_strided_slice %max3A_11 {offsets = [0, 64], sizes = [10000, 64], strides = [1, 1]} : vector<10000x128xf32> to vector<10000x64xf32>
    %swap3A_18 = arith.constant 1 : index
    %swap3A_19 = arith.constant 0 : index
    %swap3A_20 = arith.constant 0 : index
    %swap3A_21 = vector.load %arg3[%swap3A_18, %swap3A_19, %swap3A_20] : memref<2x10112x64xf32, #tpu.memory_space<vmem>>, vector<1x10000x64xf32>
    %swap3A_22 = vector.shape_cast %swap3A_21 : vector<1x10000x64xf32> to vector<10000x64xf32>
    %swap3A_23 = vector.shape_cast %slice3A_17 : vector<10000x64xf32> to vector<1x10000x64xf32>
    tpu.vector_store %arg3[%swap3A_18, %swap3A_19, %swap3A_20], %swap3A_23 {strides = array<i32>} : memref<2x10112x64xf32, #tpu.memory_space<vmem>>, vector<1x10000x64xf32>,
    %broadcast_in_dim3A = arith.constant 0.000000e+00 : f32
    %broadcast_in_dim3A_24 = vector.broadcast %broadcast_in_dim3A : f32 to vector<112x64xf32>
    %swap3A_25 = arith.constant 0 : index
    %swap3A_26 = arith.constant 10000 : index
    %swap3A_27 = arith.constant 0 : index
    %swap3A_28 = vector.load %arg3[%swap3A_25, %swap3A_26, %swap3A_27] : memref<2x10112x64xf32, #tpu.memory_space<vmem>>, vector<1x112x64xf32>
    %swap3A_29 = vector.shape_cast %swap3A_28 : vector<1x112x64xf32> to vector<112x64xf32>
    %swap3A_30 = vector.shape_cast %broadcast_in_dim3A_24 : vector<112x64xf32> to vector<1x112x64xf32>
    tpu.vector_store %arg3[%swap3A_25, %swap3A_26, %swap3A_27], %swap3A_30 {strides = array<i32>} : memref<2x10112x64xf32, #tpu.memory_space<vmem>>, vector<1x112x64xf32>,
    %swap3A_31 = arith.constant 1 : index
    %swap3A_32 = arith.constant 10000 : index
    %swap3A_33 = arith.constant 0 : index
    %swap3A_34 = vector.load %arg3[%swap3A_31, %swap3A_32, %swap3A_33] : memref<2x10112x64xf32, #tpu.memory_space<vmem>>, vector<1x112x64xf32>
    %swap3A_35 = vector.shape_cast %swap3A_34 : vector<1x112x64xf32> to vector<112x64xf32>
    %swap3A_36 = vector.shape_cast %broadcast_in_dim3A_24 : vector<112x64xf32> to vector<1x112x64xf32>
    tpu.vector_store %arg3[%swap3A_31, %swap3A_32, %swap3A_33], %swap3A_36 {strides = array<i32>} : memref<2x10112x64xf32, #tpu.memory_space<vmem>>, vector<1x112x64xf32>,
    return
  }
}

module attributes {stable_mosaic.version = 14 : i64} {
  func.func @_mix_body(%arg0: memref<2x10112x64xf32, #tpu.memory_space<vmem>>, %arg1: memref<2x10112x64xf32, #tpu.memory_space<vmem>>, %arg2: memref<128x128xf32, #tpu.memory_space<vmem>>, %arg3: memref<2x10112x64xf32, #tpu.memory_space<vmem>>) attributes {dimension_semantics = [], scalar_prefetch = 0 : i64, scratch_operands = 0 : i64, tpu.core_type = #tpu.core_type<tc>} {
    %get3A = arith.constant 0 : index
    %get3A_0 = arith.constant 0 : index
    %get3A_1 = arith.constant 0 : index
    %get3A_2 = vector.load %arg0[%get3A, %get3A_0, %get3A_1] : memref<2x10112x64xf32, #tpu.memory_space<vmem>>, vector<1x10000x64xf32>
    %get3A_3 = vector.shape_cast %get3A_2 : vector<1x10000x64xf32> to vector<10000x64xf32>
    %get3A_4 = arith.constant 1 : index
    %get3A_5 = arith.constant 0 : index
    %get3A_6 = arith.constant 0 : index
    %get3A_7 = vector.load %arg0[%get3A_4, %get3A_5, %get3A_6] : memref<2x10112x64xf32, #tpu.memory_space<vmem>>, vector<1x10000x64xf32>
    %get3A_8 = vector.shape_cast %get3A_7 : vector<1x10000x64xf32> to vector<10000x64xf32>
    %concatenate3A = tpu.concatenate %get3A_3, %get3A_8 in 1 : vector<10000x64xf32>, vector<10000x64xf32> -> vector<10000x128xf32>
    %mul3A = arith.constant 0.899999976 : f32
    %mul3A_9 = vector.broadcast %mul3A : f32 to vector<10000x128xf32>
    %mul3A_10 = arith.mulf %mul3A_9, %concatenate3A : vector<10000x128xf32>
    %get3A_11 = arith.constant 0 : index
    %get3A_12 = arith.constant 0 : index
    %get3A_13 = arith.constant 0 : index
    %get3A_14 = vector.load %arg1[%get3A_11, %get3A_12, %get3A_13] : memref<2x10112x64xf32, #tpu.memory_space<vmem>>, vector<1x10000x64xf32>
    %get3A_15 = vector.shape_cast %get3A_14 : vector<1x10000x64xf32> to vector<10000x64xf32>
    %get3A_16 = arith.constant 1 : index
    %get3A_17 = arith.constant 0 : index
    %get3A_18 = arith.constant 0 : index
    %get3A_19 = vector.load %arg1[%get3A_16, %get3A_17, %get3A_18] : memref<2x10112x64xf32, #tpu.memory_space<vmem>>, vector<1x10000x64xf32>
    %get3A_20 = vector.shape_cast %get3A_19 : vector<1x10000x64xf32> to vector<10000x64xf32>
    %concatenate3A_21 = tpu.concatenate %get3A_15, %get3A_20 in 1 : vector<10000x64xf32>, vector<10000x64xf32> -> vector<10000x128xf32>
    %mul3A_22 = arith.constant 1.000000e-01 : f32
    %mul3A_23 = vector.broadcast %mul3A_22 : f32 to vector<10000x128xf32>
    %mul3A_24 = arith.mulf %mul3A_23, %concatenate3A_21 : vector<10000x128xf32>
    %add3A = arith.addf %mul3A_10, %mul3A_24 : vector<10000x128xf32>
    %get3A_25 = arith.constant 0 : index
    %get3A_26 = arith.constant 0 : index
    %get3A_27 = vector.load %arg2[%get3A_25, %get3A_26] : memref<128x128xf32, #tpu.memory_space<vmem>>, vector<128x128xf32>
    %dot_general3A = arith.constant dense<0.000000e+00> : vector<10000x128xf32>
    %dot_general3A_28 = tpu.matmul %add3A, %get3A_27, %dot_general3A {dimension_numbers = #tpu.dot_dimension_numbers<[1], [0], [0], [1], [0, 0, 1, 1], [], []>, transpose_lhs_hint = false} : vector<10000x128xf32>, vector<128x128xf32>, vector<10000x128xf32> -> vector<10000x128xf32>
    %mul3A_29 = arith.constant 0.594534874 : f32
    %mul3A_30 = vector.broadcast %mul3A_29 : f32 to vector<10000x128xf32>
    %mul3A_31 = arith.mulf %mul3A_30, %add3A : vector<10000x128xf32>
    %mul3A_32 = arith.constant 0.405465096 : f32
    %mul3A_33 = vector.broadcast %mul3A_32 : f32 to vector<10000x128xf32>
    %mul3A_34 = arith.mulf %mul3A_33, %dot_general3A_28 : vector<10000x128xf32>
    %add3A_35 = arith.addf %mul3A_31, %mul3A_34 : vector<10000x128xf32>
    %max3A = arith.constant 0.000000e+00 : f32
    %max3A_36 = vector.broadcast %max3A : f32 to vector<10000x128xf32>
    %max3A_37 = arith.maximumf %add3A_35, %max3A_36 : vector<10000x128xf32>
    %slice3A = vector.extract_strided_slice %max3A_37 {offsets = [0, 0], sizes = [10000, 64], strides = [1, 1]} : vector<10000x128xf32> to vector<10000x64xf32>
    %swap3A = arith.constant 0 : index
    %swap3A_38 = arith.constant 0 : index
    %swap3A_39 = arith.constant 0 : index
    %swap3A_40 = vector.load %arg3[%swap3A, %swap3A_38, %swap3A_39] : memref<2x10112x64xf32, #tpu.memory_space<vmem>>, vector<1x10000x64xf32>
    %swap3A_41 = vector.shape_cast %swap3A_40 : vector<1x10000x64xf32> to vector<10000x64xf32>
    %swap3A_42 = vector.shape_cast %slice3A : vector<10000x64xf32> to vector<1x10000x64xf32>
    tpu.vector_store %arg3[%swap3A, %swap3A_38, %swap3A_39], %swap3A_42 {strides = array<i32>} : memref<2x10112x64xf32, #tpu.memory_space<vmem>>, vector<1x10000x64xf32>,
    %slice3A_43 = vector.extract_strided_slice %max3A_37 {offsets = [0, 64], sizes = [10000, 64], strides = [1, 1]} : vector<10000x128xf32> to vector<10000x64xf32>
    %swap3A_44 = arith.constant 1 : index
    %swap3A_45 = arith.constant 0 : index
    %swap3A_46 = arith.constant 0 : index
    %swap3A_47 = vector.load %arg3[%swap3A_44, %swap3A_45, %swap3A_46] : memref<2x10112x64xf32, #tpu.memory_space<vmem>>, vector<1x10000x64xf32>
    %swap3A_48 = vector.shape_cast %swap3A_47 : vector<1x10000x64xf32> to vector<10000x64xf32>
    %swap3A_49 = vector.shape_cast %slice3A_43 : vector<10000x64xf32> to vector<1x10000x64xf32>
    tpu.vector_store %arg3[%swap3A_44, %swap3A_45, %swap3A_46], %swap3A_49 {strides = array<i32>} : memref<2x10112x64xf32, #tpu.memory_space<vmem>>, vector<1x10000x64xf32>,
    %broadcast_in_dim3A = arith.constant 0.000000e+00 : f32
    %broadcast_in_dim3A_50 = vector.broadcast %broadcast_in_dim3A : f32 to vector<112x64xf32>
    %swap3A_51 = arith.constant 0 : index
    %swap3A_52 = arith.constant 10000 : index
    %swap3A_53 = arith.constant 0 : index
    %swap3A_54 = vector.load %arg3[%swap3A_51, %swap3A_52, %swap3A_53] : memref<2x10112x64xf32, #tpu.memory_space<vmem>>, vector<1x112x64xf32>
    %swap3A_55 = vector.shape_cast %swap3A_54 : vector<1x112x64xf32> to vector<112x64xf32>
    %swap3A_56 = vector.shape_cast %broadcast_in_dim3A_50 : vector<112x64xf32> to vector<1x112x64xf32>
    tpu.vector_store %arg3[%swap3A_51, %swap3A_52, %swap3A_53], %swap3A_56 {strides = array<i32>} : memref<2x10112x64xf32, #tpu.memory_space<vmem>>, vector<1x112x64xf32>,
    %swap3A_57 = arith.constant 1 : index
    %swap3A_58 = arith.constant 10000 : index
    %swap3A_59 = arith.constant 0 : index
    %swap3A_60 = vector.load %arg3[%swap3A_57, %swap3A_58, %swap3A_59] : memref<2x10112x64xf32, #tpu.memory_space<vmem>>, vector<1x112x64xf32>
    %swap3A_61 = vector.shape_cast %swap3A_60 : vector<1x112x64xf32> to vector<112x64xf32>
    %swap3A_62 = vector.shape_cast %broadcast_in_dim3A_50 : vector<112x64xf32> to vector<1x112x64xf32>
    tpu.vector_store %arg3[%swap3A_57, %swap3A_58, %swap3A_59], %swap3A_62 {strides = array<i32>} : memref<2x10112x64xf32, #tpu.memory_space<vmem>>, vector<1x112x64xf32>,
    return
  }
}

module attributes {stable_mosaic.version = 14 : i64} {
  func.func @_final_body(%arg0: memref<2x10112x64xf32, #tpu.memory_space<vmem>>, %arg1: memref<2x10112x64xf32, #tpu.memory_space<vmem>>, %arg2: memref<128x128xf32, #tpu.memory_space<vmem>>, %arg3: memref<128x128xf32, #tpu.memory_space<vmem>>, %arg4: memref<1x128xf32, #tpu.memory_space<vmem>>, %arg5: memref<10000x128xf32, #tpu.memory_space<vmem>>) attributes {dimension_semantics = [], scalar_prefetch = 0 : i64, scratch_operands = 0 : i64, tpu.core_type = #tpu.core_type<tc>} {
    %get3A = arith.constant 0 : index
    %get3A_0 = arith.constant 0 : index
    %get3A_1 = arith.constant 0 : index
    %get3A_2 = vector.load %arg0[%get3A, %get3A_0, %get3A_1] : memref<2x10112x64xf32, #tpu.memory_space<vmem>>, vector<1x10000x64xf32>
    %get3A_3 = vector.shape_cast %get3A_2 : vector<1x10000x64xf32> to vector<10000x64xf32>
    %get3A_4 = arith.constant 1 : index
    %get3A_5 = arith.constant 0 : index
    %get3A_6 = arith.constant 0 : index
    %get3A_7 = vector.load %arg0[%get3A_4, %get3A_5, %get3A_6] : memref<2x10112x64xf32, #tpu.memory_space<vmem>>, vector<1x10000x64xf32>
    %get3A_8 = vector.shape_cast %get3A_7 : vector<1x10000x64xf32> to vector<10000x64xf32>
    %concatenate3A = tpu.concatenate %get3A_3, %get3A_8 in 1 : vector<10000x64xf32>, vector<10000x64xf32> -> vector<10000x128xf32>
    %mul3A = arith.constant 0.899999976 : f32
    %mul3A_9 = vector.broadcast %mul3A : f32 to vector<10000x128xf32>
    %mul3A_10 = arith.mulf %mul3A_9, %concatenate3A : vector<10000x128xf32>
    %get3A_11 = arith.constant 0 : index
    %get3A_12 = arith.constant 0 : index
    %get3A_13 = arith.constant 0 : index
    %get3A_14 = vector.load %arg1[%get3A_11, %get3A_12, %get3A_13] : memref<2x10112x64xf32, #tpu.memory_space<vmem>>, vector<1x10000x64xf32>
    %get3A_15 = vector.shape_cast %get3A_14 : vector<1x10000x64xf32> to vector<10000x64xf32>
    %get3A_16 = arith.constant 1 : index
    %get3A_17 = arith.constant 0 : index
    %get3A_18 = arith.constant 0 : index
    %get3A_19 = vector.load %arg1[%get3A_16, %get3A_17, %get3A_18] : memref<2x10112x64xf32, #tpu.memory_space<vmem>>, vector<1x10000x64xf32>
    %get3A_20 = vector.shape_cast %get3A_19 : vector<1x10000x64xf32> to vector<10000x64xf32>
    %concatenate3A_21 = tpu.concatenate %get3A_15, %get3A_20 in 1 : vector<10000x64xf32>, vector<10000x64xf32> -> vector<10000x128xf32>
    %mul3A_22 = arith.constant 1.000000e-01 : f32
    %mul3A_23 = vector.broadcast %mul3A_22 : f32 to vector<10000x128xf32>
    %mul3A_24 = arith.mulf %mul3A_23, %concatenate3A_21 : vector<10000x128xf32>
    %add3A = arith.addf %mul3A_10, %mul3A_24 : vector<10000x128xf32>
    %get3A_25 = arith.constant 0 : index
    %get3A_26 = arith.constant 0 : index
    %get3A_27 = vector.load %arg2[%get3A_25, %get3A_26] : memref<128x128xf32, #tpu.memory_space<vmem>>, vector<128x128xf32>
    %dot_general3A = arith.constant dense<0.000000e+00> : vector<10000x128xf32>
    %dot_general3A_28 = tpu.matmul %add3A, %get3A_27, %dot_general3A {dimension_numbers = #tpu.dot_dimension_numbers<[1], [0], [0], [1], [0, 0, 1, 1], [], []>, transpose_lhs_hint = false} : vector<10000x128xf32>, vector<128x128xf32>, vector<10000x128xf32> -> vector<10000x128xf32>
    %mul3A_29 = arith.constant 0.776856422 : f32
    %mul3A_30 = vector.broadcast %mul3A_29 : f32 to vector<10000x128xf32>
    %mul3A_31 = arith.mulf %mul3A_30, %add3A : vector<10000x128xf32>
    %mul3A_32 = arith.constant 0.223143548 : f32
    %mul3A_33 = vector.broadcast %mul3A_32 : f32 to vector<10000x128xf32>
    %mul3A_34 = arith.mulf %mul3A_33, %dot_general3A_28 : vector<10000x128xf32>
    %add3A_35 = arith.addf %mul3A_31, %mul3A_34 : vector<10000x128xf32>
    %max3A = arith.constant 0.000000e+00 : f32
    %max3A_36 = vector.broadcast %max3A : f32 to vector<10000x128xf32>
    %max3A_37 = arith.maximumf %add3A_35, %max3A_36 : vector<10000x128xf32>
    %get3A_38 = arith.constant 0 : index
    %get3A_39 = arith.constant 0 : index
    %get3A_40 = vector.load %arg3[%get3A_38, %get3A_39] : memref<128x128xf32, #tpu.memory_space<vmem>>, vector<128x128xf32>
    %dot_general3A_41 = arith.constant dense<0.000000e+00> : vector<10000x128xf32>
    %dot_general3A_42 = tpu.matmul %max3A_37, %get3A_40, %dot_general3A_41 {dimension_numbers = #tpu.dot_dimension_numbers<[1], [0], [0], [1], [0, 0, 1, 1], [], []>, transpose_lhs_hint = false} : vector<10000x128xf32>, vector<128x128xf32>, vector<10000x128xf32> -> vector<10000x128xf32>
    %get3A_43 = arith.constant 0 : index
    %get3A_44 = arith.constant 0 : index
    %get3A_45 = vector.load %arg4[%get3A_43, %get3A_44] : memref<1x128xf32, #tpu.memory_space<vmem>>, vector<1x128xf32>
    %add3A_46 = vector.broadcast %get3A_45 : vector<1x128xf32> to vector<10000x128xf32>
    %add3A_47 = arith.addf %dot_general3A_42, %add3A_46 : vector<10000x128xf32>
    %reduce_max3A = arith.constant dense<0xFF800000> : vector<10000xf32>
    %reduce_max3A_48 = vector.multi_reduction <maximumf>, %add3A_47, %reduce_max3A [1] : vector<10000x128xf32> to vector<10000xf32>
    %broadcast_in_dim3A = vector.shape_cast %reduce_max3A_48 : vector<10000xf32> to vector<10000x1xf32>
    %sub3A = vector.broadcast %broadcast_in_dim3A : vector<10000x1xf32> to vector<10000x128xf32>
    %sub3A_49 = arith.subf %add3A_47, %sub3A : vector<10000x128xf32>
    %exp3A = math.exp %sub3A_49 : vector<10000x128xf32>
    %reduce_sum3A = arith.constant dense<0.000000e+00> : vector<10000xf32>
    %reduce_sum3A_50 = vector.multi_reduction <add>, %exp3A, %reduce_sum3A [1] : vector<10000x128xf32> to vector<10000xf32>
    %broadcast_in_dim3A_51 = vector.shape_cast %reduce_sum3A_50 : vector<10000xf32> to vector<10000x1xf32>
    %log3A = math.log %broadcast_in_dim3A_51 : vector<10000x1xf32>
    %add3A_52 = arith.addf %broadcast_in_dim3A, %log3A : vector<10000x1xf32>
    %sub3A_53 = vector.broadcast %add3A_52 : vector<10000x1xf32> to vector<10000x128xf32>
    %sub3A_54 = arith.subf %add3A_47, %sub3A_53 : vector<10000x128xf32>
    %swap3A = arith.constant 0 : index
    %swap3A_55 = arith.constant 0 : index
    %swap3A_56 = vector.load %arg5[%swap3A, %swap3A_55] : memref<10000x128xf32, #tpu.memory_space<vmem>>, vector<10000x128xf32>
    tpu.vector_store %arg5[%swap3A, %swap3A_55], %sub3A_54 {strides = array<i32>} : memref<10000x128xf32, #tpu.memory_space<vmem>>, vector<10000x128xf32>,
    return
  }
}

</mosaic_0001>

<sc_bundles>
// kernel: kernel.10.cloned.1.call-start
scs
__scs_entry_jumppad:
0x0: {  	(pc) =	sbr.rel $0x88, $3  }
0x1: {  	(tag) =	ssettag $0x0;
	lr =	simm.s32 $0x1  }
0x2: {  	[smem:$0x3F9A] =	sst lr;
	_ =	strace $0xD0000000  }
0x3: {  	_ = 	snop  }
0x4: {  	_ = 	snop  }
0x5: {  	_ = 	snop  }
0x6: {  	_ = 	snop  }
0x7: {  	_ = 	snop  }
__scs_overlays_trampoline_lowered:
0x8: {  	[smem:$0x3FA9] =	sst s0  }
0x9: {  	[smem:$0x3FAA] =	sst s1  }
0xa: {  	[smem:$0x3FAB] =	sst s2  }
0xb: {  	[smem:$0x3FAC] =	sst s3  }
0xc: {  	[smem:$0x3FAD] =	sst s4  }
0xd: {  	[smem:$0x3FAE] =	sst s5  }
0xe: {  	[smem:$0x3FAF] =	sst s6  }
0xf: {  	[smem:$0x3FB0] =	sst s7  }
0x10: {  	[smem:$0x3FB1] =	sst s8  }
0x11: {  	[smem:$0x3FB2] =	sst s9;
	s0 =	simm.s32 @!p0 $0x0  }
0x12: {  	s1 =	sld [smem:$0x3F98];
	s0 =	simm.s32 @p0 $0x1  }
0x13: {  	[smem:$0x3FB3] =	sst s0;
	s0 =	simm.s32 @!p1 $0x0  }
0x14: {  	s2 =	sld [smem:$0x3F97];
	s0 =	simm.s32 @p1 $0x1  }
0x15: {  	[smem:$0x3FB4] =	sst s0;
	s0 =	simm.s32 @!p2 $0x0  }
0x16: {  	s3 =	sld [smem:$0x3FDB];
	s0 =	simm.s32 @p2 $0x1  }
0x17: {  	s4 =	simm.s32 $0x1BF5;
	[smem:$0x3FB6] =	sst s0  }
0x18: {  	s0 =	sld [smem:$0x3F99];
	_ =	swait.ge [sflag:s4], $0x0  }
0x19: {  	s7 =	sld [smem:$0x3F9A]  }
0x1a: {  	s8 =	sadd.s32 $0xFFFFE003, lr  }
0x1b: {  	s9 =	sadd.s32 $0xFFFFFEF7, lr;
	s5 =	simm.s32 $0xFFFFFFFF;
	p2 =	slt.u32 s8, $0xFFFFF086  }
0x1c: {  	p1 =	slt.u32 s9, $0xF7A;
	s5 =	simm.s32 @!p2 $0x0  }
0x1d: {  	s5 =	simm.s32 @p1 $0x1;
	p0 =	seq.s32 s7, s2  }
0x1e: {  	s7 =	smul.u32 @!p0 $0xF7A, s2;
	p2 =	seq.s32 @!p0 s5, $0x0  }
0x1f: {  	s9 =	smul.u32 $0xF7A, s1;
	s8 =	simm.s32 @!p0 $0x1BF5;
	p2 =	por !p2, p0  }
0x20: {  	[sflag:s8] =	ssyncset.s32 @!p0 $0xFFFFF086;
	s6 =	sadd.s32 @!p0 s3, s7;
	s7 =	simm.s32 @!p0 $0x108  }
0x21: {  	s3 =	sadd.s32 s3, s9;
	s6 =	sadd.s32 @!p0 $0x88, s6;
	s7 =	simm.s32 @p2 $0x1082  }
0x22: {  	[simem:s7], [sflag:s8] =	dma.local @!p0 [hbm:s6], $0xF7A  }
0x23: {  	s9 =	sor.u32 $0xD0000000, s2;
	s6 =	simm.s32 $0x108;
	_ =	swait.ge @!p0 [sflag:s8], $0x0  }
0x24: {  	s3 =	sadd.s32 $0x88, s3;
	s6 =	simm.s32 @!p1 $0x1082;
	[sflag:s4] =	ssyncset.s32 $0xFFFFF086  }
0x25: {  	[simem:s6], [sflag:s4] =	dma.local [hbm:s3], $0xF7A  }
0x26: {  	[smem:$0x3F9A] =	sst s1;
	(tag) =	ssettag s2;
	_ =	strace s9  }
0x27: {  	s1 =	sld [smem:$0x3FAA]  }
0x28: {  	s2 =	sld [smem:$0x3FAB]  }
0x29: {  	s4 =	sld [smem:$0x3FAD]  }
0x2a: {  	p0 =	seq.s32 s5, $0x0;
	s5 =	sld [smem:$0x3FAE]  }
0x2b: {  	s6 =	sld [smem:$0x3FAF]  }
0x2c: {  	s7 =	sld [smem:$0x3FB0]  }
0x2d: {  	s3 =	simm.s32 $0x108;
	s8 =	sld [smem:$0x3FB1]  }
0x2e: {  	s3 =	simm.s32 @!p0 $0x1082;
	s9 =	sld [smem:$0x3FB2]  }
0x2f: {  	lr =	sadd.s32 s0, s3;
	s0 =	sld [smem:$0x3FA9]  }
0x30: {  	s3 =	sld [smem:$0x3FAC]  }
0x31: {  	[smem:$0x3FB5] =	sst s10  }
0x32: {  	s10 =	sld [smem:$0x3FB3];
	_ =	sdelay $0x3  }
0x33: {  	p0 =	seq.s32 s10, $0x1;
	s10 =	sld [smem:$0x3FB5];
	_ =	sdelay $0x3  }
0x34: {  	[smem:$0x3FB5] =	sst s10  }
0x35: {  	s10 =	sld [smem:$0x3FB4];
	_ =	sdelay $0x3  }
0x36: {  	p1 =	seq.s32 s10, $0x1;
	s10 =	sld [smem:$0x3FB5];
	_ =	sdelay $0x3  }
0x37: {  	[smem:$0x3FB5] =	sst s10  }
0x38: {  	s10 =	sld [smem:$0x3FB6]  }
0x39: {  	_ = 	snop;
	(pc) =	sbr.ind lr, $3  }
0x3a: {  	_ = 	snop  }
0x3b: {  	_ = 	snop  }
0x3c: {  	p2 =	seq.s32 s10, $0x1;
	s10 =	sld [smem:$0x3FB5]  }
0x3d: {  	_ =	shalt  }
0x3e: {  	_ =	shalt  }
0x3f: {  	_ =	shalt  }
0x40: {  	_ =	shalt  }
0x41: {  	_ =	shalt  }
0x42: {  	_ =	shalt  }
0x43: {  	_ =	shalt  }
0x44: {  	_ =	shalt  }
0x45: {  	_ =	shalt  }
0x46: {  	_ =	shalt  }
0x47: {  	_ =	shalt  }
0x48: {  	_ =	shalt  }
0x49: {  	_ =	shalt  }
0x4a: {  	_ =	shalt  }
0x4b: {  	_ =	shalt  }
0x4c: {  	_ =	shalt  }
0x4d: {  	_ =	shalt  }
0x4e: {  	_ =	shalt  }
0x4f: {  	_ =	shalt  }
0x50: {  	_ =	shalt  }
0x51: {  	_ =	shalt  }
0x52: {  	_ =	shalt  }
0x53: {  	_ =	shalt  }
0x54: {  	_ =	shalt  }
0x55: {  	_ =	shalt  }
0x56: {  	_ =	shalt  }
0x57: {  	_ =	shalt  }
0x58: {  	_ =	shalt  }
0x59: {  	_ =	shalt  }
0x5a: {  	_ =	shalt  }
0x5b: {  	_ =	shalt  }
0x5c: {  	_ =	shalt  }
0x5d: {  	_ =	shalt  }
0x5e: {  	_ =	shalt  }
0x5f: {  	_ =	shalt  }
0x60: {  	_ =	shalt  }
0x61: {  	_ =	shalt  }
0x62: {  	_ =	shalt  }
0x63: {  	_ =	shalt  }
0x64: {  	_ =	shalt  }
0x65: {  	_ =	shalt  }
0x66: {  	_ =	shalt  }
0x67: {  	_ =	shalt  }
0x68: {  	_ =	shalt  }
0x69: {  	_ =	shalt  }
0x6a: {  	_ =	shalt  }
0x6b: {  	_ =	shalt  }
0x6c: {  	_ =	shalt  }
0x6d: {  	_ =	shalt  }
0x6e: {  	_ =	shalt  }
0x6f: {  	_ =	shalt  }
0x70: {  	_ =	shalt  }
0x71: {  	_ =	shalt  }
0x72: {  	_ =	shalt  }
0x73: {  	_ =	shalt  }
0x74: {  	_ =	shalt  }
0x75: {  	_ =	shalt  }
0x76: {  	_ =	shalt  }
0x77: {  	_ =	shalt  }
0x78: {  	_ =	shalt  }
0x79: {  	_ =	shalt  }
0x7a: {  	_ =	shalt  }
0x7b: {  	_ =	shalt  }
0x7c: {  	_ =	shalt  }
0x7d: {  	_ =	shalt  }
0x7e: {  	_ =	shalt  }
0x7f: {  	_ =	shalt  }
0x80: {  	_ =	shalt  }
0x81: {  	_ =	shalt  }
0x82: {  	_ =	shalt  }
0x83: {  	_ =	shalt  }
0x84: {  	_ =	shalt  }
0x85: {  	_ =	shalt  }
0x86: {  	_ =	shalt  }
0x87: {  	_ =	shalt  }
.Lfunc_end0:
.L_simem_size_0:
called_computation.1_lowered:
.L_overlay_start_0:
0x88: {  	s2 =	sld [smem:$0x3FD9]  }
0x89: {  	s3 =	sld [smem:$0x3FFE];
	_ =	sdelay $0x1  }
0x8a: {  	s1 =	srdreg.scid  }
0x8b: {  	s0 =	sand.u32 $0x1, s1  }
0x8c: {  	s17 =	sshll.u32 s0, $0xA;
	s2 =	sadd.s32 s3, s2  }
0x8d: {  	s2 =	sadd.s32 s2, s17  }
0x8e: {  	[smem:$0x3FC1] =	sst s2  }
0x8f: {  	_ = 	snop  }
0x90: {  	s2 =	sld [smem:$0x3FD0];
	(tm) =	ssettm $0x1  }
0x91: {  	s18 =	sld [smem:$0x3FFB];
	_ =	sdelay $0x3  }
0x92: {  	_ =	strace s18  }
0x93: {  	s3 =	sld [smem:$0x3FFC];
	_ =	sdelay $0x3  }
0x94: {  	_ =	strace s3  }
0x95: {  	s3 =	sld [smem:$0x3FFD];
	_ =	sdelay $0x3  }
0x96: {  	_ =	strace s3  }
0x97: {  	_ =	strace $0x8FFFFFFF  }
0x98: {  	s19 =	sld [smem:$0x3FDB];
	_ =	sdelay $0x1  }
0x99: {  	s4 =	simm.s32 $_scs_section_size  }
0x9a: {  	s5 =	simm.s32 $_size__tile_overlayer_lowered;
	s6 =	simm.s32 $_tile_overlayer_lowered  }
0x9b: {  	s22 =	simm.s32 $0x1BFF;
	s21 =	sshll.u32 s6, $0x1;
	s3 =	sadd.s32 s4, s19  }
0x9c: {  	s7 =	simm.s32 $0x0;
	s20 =	sshll.u32 s5, $0x1;
	s5 =	sadd.s32 s21, s3  }
0x9d: {  	[timem:s7], [sflag:s22] =	dma.local [hbm:s5], s20  }
0x9e: {  	_ =	swait.ge [sflag:s22], s20  }
0x9f: {  	s4 =	ssub.s32 $0x0, s20;
	[sflag:s22] =	ssyncset.done $0x0  }
0xa0: {  	[sflag:s22] =	ssyncadd.s32 s4;
	_ =	sdelay $0x1  }
0xa1: {  	s23 =	simm.s32 $0x1B8B  }
0xa2: {  	_ =	swait.ge [sflag:s23], $0x1  }
0xa3: {  	[sflag:s23] =	ssyncset.done $0x0  }
0xa4: {  	s25 =	simm.s32 $0x1B8E;
	s24 =	sld [smem:$0x3FFE];
	[sflag:s23] =	ssyncadd.s32 $0xFFFFFFFF  }
0xa5: {  	s26 =	simm.s32 $execute0_lowered;
	[smem:$0x3FD2] =	sst s25  }
0xa6: {  	s5 =	sshll.u32 s26, $0x1;
	_ =	strace $0x80000049;
	[dreg:$0x1] =	wrdreg $0xFFFFFFFF  }
0xa7: {  	s28 =	simm.s32 $_size_execute0_lowered;
	s3 =	sadd.s32 s3, s5;
	[dreg:$0x0] =	wrdreg $0x0  }
0xa8: {  	s5 =	sshll.u32 s28, $0x1;
	[dreg:$0x2] =	wrdreg s3  }
0xa9: {  	[dreg:$0x3] =	wrdreg s5  }
0xaa: {  	[dreg:$0x4] =	wrdreg $0xC0  }
0xab: {  	_ =	task [dreg:s7], $0x5FFFF  }
0xac: {  	[dreg:$0x1] =	wrdreg $0xFFFFFFFF  }
0xad: {  	[dreg:$0x0] =	wrdreg $0x60  }
0xae: {  	[dreg:$0x2] =	wrdreg s24  }
0xaf: {  	[dreg:$0x3] =	wrdreg s2  }
0xb0: {  	[dreg:$0x4] =	wrdreg $0x106000  }
0xb1: {  	[dreg:$0x5] =	wrdreg $0x68000  }
0xb2: {  	[dreg:$0x6] =	wrdreg $0x9  }
0xb3: {  	_ =	task.clear_ibuf [dreg:s7], $0x7FFFF;
	_ =	strace $0x90000049  }
0xb4: {  	s29 =	simm.s32 $0x9;
	_ =	strace $0x8000004B  }
0xb5: {  	_ =	swait.ge [sflag:s29], $0x1  }
0xb6: {  	[sflag:s29] =	ssyncadd.s32 $0xFFFFFFFF  }
0xb7: {  	_ =	strace $0x9000004B  }
0xb8: {  	_ =	sfence  }
0xb9: {  	s30 =	sld [smem:$0x0];
	_ =	sdelay $0x2  }
0xba: {  	s31 =	sshll.u32 s1, $0xD;
	s1 =	sshrl.u32 s1, $0x2  }
0xbb: {  	s3 =	sand.u32 $0x4000, s31;
	s1 =	sadd.s32 s1, s30  }
0xbc: {  	s0 =	sor.u32 s3, s0;
	s1 =	sshll.u32 s1, $0x11  }
0xbd: {  	s0 =	sor.u32 s1, s0  }
0xbe: {  	s0 =	sadd.s32 $0x8F2B, s0  }
0xbf: {  	[sflag:s0] =	ssyncadd.remote.s32 $0x1  }
0xc0: {  	_ =	sfence.sel $0xFFFF  }
0xc1: {  	[dreg:$0x0] =	wrdreg $0xFFFFFFFF;
	(pc) =	sbr.abs _section_cstart, $3  }
0xc2: {  	[dreg:$0x1] =	wrdreg $0xFFFFFFFF  }
0xc3: {  	_ =	task.clear_ibuf [dreg:s7], $0x2FFFF;
	_ =	strace $0x9FFFFFFF  }
0xc4: {  	(tm) =	ssettm $0x7FFFFFFF  }
0xc5: {  	_ =	shalt  }
tec
execute0_lowered:
.L_overlay_start_1:
0x0: {  	(tag) =	ssettag $0x1  }
0x1: {  	s0 =	rddreg [dreg:$0x0]  }
0x2: {  	s1 =	rddreg [dreg:$0x1]  }
0x3: {  	s2 =	rddreg [dreg:$0x2]  }
0x4: {  	s3 =	rddreg [dreg:$0x3];
	s5 =	srdreg.scid  }
0x5: {  	s10 =	stileid.u32;
	s4 =	simm.s32 $0x0;
	s19 =	simm.s32 $0x3  }
0x6: {  	s21 =	simm.s32 $0x1400;
	s28 =	simm.s32 $0x1380;
	s29 =	simm.s32 $0x2700  }
0x7: {  	s30 =	simm.s32 $0x2780;
	s31 =	simm.s32 $0x0;
	s5 =	sand.u32 $0x1, s5  }
0x8: {  	s8 =	smul.u32 $0x9E00, s10;
	[smem:$0x7FF] =	sst s4;
	s16 =	sadd.s32 $0x77400, s0  }
0x9: {  	s7 =	sadd.s32 $0x81400, s0;
	s9 =	smul.u32 $0x5000, s10;
	s23 =	sshll.u32 s10, $0x6  }
0xa: {  	s6 =	smul.u32 $0x9E000, s5;
	_ =	strace $0x8000004A;
	[dreg:$0x5] =	wrdreg s7  }
0xb: {  	s5 =	ssub.s32 $0x2, s5;
	s7 =	sor.u32 $0x1C03, s23;
	s23 =	simm.s32 $0x2800  }
0xc: {  	s22 =	sshrl.u32 s5, $0x1;
	s24 =	sadd.s32 s8, s2;
	s13 =	sshrl.u32 s9, $0x3  }
0xd: {  	s20 =	sadd.s32 s8, s3;
	s6 =	sadd.s32 s8, s6;
	s5 =	ssub.s32 s5, s22  }
0xe: {  	[dreg:$0x6] =	wrdreg s24;
	s12 =	sadd.s32 $0x280, s13;
	s26 =	sadd.s32 s1, s13  }
0xf: {  	s10 =	sadd.s32 s16, s13;
	s14 =	sadd.s32 $0x500, s13;
	s17 =	sadd.s32 $0x780, s13  }
0x10: {  	s20 =	sshrl.u32 s20, $0x3;
	s22 =	simm.s32 $0x80;
	s24 =	simm.s32 $0x4800  }
0x11: {  	s6 =	sshrl.u32 s6, $0x3;
	[dreg:$0x8] =	wrdreg s26;
	s11 =	sadd.s32 s1, s12  }
0x12: {  	s12 =	sadd.s32 s16, s12;
	s13 =	sadd.s32 s1, s14;
	s14 =	sadd.s32 s16, s14  }
0x13: {  	s15 =	sadd.s32 s1, s17;
	s16 =	sadd.s32 s16, s17;
	s0 =	sadd.s32 s6, s0  }
0x14: {  	s18 =	smax.u32 s5, $0x1;
	s26 =	simm.s32 $0x2;
	s25 =	sadd.s32 $0x4FC00, s0  }
0x15: {  	s17 =	sadd.s32 $0x82800, s0;
	[dreg:$0x7] =	wrdreg s25;
	s25 =	simm.s32 $0x1  }
.LBB2_1:
0x16: {  	s0 =	rddreg [dreg:$0x6]  }
0x17: {  	s1 =	rddreg [dreg:$0x5];
	s0 =	sshrl.u32 s0, $0x3  }
0x18: {  	[spmem:s0], [sflag:s7] =	dma.local [hbm:s1], $0x13C0  }
0x19: {  	_ =	swait.ge [sflag:s19], $0x13C0  }
0x1a: {  	[sflag:s19] =	ssyncset.done $0x0  }
0x1b: {  	s8 =	rddreg [dreg:$0x7];
	[sflag:s19] =	ssyncadd.s32 $0xFFFFEC40  }
0x1c: {  	[spmem:s20], [sflag:s7] =	dma.local [hbm:s8], $0x13C0  }
0x1d: {  	_ =	swait.ge [sflag:s19], $0x13C0  }
0x1e: {  	[sflag:s19] =	ssyncset.done $0x0  }
0x1f: {  	[sflag:s19] =	ssyncadd.s32 $0xFFFFEC40  }
0x20: {  	[bflag:$0x0] =	sbarrier.arrive $0xFFFF  }
0x21: {  	s9 =	rddreg [dreg:$0x8]  }
0x22: {  	[tilespmem:s4], [sflag:$0x3] =	stream.linear.gather [hbm4b:s9+s4], $0x1400, $0x38;
	[tilespmem:$0x1A400] =	vst v63  }
0x23: {  	_ =	swait.ge [sflag:s19], $0x1400  }
0x24: {  	[sflag:s19] =	ssyncset.done $0x0  }
0x25: {  	[sflag:s19] =	ssyncadd.s32 $0xFFFFEC00  }
0x26: {  	[tilespmem:s21], [sflag:$0x3] =	stream.linear.gather [hbm4b:s10+s4], $0x1400, $0x38;
	[tilespmem:$0x1A400] =	vst v63  }
0x27: {  	_ =	swait.ge [sflag:s19], $0x1400  }
0x28: {  	[sflag:s19] =	ssyncset.done $0x0  }
0x29: {  	[sflag:s19] =	ssyncadd.s32 $0xFFFFEC00  }
0x2a: {  	[tilespmem:s23], [sflag:$0x1] =	stream.indirect.gather [spmem:s3], $0x40, s4, s22, $0xb8;
	[tilespmem:$0x1A400] =	vst v63  }
0x2b: {  	s5 =	simm.s32 $0x80  }
0x2c: {  	[tilespmem:s24], [sflag:$0x2] =	stream.indirect.gather [spmem:s3], $0x40, s5, s22, $0xb8;
	[tilespmem:$0x1A400] =	vst v63  }
0x2d: {  	_ =	swait.ge [sflag:s25], $0x2000  }
0x2e: {  	[sflag:s25] =	ssyncset.done $0x0  }
0x2f: {  	s6 =	simm.s32 $0x1400;
	[sflag:s25] =	ssyncadd.s32 $0xFFFFE000  }
0x30: {  	[spmem:s2] =	stream.indirect.scatter.add.f32 [tilespmem:s23], [sflag:$0x3], $0x40, s6, s22, $0xb8;
	[tilespmem:$0x1A400] =	vst v63  }
0x31: {  	_ =	swait.ge [sflag:s19], $0x2000  }
0x32: {  	[sflag:s19] =	ssyncset.done $0x0  }
0x33: {  	s8 =	simm.s32 $0x100;
	[sflag:s19] =	ssyncadd.s32 $0xFFFFE000  }
0x34: {  	[tilespmem:s23], [sflag:$0x1] =	stream.indirect.gather [spmem:s3], $0x40, s8, s22, $0xb8;
	[tilespmem:$0x1A400] =	vst v63  }
0x35: {  	_ =	swait.ge [sflag:s26], $0x2000  }
0x36: {  	[sflag:s26] =	ssyncset.done $0x0  }
0x37: {  	s9 =	simm.s32 $0x1480;
	[sflag:s26] =	ssyncadd.s32 $0xFFFFE000  }
0x38: {  	[spmem:s2] =	stream.indirect.scatter.add.f32 [tilespmem:s24], [sflag:$0x3], $0x40, s9, s22, $0xb8;
	[tilespmem:$0x1A400] =	vst v63  }
0x39: {  	_ =	swait.ge [sflag:s19], $0x2000  }
0x3a: {  	s1 =	simm.s32 $0x100;
	s5 =	simm.s32 $0x800;
	[sflag:s19] =	ssyncset.done $0x0  }
.LBB2_2:
0x3b: {  	s6 =	sadd.s32 $0x80, s1  }
0x3c: {  	[sflag:s19] =	ssyncadd.s32 $0xFFFFE000;
	s8 =	smov.u32 s5;
	s9 =	sadd.s32 $0x400, s5  }
0x3d: {  	[tilespmem:s24], [sflag:$0x2] =	stream.indirect.gather [spmem:s3], $0x40, s6, s22, $0xb8;
	[tilespmem:$0x1A400] =	vst v63  }
0x3e: {  	p0 =	sne.s32 s5, $0x4800;
	_ =	swait.ge [sflag:s25], $0x2000  }
0x3f: {  	[sflag:s25] =	ssyncset.done $0x0  }
0x40: {  	s5 =	sadd.s32 $0x1400, s1;
	[sflag:s25] =	ssyncadd.s32 $0xFFFFE000  }
0x41: {  	[spmem:s2] =	stream.indirect.scatter.add.f32 [tilespmem:s23], [sflag:$0x3], $0x40, s5, s22, $0xb8;
	[tilespmem:$0x1A400] =	vst v63  }
0x42: {  	_ =	swait.ge [sflag:s19], $0x2000  }
0x43: {  	[sflag:s19] =	ssyncset.done $0x0  }
0x44: {  	s5 =	sadd.s32 $0x100, s1;
	[sflag:s19] =	ssyncadd.s32 $0xFFFFE000  }
0x45: {  	[tilespmem:s23], [sflag:$0x1] =	stream.indirect.gather [spmem:s3], $0x40, s5, s22, $0xb8;
	[tilespmem:$0x1A400] =	vst v63  }
0x46: {  	_ =	swait.ge [sflag:s26], $0x2000  }
.Ltmp0:
0x47: {  	[sflag:s26] =	ssyncset.done $0x0;
	(pc) =	sbr.rel @p0 .LBB2_2-.Ltmp0, $4  }
0x48: {  	s1 =	sadd.s32 $0x1480, s1;
	[sflag:s26] =	ssyncadd.s32 $0xFFFFE000  }
0x49: {  	[spmem:s2] =	stream.indirect.scatter.add.f32 [tilespmem:s24], [sflag:$0x3], $0x40, s1, s22, $0xb8;
	[tilespmem:$0x1A400] =	vst v63  }
0x4a: {  	_ =	swait.ge [sflag:s19], $0x2000  }
0x4b: {  	s5 =	smov.u32 s9;
	s1 =	sshra.s32 s8, $0x2;
	[sflag:s19] =	ssyncset.done $0x0  }
0x4c: {  	s5 =	sadd.s32 $0x80, s1;
	[sflag:s19] =	ssyncadd.s32 $0xFFFFE000  }
0x4d: {  	[tilespmem:s24], [sflag:$0x2] =	stream.indirect.gather [spmem:s3], $0x40, s5, s22, $0xb8;
	[tilespmem:$0x1A400] =	vst v63  }
0x4e: {  	_ =	swait.ge [sflag:s25], $0x2000  }
0x4f: {  	[sflag:s25] =	ssyncset.done $0x0  }
0x50: {  	s9 =	sadd.s32 $0x1400, s1;
	[sflag:s25] =	ssyncadd.s32 $0xFFFFE000  }
0x51: {  	[spmem:s2] =	stream.indirect.scatter.add.f32 [tilespmem:s23], [sflag:$0x3], $0x40, s9, s22, $0xb8;
	[tilespmem:$0x1A400] =	vst v63  }
0x52: {  	_ =	swait.ge [sflag:s19], $0x2000  }
0x53: {  	[sflag:s19] =	ssyncset.done $0x0  }
0x54: {  	s6 =	sadd.s32 $0x100, s1;
	[sflag:s19] =	ssyncadd.s32 $0xFFFFE000  }
0x55: {  	[tilespmem:s23], [sflag:$0x1] =	stream.indirect.gather [spmem:s3], $0x40, s6, s22, $0xb8;
	[tilespmem:$0x1A400] =	vst v63  }
0x56: {  	_ =	swait.ge [sflag:s26], $0x2000  }
0x57: {  	[sflag:s26] =	ssyncset.done $0x0  }
0x58: {  	s8 =	sadd.s32 $0x1480, s1;
	[sflag:s26] =	ssyncadd.s32 $0xFFFFE000  }
0x59: {  	[spmem:s2] =	stream.indirect.scatter.add.f32 [tilespmem:s24], [sflag:$0x3], $0x40, s8, s22, $0xb8;
	[tilespmem:$0x1A400] =	vst v63  }
0x5a: {  	_ =	swait.ge [sflag:s19], $0x2000  }
0x5b: {  	[sflag:s19] =	ssyncset.done $0x0  }
0x5c: {  	[sflag:s19] =	ssyncadd.s32 $0xFFFFE000  }
0x5d: {  	[tilespmem:s24], [sflag:$0x2] =	stream.indirect.gather [spmem:s3], $0x40, s28, s22, $0xb8;
	[tilespmem:$0x1A400] =	vst v63  }
0x5e: {  	_ =	swait.ge [sflag:s25], $0x2000  }
0x5f: {  	[sflag:s25] =	ssyncset.done $0x0  }
0x60: {  	[sflag:s25] =	ssyncadd.s32 $0xFFFFE000  }
0x61: {  	[spmem:s2] =	stream.indirect.scatter.add.f32 [tilespmem:s23], [sflag:$0x3], $0x40, s29, s22, $0xb8;
	[tilespmem:$0x1A400] =	vst v63  }
0x62: {  	_ =	swait.ge [sflag:s19], $0x2000  }
0x63: {  	[sflag:s19] =	ssyncset.done $0x0  }
0x64: {  	[sflag:s19] =	ssyncadd.s32 $0xFFFFE000  }
0x65: {  	[tilespmem:s23], [sflag:$0x1] =	stream.indirect.gather [spmem:s3], $0x40, s28, s22, $0xb8;
	[tilespmem:$0x1A400] =	vst v63  }
0x66: {  	_ =	swait.ge [sflag:s26], $0x2000  }
0x67: {  	[sflag:s26] =	ssyncset.done $0x0  }
0x68: {  	[sflag:s26] =	ssyncadd.s32 $0xFFFFE000  }
0x69: {  	[spmem:s2] =	stream.indirect.scatter.add.f32 [tilespmem:s24], [sflag:$0x3], $0x40, s30, s22, $0xb8;
	[tilespmem:$0x1A400] =	vst v63  }
0x6a: {  	_ =	swait.ge [sflag:s19], $0x2000  }
0x6b: {  	[sflag:s19] =	ssyncset.done $0x0  }
0x6c: {  	[sflag:s19] =	ssyncadd.s32 $0xFFFFE000  }
0x6d: {  	_ =	swait.ge [sflag:s25], $0x2000  }
0x6e: {  	[sflag:s25] =	ssyncset.done $0x0  }
0x6f: {  	s9 =	simm.s32 $0x0;
	[sflag:s25] =	ssyncadd.s32 $0xFFFFE000  }
0x70: {  	[tilespmem:s9], [sflag:$0x3] =	stream.linear.gather [hbm4b:s11+s9], $0x1400, $0x38;
	[tilespmem:$0x1A400] =	vst v63  }
0x71: {  	_ =	swait.ge [sflag:s19], $0x1400  }
0x72: {  	[sflag:s19] =	ssyncset.done $0x0  }
0x73: {  	[sflag:s19] =	ssyncadd.s32 $0xFFFFEC00  }
0x74: {  	[tilespmem:s21], [sflag:$0x3] =	stream.linear.gather [hbm4b:s12+s9], $0x1400, $0x38;
	[tilespmem:$0x1A400] =	vst v63  }
0x75: {  	_ =	swait.ge [sflag:s19], $0x1400  }
0x76: {  	[sflag:s19] =	ssyncset.done $0x0  }
0x77: {  	[sflag:s19] =	ssyncadd.s32 $0xFFFFEC00  }
0x78: {  	[tilespmem:s23], [sflag:$0x1] =	stream.indirect.gather [spmem:s3], $0x40, s9, s22, $0xb8;
	[tilespmem:$0x1A400] =	vst v63  }
0x79: {  	s5 =	simm.s32 $0x80  }
0x7a: {  	[tilespmem:s24], [sflag:$0x2] =	stream.indirect.gather [spmem:s3], $0x40, s5, s22, $0xb8;
	[tilespmem:$0x1A400] =	vst v63  }
0x7b: {  	_ =	swait.ge [sflag:s25], $0x2000  }
0x7c: {  	[sflag:s25] =	ssyncset.done $0x0  }
0x7d: {  	s6 =	simm.s32 $0x1400;
	[sflag:s25] =	ssyncadd.s32 $0xFFFFE000  }
0x7e: {  	[spmem:s2] =	stream.indirect.scatter.add.f32 [tilespmem:s23], [sflag:$0x3], $0x40, s6, s22, $0xb8;
	[tilespmem:$0x1A400] =	vst v63  }
0x7f: {  	_ =	swait.ge [sflag:s19], $0x2000  }
0x80: {  	[sflag:s19] =	ssyncset.done $0x0  }
0x81: {  	s8 =	simm.s32 $0x100;
	[sflag:s19] =	ssyncadd.s32 $0xFFFFE000  }
0x82: {  	[tilespmem:s23], [sflag:$0x1] =	stream.indirect.gather [spmem:s3], $0x40, s8, s22, $0xb8;
	[tilespmem:$0x1A400] =	vst v63  }
0x83: {  	_ =	swait.ge [sflag:s26], $0x2000  }
0x84: {  	[sflag:s26] =	ssyncset.done $0x0  }
0x85: {  	s9 =	simm.s32 $0x1480;
	[sflag:s26] =	ssyncadd.s32 $0xFFFFE000  }
0x86: {  	[spmem:s2] =	stream.indirect.scatter.add.f32 [tilespmem:s24], [sflag:$0x3], $0x40, s9, s22, $0xb8;
	[tilespmem:$0x1A400] =	vst v63  }
0x87: {  	_ =	swait.ge [sflag:s19], $0x2000  }
0x88: {  	s1 =	simm.s32 $0x100;
	s5 =	simm.s32 $0x800;
	[sflag:s19] =	ssyncset.done $0x0  }
.LBB2_4:
0x89: {  	s6 =	sadd.s32 $0x80, s1  }
0x8a: {  	[sflag:s19] =	ssyncadd.s32 $0xFFFFE000;
	s8 =	smov.u32 s5;
	s9 =	sadd.s32 $0x400, s5  }
0x8b: {  	[tilespmem:s24], [sflag:$0x2] =	stream.indirect.gather [spmem:s3], $0x40, s6, s22, $0xb8;
	[tilespmem:$0x1A400] =	vst v63  }
0x8c: {  	p0 =	sne.s32 s5, $0x4800;
	_ =	swait.ge [sflag:s25], $0x2000  }
0x8d: {  	[sflag:s25] =	ssyncset.done $0x0  }
0x8e: {  	s5 =	sadd.s32 $0x1400, s1;
	[sflag:s25] =	ssyncadd.s32 $0xFFFFE000  }
0x8f: {  	[spmem:s2] =	stream.indirect.scatter.add.f32 [tilespmem:s23], [sflag:$0x3], $0x40, s5, s22, $0xb8;
	[tilespmem:$0x1A400] =	vst v63  }
0x90: {  	_ =	swait.ge [sflag:s19], $0x2000  }
0x91: {  	[sflag:s19] =	ssyncset.done $0x0  }
0x92: {  	s5 =	sadd.s32 $0x100, s1;
	[sflag:s19] =	ssyncadd.s32 $0xFFFFE000  }
0x93: {  	[tilespmem:s23], [sflag:$0x1] =	stream.indirect.gather [spmem:s3], $0x40, s5, s22, $0xb8;
	[tilespmem:$0x1A400] =	vst v63  }
0x94: {  	_ =	swait.ge [sflag:s26], $0x2000  }
.Ltmp1:
0x95: {  	[sflag:s26] =	ssyncset.done $0x0;
	(pc) =	sbr.rel @p0 .LBB2_4-.Ltmp1, $4  }
0x96: {  	s1 =	sadd.s32 $0x1480, s1;
	[sflag:s26] =	ssyncadd.s32 $0xFFFFE000  }
0x97: {  	[spmem:s2] =	stream.indirect.scatter.add.f32 [tilespmem:s24], [sflag:$0x3], $0x40, s1, s22, $0xb8;
	[tilespmem:$0x1A400] =	vst v63  }
0x98: {  	_ =	swait.ge [sflag:s19], $0x2000  }
0x99: {  	s5 =	smov.u32 s9;
	s1 =	sshra.s32 s8, $0x2;
	[sflag:s19] =	ssyncset.done $0x0  }
0x9a: {  	s5 =	sadd.s32 $0x80, s1;
	[sflag:s19] =	ssyncadd.s32 $0xFFFFE000  }
0x9b: {  	[tilespmem:s24], [sflag:$0x2] =	stream.indirect.gather [spmem:s3], $0x40, s5, s22, $0xb8;
	[tilespmem:$0x1A400] =	vst v63  }
0x9c: {  	_ =	swait.ge [sflag:s25], $0x2000  }
0x9d: {  	[sflag:s25] =	ssyncset.done $0x0  }
0x9e: {  	s9 =	sadd.s32 $0x1400, s1;
	[sflag:s25] =	ssyncadd.s32 $0xFFFFE000  }
0x9f: {  	[spmem:s2] =	stream.indirect.scatter.add.f32 [tilespmem:s23], [sflag:$0x3], $0x40, s9, s22, $0xb8;
	[tilespmem:$0x1A400] =	vst v63  }
0xa0: {  	_ =	swait.ge [sflag:s19], $0x2000  }
0xa1: {  	[sflag:s19] =	ssyncset.done $0x0  }
0xa2: {  	s6 =	sadd.s32 $0x100, s1;
	[sflag:s19] =	ssyncadd.s32 $0xFFFFE000  }
0xa3: {  	[tilespmem:s23], [sflag:$0x1] =	stream.indirect.gather [spmem:s3], $0x40, s6, s22, $0xb8;
	[tilespmem:$0x1A400] =	vst v63  }
0xa4: {  	_ =	swait.ge [sflag:s26], $0x2000  }
0xa5: {  	[sflag:s26] =	ssyncset.done $0x0  }
0xa6: {  	s8 =	sadd.s32 $0x1480, s1;
	[sflag:s26] =	ssyncadd.s32 $0xFFFFE000  }
0xa7: {  	[spmem:s2] =	stream.indirect.scatter.add.f32 [tilespmem:s24], [sflag:$0x3], $0x40, s8, s22, $0xb8;
	[tilespmem:$0x1A400] =	vst v63  }
0xa8: {  	_ =	swait.ge [sflag:s19], $0x2000  }
0xa9: {  	[sflag:s19] =	ssyncset.done $0x0  }
0xaa: {  	[sflag:s19] =	ssyncadd.s32 $0xFFFFE000  }
0xab: {  	[tilespmem:s24], [sflag:$0x2] =	stream.indirect.gather [spmem:s3], $0x40, s28, s22, $0xb8;
	[tilespmem:$0x1A400] =	vst v63  }
0xac: {  	_ =	swait.ge [sflag:s25], $0x2000  }
0xad: {  	[sflag:s25] =	ssyncset.done $0x0  }
0xae: {  	[sflag:s25] =	ssyncadd.s32 $0xFFFFE000  }
0xaf: {  	[spmem:s2] =	stream.indirect.scatter.add.f32 [tilespmem:s23], [sflag:$0x3], $0x40, s29, s22, $0xb8;
	[tilespmem:$0x1A400] =	vst v63  }
0xb0: {  	_ =	swait.ge [sflag:s19], $0x2000  }
0xb1: {  	[sflag:s19] =	ssyncset.done $0x0  }
0xb2: {  	[sflag:s19] =	ssyncadd.s32 $0xFFFFE000  }
0xb3: {  	[tilespmem:s23], [sflag:$0x1] =	stream.indirect.gather [spmem:s3], $0x40, s28, s22, $0xb8;
	[tilespmem:$0x1A400] =	vst v63  }
0xb4: {  	_ =	swait.ge [sflag:s26], $0x2000  }
0xb5: {  	[sflag:s26] =	ssyncset.done $0x0  }
0xb6: {  	[sflag:s26] =	ssyncadd.s32 $0xFFFFE000  }
0xb7: {  	[spmem:s2] =	stream.indirect.scatter.add.f32 [tilespmem:s24], [sflag:$0x3], $0x40, s30, s22, $0xb8;
	[tilespmem:$0x1A400] =	vst v63  }
0xb8: {  	_ =	swait.ge [sflag:s19], $0x2000  }
0xb9: {  	[sflag:s19] =	ssyncset.done $0x0  }
0xba: {  	[sflag:s19] =	ssyncadd.s32 $0xFFFFE000  }
0xbb: {  	_ =	swait.ge [sflag:s25], $0x2000  }
0xbc: {  	[sflag:s25] =	ssyncset.done $0x0  }
0xbd: {  	s9 =	simm.s32 $0x0;
	[sflag:s25] =	ssyncadd.s32 $0xFFFFE000  }
0xbe: {  	[tilespmem:s9], [sflag:$0x3] =	stream.linear.gather [hbm4b:s13+s9], $0x1400, $0x38;
	[tilespmem:$0x1A400] =	vst v63  }
0xbf: {  	_ =	swait.ge [sflag:s19], $0x1400  }
0xc0: {  	[sflag:s19] =	ssyncset.done $0x0  }
0xc1: {  	[sflag:s19] =	ssyncadd.s32 $0xFFFFEC00  }
0xc2: {  	[tilespmem:s21], [sflag:$0x3] =	stream.linear.gather [hbm4b:s14+s9], $0x1400, $0x38;
	[tilespmem:$0x1A400] =	vst v63  }
0xc3: {  	_ =	swait.ge [sflag:s19], $0x1400  }
0xc4: {  	[sflag:s19] =	ssyncset.done $0x0  }
0xc5: {  	[sflag:s19] =	ssyncadd.s32 $0xFFFFEC00  }
0xc6: {  	[tilespmem:s23], [sflag:$0x1] =	stream.indirect.gather [spmem:s3], $0x40, s9, s22, $0xb8;
	[tilespmem:$0x1A400] =	vst v63  }
0xc7: {  	s5 =	simm.s32 $0x80  }
0xc8: {  	[tilespmem:s24], [sflag:$0x2] =	stream.indirect.gather [spmem:s3], $0x40, s5, s22, $0xb8;
	[tilespmem:$0x1A400] =	vst v63  }
0xc9: {  	_ =	swait.ge [sflag:s25], $0x2000  }
0xca: {  	[sflag:s25] =	ssyncset.done $0x0  }
0xcb: {  	s6 =	simm.s32 $0x1400;
	[sflag:s25] =	ssyncadd.s32 $0xFFFFE000  }
0xcc: {  	[spmem:s2] =	stream.indirect.scatter.add.f32 [tilespmem:s23], [sflag:$0x3], $0x40, s6, s22, $0xb8;
	[tilespmem:$0x1A400] =	vst v63  }
0xcd: {  	_ =	swait.ge [sflag:s19], $0x2000  }
0xce: {  	[sflag:s19] =	ssyncset.done $0x0  }
0xcf: {  	s8 =	simm.s32 $0x100;
	[sflag:s19] =	ssyncadd.s32 $0xFFFFE000  }
0xd0: {  	[tilespmem:s23], [sflag:$0x1] =	stream.indirect.gather [spmem:s3], $0x40, s8, s22, $0xb8;
	[tilespmem:$0x1A400] =	vst v63  }
0xd1: {  	_ =	swait.ge [sflag:s26], $0x2000  }
0xd2: {  	[sflag:s26] =	ssyncset.done $0x0  }
0xd3: {  	s9 =	simm.s32 $0x1480;
	[sflag:s26] =	ssyncadd.s32 $0xFFFFE000  }
0xd4: {  	[spmem:s2] =	stream.indirect.scatter.add.f32 [tilespmem:s24], [sflag:$0x3], $0x40, s9, s22, $0xb8;
	[tilespmem:$0x1A400] =	vst v63  }
0xd5: {  	_ =	swait.ge [sflag:s19], $0x2000  }
0xd6: {  	s1 =	simm.s32 $0x100;
	s5 =	simm.s32 $0x800;
	[sflag:s19] =	ssyncset.done $0x0  }
.LBB2_6:
0xd7: {  	s6 =	sadd.s32 $0x80, s1  }
0xd8: {  	[sflag:s19] =	ssyncadd.s32 $0xFFFFE000;
	s8 =	smov.u32 s5;
	s9 =	sadd.s32 $0x400, s5  }
0xd9: {  	[tilespmem:s24], [sflag:$0x2] =	stream.indirect.gather [spmem:s3], $0x40, s6, s22, $0xb8;
	[tilespmem:$0x1A400] =	vst v63  }
0xda: {  	p0 =	sne.s32 s5, $0x4800;
	_ =	swait.ge [sflag:s25], $0x2000  }
0xdb: {  	[sflag:s25] =	ssyncset.done $0x0  }
0xdc: {  	s5 =	sadd.s32 $0x1400, s1;
	[sflag:s25] =	ssyncadd.s32 $0xFFFFE000  }
0xdd: {  	[spmem:s2] =	stream.indirect.scatter.add.f32 [tilespmem:s23], [sflag:$0x3], $0x40, s5, s22, $0xb8;
	[tilespmem:$0x1A400] =	vst v63  }
0xde: {  	_ =	swait.ge [sflag:s19], $0x2000  }
0xdf: {  	[sflag:s19] =	ssyncset.done $0x0  }
0xe0: {  	s5 =	sadd.s32 $0x100, s1;
	[sflag:s19] =	ssyncadd.s32 $0xFFFFE000  }
0xe1: {  	[tilespmem:s23], [sflag:$0x1] =	stream.indirect.gather [spmem:s3], $0x40, s5, s22, $0xb8;
	[tilespmem:$0x1A400] =	vst v63  }
0xe2: {  	_ =	swait.ge [sflag:s26], $0x2000  }
.Ltmp2:
0xe3: {  	[sflag:s26] =	ssyncset.done $0x0;
	(pc) =	sbr.rel @p0 .LBB2_6-.Ltmp2, $4  }
0xe4: {  	s1 =	sadd.s32 $0x1480, s1;
	[sflag:s26] =	ssyncadd.s32 $0xFFFFE000  }
0xe5: {  	[spmem:s2] =	stream.indirect.scatter.add.f32 [tilespmem:s24], [sflag:$0x3], $0x40, s1, s22, $0xb8;
	[tilespmem:$0x1A400] =	vst v63  }
0xe6: {  	_ =	swait.ge [sflag:s19], $0x2000  }
0xe7: {  	s5 =	smov.u32 s9;
	s1 =	sshra.s32 s8, $0x2;
	[sflag:s19] =	ssyncset.done $0x0  }
0xe8: {  	s5 =	sadd.s32 $0x80, s1;
	[sflag:s19] =	ssyncadd.s32 $0xFFFFE000  }
0xe9: {  	[tilespmem:s24], [sflag:$0x2] =	stream.indirect.gather [spmem:s3], $0x40, s5, s22, $0xb8;
	[tilespmem:$0x1A400] =	vst v63  }
0xea: {  	_ =	swait.ge [sflag:s25], $0x2000  }
0xeb: {  	[sflag:s25] =	ssyncset.done $0x0  }
0xec: {  	s9 =	sadd.s32 $0x1400, s1;
	[sflag:s25] =	ssyncadd.s32 $0xFFFFE000  }
0xed: {  	[spmem:s2] =	stream.indirect.scatter.add.f32 [tilespmem:s23], [sflag:$0x3], $0x40, s9, s22, $0xb8;
	[tilespmem:$0x1A400] =	vst v63  }
0xee: {  	_ =	swait.ge [sflag:s19], $0x2000  }
0xef: {  	[sflag:s19] =	ssyncset.done $0x0  }
0xf0: {  	s6 =	sadd.s32 $0x100, s1;
	[sflag:s19] =	ssyncadd.s32 $0xFFFFE000  }
0xf1: {  	[tilespmem:s23], [sflag:$0x1] =	stream.indirect.gather [spmem:s3], $0x40, s6, s22, $0xb8;
	[tilespmem:$0x1A400] =	vst v63  }
0xf2: {  	_ =	swait.ge [sflag:s26], $0x2000  }
0xf3: {  	[sflag:s26] =	ssyncset.done $0x0  }
0xf4: {  	s8 =	sadd.s32 $0x1480, s1;
	[sflag:s26] =	ssyncadd.s32 $0xFFFFE000  }
0xf5: {  	[spmem:s2] =	stream.indirect.scatter.add.f32 [tilespmem:s24], [sflag:$0x3], $0x40, s8, s22, $0xb8;
	[tilespmem:$0x1A400] =	vst v63  }
0xf6: {  	_ =	swait.ge [sflag:s19], $0x2000  }
0xf7: {  	[sflag:s19] =	ssyncset.done $0x0  }
0xf8: {  	[sflag:s19] =	ssyncadd.s32 $0xFFFFE000  }
0xf9: {  	[tilespmem:s24], [sflag:$0x2] =	stream.indirect.gather [spmem:s3], $0x40, s28, s22, $0xb8;
	[tilespmem:$0x1A400] =	vst v63  }
0xfa: {  	_ =	swait.ge [sflag:s25], $0x2000  }
0xfb: {  	[sflag:s25] =	ssyncset.done $0x0  }
0xfc: {  	[sflag:s25] =	ssyncadd.s32 $0xFFFFE000  }
0xfd: {  	[spmem:s2] =	stream.indirect.scatter.add.f32 [tilespmem:s23], [sflag:$0x3], $0x40, s29, s22, $0xb8;
	[tilespmem:$0x1A400] =	vst v63  }
0xfe: {  	_ =	swait.ge [sflag:s19], $0x2000  }
0xff: {  	[sflag:s19] =	ssyncset.done $0x0  }
0x100: {  	[sflag:s19] =	ssyncadd.s32 $0xFFFFE000  }
0x101: {  	[tilespmem:s23], [sflag:$0x1] =	stream.indirect.gather [spmem:s3], $0x40, s28, s22, $0xb8;
	[tilespmem:$0x1A400] =	vst v63  }
0x102: {  	_ =	swait.ge [sflag:s26], $0x2000  }
0x103: {  	[sflag:s26] =	ssyncset.done $0x0  }
0x104: {  	[sflag:s26] =	ssyncadd.s32 $0xFFFFE000  }
0x105: {  	[spmem:s2] =	stream.indirect.scatter.add.f32 [tilespmem:s24], [sflag:$0x3], $0x40, s30, s22, $0xb8;
	[tilespmem:$0x1A400] =	vst v63  }
0x106: {  	_ =	swait.ge [sflag:s19], $0x2000  }
0x107: {  	[sflag:s19] =	ssyncset.done $0x0  }
0x108: {  	[sflag:s19] =	ssyncadd.s32 $0xFFFFE000  }
0x109: {  	_ =	swait.ge [sflag:s25], $0x2000  }
0x10a: {  	[sflag:s25] =	ssyncset.done $0x0  }
0x10b: {  	s9 =	simm.s32 $0x0;
	[sflag:s25] =	ssyncadd.s32 $0xFFFFE000  }
0x10c: {  	[tilespmem:s9], [sflag:$0x3] =	stream.linear.gather [hbm4b:s15+s9], $0x1400, $0x38;
	[tilespmem:$0x1A400] =	vst v63  }
0x10d: {  	_ =	swait.ge [sflag:s19], $0x1400  }
0x10e: {  	[sflag:s19] =	ssyncset.done $0x0  }
0x10f: {  	[sflag:s19] =	ssyncadd.s32 $0xFFFFEC00  }
0x110: {  	[tilespmem:s21], [sflag:$0x3] =	stream.linear.gather [hbm4b:s16+s9], $0x1400, $0x38;
	[tilespmem:$0x1A400] =	vst v63  }
0x111: {  	_ =	swait.ge [sflag:s19], $0x1400  }
0x112: {  	[sflag:s19] =	ssyncset.done $0x0  }
0x113: {  	[sflag:s19] =	ssyncadd.s32 $0xFFFFEC00  }
0x114: {  	[tilespmem:s23], [sflag:$0x1] =	stream.indirect.gather [spmem:s3], $0x40, s9, s22, $0xb8;
	[tilespmem:$0x1A400] =	vst v63  }
0x115: {  	s5 =	simm.s32 $0x80  }
0x116: {  	[tilespmem:s24], [sflag:$0x2] =	stream.indirect.gather [spmem:s3], $0x40, s5, s22, $0xb8;
	[tilespmem:$0x1A400] =	vst v63  }
0x117: {  	_ =	swait.ge [sflag:s25], $0x2000  }
0x118: {  	[sflag:s25] =	ssyncset.done $0x0  }
0x119: {  	s6 =	simm.s32 $0x1400;
	[sflag:s25] =	ssyncadd.s32 $0xFFFFE000  }
0x11a: {  	[spmem:s2] =	stream.indirect.scatter.add.f32 [tilespmem:s23], [sflag:$0x3], $0x40, s6, s22, $0xb8;
	[tilespmem:$0x1A400] =	vst v63  }
0x11b: {  	_ =	swait.ge [sflag:s19], $0x2000  }
0x11c: {  	[sflag:s19] =	ssyncset.done $0x0  }
0x11d: {  	s8 =	simm.s32 $0x100;
	[sflag:s19] =	ssyncadd.s32 $0xFFFFE000  }
0x11e: {  	[tilespmem:s23], [sflag:$0x1] =	stream.indirect.gather [spmem:s3], $0x40, s8, s22, $0xb8;
	[tilespmem:$0x1A400] =	vst v63  }
0x11f: {  	_ =	swait.ge [sflag:s26], $0x2000  }
0x120: {  	[sflag:s26] =	ssyncset.done $0x0  }
0x121: {  	s9 =	simm.s32 $0x1480;
	[sflag:s26] =	ssyncadd.s32 $0xFFFFE000  }
0x122: {  	[spmem:s2] =	stream.indirect.scatter.add.f32 [tilespmem:s24], [sflag:$0x3], $0x40, s9, s22, $0xb8;
	[tilespmem:$0x1A400] =	vst v63  }
0x123: {  	_ =	swait.ge [sflag:s19], $0x2000  }
0x124: {  	s1 =	simm.s32 $0x100;
	s5 =	simm.s32 $0x800;
	[sflag:s19] =	ssyncset.done $0x0  }
.LBB2_8:
0x125: {  	s6 =	sadd.s32 $0x80, s1  }
0x126: {  	[sflag:s19] =	ssyncadd.s32 $0xFFFFE000;
	s8 =	smov.u32 s5;
	s9 =	sadd.s32 $0x400, s5  }
0x127: {  	[tilespmem:s24], [sflag:$0x2] =	stream.indirect.gather [spmem:s3], $0x40, s6, s22, $0xb8;
	[tilespmem:$0x1A400] =	vst v63  }
0x128: {  	p0 =	sne.s32 s5, $0x4800;
	_ =	swait.ge [sflag:s25], $0x2000  }
0x129: {  	[sflag:s25] =	ssyncset.done $0x0  }
0x12a: {  	s5 =	sadd.s32 $0x1400, s1;
	[sflag:s25] =	ssyncadd.s32 $0xFFFFE000  }
0x12b: {  	[spmem:s2] =	stream.indirect.scatter.add.f32 [tilespmem:s23], [sflag:$0x3], $0x40, s5, s22, $0xb8;
	[tilespmem:$0x1A400] =	vst v63  }
0x12c: {  	_ =	swait.ge [sflag:s19], $0x2000  }
0x12d: {  	[sflag:s19] =	ssyncset.done $0x0  }
0x12e: {  	s5 =	sadd.s32 $0x100, s1;
	[sflag:s19] =	ssyncadd.s32 $0xFFFFE000  }
0x12f: {  	[tilespmem:s23], [sflag:$0x1] =	stream.indirect.gather [spmem:s3], $0x40, s5, s22, $0xb8;
	[tilespmem:$0x1A400] =	vst v63  }
0x130: {  	_ =	swait.ge [sflag:s26], $0x2000  }
.Ltmp3:
0x131: {  	[sflag:s26] =	ssyncset.done $0x0;
	(pc) =	sbr.rel @p0 .LBB2_8-.Ltmp3, $4  }
0x132: {  	s1 =	sadd.s32 $0x1480, s1;
	[sflag:s26] =	ssyncadd.s32 $0xFFFFE000  }
0x133: {  	[spmem:s2] =	stream.indirect.scatter.add.f32 [tilespmem:s24], [sflag:$0x3], $0x40, s1, s22, $0xb8;
	[tilespmem:$0x1A400] =	vst v63  }
0x134: {  	_ =	swait.ge [sflag:s19], $0x2000  }
0x135: {  	s5 =	smov.u32 s9;
	s1 =	sshra.s32 s8, $0x2;
	[sflag:s19] =	ssyncset.done $0x0  }
0x136: {  	s5 =	sadd.s32 $0x80, s1;
	[sflag:s19] =	ssyncadd.s32 $0xFFFFE000  }
0x137: {  	[tilespmem:s24], [sflag:$0x2] =	stream.indirect.gather [spmem:s3], $0x40, s5, s22, $0xb8;
	[tilespmem:$0x1A400] =	vst v63  }
0x138: {  	_ =	swait.ge [sflag:s25], $0x2000  }
0x139: {  	[sflag:s25] =	ssyncset.done $0x0  }
0x13a: {  	s6 =	sadd.s32 $0x1400, s1;
	[sflag:s25] =	ssyncadd.s32 $0xFFFFE000  }
0x13b: {  	[spmem:s2] =	stream.indirect.scatter.add.f32 [tilespmem:s23], [sflag:$0x3], $0x40, s6, s22, $0xb8;
	[tilespmem:$0x1A400] =	vst v63  }
0x13c: {  	_ =	swait.ge [sflag:s19], $0x2000  }
0x13d: {  	[sflag:s19] =	ssyncset.done $0x0  }
0x13e: {  	s8 =	sadd.s32 $0x100, s1;
	[sflag:s19] =	ssyncadd.s32 $0xFFFFE000  }
0x13f: {  	[tilespmem:s23], [sflag:$0x1] =	stream.indirect.gather [spmem:s3], $0x40, s8, s22, $0xb8;
	[tilespmem:$0x1A400] =	vst v63  }
0x140: {  	_ =	swait.ge [sflag:s26], $0x2000  }
0x141: {  	[sflag:s26] =	ssyncset.done $0x0  }
0x142: {  	s9 =	sadd.s32 $0x1480, s1;
	[sflag:s26] =	ssyncadd.s32 $0xFFFFE000  }
0x143: {  	[spmem:s2] =	stream.indirect.scatter.add.f32 [tilespmem:s24], [sflag:$0x3], $0x40, s9, s22, $0xb8;
	[tilespmem:$0x1A400] =	vst v63  }
0x144: {  	_ =	swait.ge [sflag:s19], $0x2000  }
0x145: {  	[sflag:s19] =	ssyncset.done $0x0  }
0x146: {  	[sflag:s19] =	ssyncadd.s32 $0xFFFFE000  }
0x147: {  	[tilespmem:s24], [sflag:$0x2] =	stream.indirect.gather [spmem:s3], $0x40, s28, s22, $0xb8;
	[tilespmem:$0x1A400] =	vst v63  }
0x148: {  	_ =	swait.ge [sflag:s25], $0x2000  }
0x149: {  	[sflag:s25] =	ssyncset.done $0x0  }
0x14a: {  	[sflag:s25] =	ssyncadd.s32 $0xFFFFE000  }
0x14b: {  	[spmem:s2] =	stream.indirect.scatter.add.f32 [tilespmem:s23], [sflag:$0x3], $0x40, s29, s22, $0xb8;
	[tilespmem:$0x1A400] =	vst v63  }
0x14c: {  	_ =	swait.ge [sflag:s19], $0x2000  }
0x14d: {  	[sflag:s19] =	ssyncset.done $0x0  }
0x14e: {  	[sflag:s19] =	ssyncadd.s32 $0xFFFFE000  }
0x14f: {  	[tilespmem:s23], [sflag:$0x1] =	stream.indirect.gather [spmem:s3], $0x40, s28, s22, $0xb8;
	[tilespmem:$0x1A400] =	vst v63  }
0x150: {  	_ =	swait.ge [sflag:s26], $0x2000  }
0x151: {  	[sflag:s26] =	ssyncset.done $0x0  }
0x152: {  	[sflag:s26] =	ssyncadd.s32 $0xFFFFE000  }
0x153: {  	[spmem:s2] =	stream.indirect.scatter.add.f32 [tilespmem:s24], [sflag:$0x3], $0x40, s30, s22, $0xb8;
	[tilespmem:$0x1A400] =	vst v63  }
0x154: {  	_ =	swait.ge [sflag:s19], $0x2000  }
0x155: {  	[sflag:s19] =	ssyncset.done $0x0  }
0x156: {  	[sflag:s19] =	ssyncadd.s32 $0xFFFFE000  }
0x157: {  	_ =	swait.ge [sflag:s25], $0x2000  }
0x158: {  	s31 =	sadd.s32 $0x1, s31;
	[sflag:s25] =	ssyncset.done $0x0  }
0x159: {  	p0 =	sne.s32 s31, s18;
	[sflag:s25] =	ssyncadd.s32 $0xFFFFE000  }
.Ltmp4:
0x15a: {  	[bflag:$0x0] =	sbarrier.arrive $0xFFFF;
	(pc) =	sbr.rel @p0 .LBB2_1-.Ltmp4, $4  }
0x15b: {  	[hbm:s17], [sflag:s7] =	dma.local [spmem:s0], $0x13C0  }
0x15c: {  	_ =	swait.ge [sflag:s19], $0x13C0  }
0x15d: {  	[sflag:s19] =	ssyncset.done $0x0  }
0x15e: {  	[sflag:s19] =	ssyncadd.s32 $0xFFFFEC40  }
0x15f: {  	_ =	sfence.sel $0x180000  }
0x160: {  	[bflag:$0x0] =	sbarrier.arrive $0xFFFF  }
0x161: {  	_ =	strace $0x9000004A  }
0x162: {  	s0 =	stileid.u32;
	[bflag:$0x2] =	sbarrier.arrive $0xFFFF  }
0x163: {  	p0 =	sne.s32 s0, $0x0;
	s0 =	rddreg [dreg:$0x4]  }
0x164: {  	s0 =	sadd.s32 @!p0 $0x100000, s0  }
0x165: {  	[sflag:s0] =	ssyncadd.tile.s32 @!p0 $0x1;
	_ =	shalt  }
.Lfunc_end2:
_tile_overlayer_lowered:
.L_overlay_start_2:
0x166: {  	(tag) =	ssettag $0x2  }
0x167: {  	s0 =	rddreg [dreg:$0x0];
	s2 =	stileid.u32  }
0x168: {  	s1 =	rddreg [dreg:$0x1];
	p0 =	sne.s32 s2, $0x0  }
0x169: {  	s3 =	rddreg [dreg:$0x2];
	[bflag:$0x3] =	sbarrier.arrive $0xFFFF;
	s2 =	simm.s32 @!p0 $0x1C03  }
0x16a: {  	[timem:s3], [sflag:s2] =	dma.local @!p0 [hbm:s0], s1  }
0x16b: {  	s0 =	simm.s32 @!p0 $0x3  }
0x16c: {  	_ =	swait.ge @!p0 [sflag:s0], s1  }
0x16d: {  	s1 =	ssub.s32 @!p0 $0x0, s1;
	[sflag:s0] =	ssyncset.done @!p0 $0x0  }
0x16e: {  	[sflag:s0] =	ssyncadd.s32 @!p0 s1  }
0x16f: {  	[bflag:$0x3] =	sbarrier.arrive $0xFFFF  }
0x170: {  	_ =	shalt  }

// kernel: kernel.7.cloned.1.call-start
scs
__scs_entry_jumppad:
0x0: {  	(pc) =	sbr.rel $0x88, $3  }
0x1: {  	(tag) =	ssettag $0x0;
	lr =	simm.s32 $0x1  }
0x2: {  	[smem:$0x3F9A] =	sst lr;
	_ =	strace $0xD0000000  }
0x3: {  	_ = 	snop  }
0x4: {  	_ = 	snop  }
0x5: {  	_ = 	snop  }
0x6: {  	_ = 	snop  }
0x7: {  	_ = 	snop  }
__scs_overlays_trampoline_lowered:
0x8: {  	[smem:$0x3FA9] =	sst s0  }
0x9: {  	[smem:$0x3FAA] =	sst s1  }
0xa: {  	[smem:$0x3FAB] =	sst s2  }
0xb: {  	[smem:$0x3FAC] =	sst s3  }
0xc: {  	[smem:$0x3FAD] =	sst s4  }
0xd: {  	[smem:$0x3FAE] =	sst s5  }
0xe: {  	[smem:$0x3FAF] =	sst s6  }
0xf: {  	[smem:$0x3FB0] =	sst s7  }
0x10: {  	[smem:$0x3FB1] =	sst s8  }
0x11: {  	[smem:$0x3FB2] =	sst s9;
	s0 =	simm.s32 @!p0 $0x0  }
0x12: {  	s1 =	sld [smem:$0x3F98];
	s0 =	simm.s32 @p0 $0x1  }
0x13: {  	[smem:$0x3FB3] =	sst s0;
	s0 =	simm.s32 @!p1 $0x0  }
0x14: {  	s2 =	sld [smem:$0x3F97];
	s0 =	simm.s32 @p1 $0x1  }
0x15: {  	[smem:$0x3FB4] =	sst s0;
	s0 =	simm.s32 @!p2 $0x0  }
0x16: {  	s3 =	sld [smem:$0x3FDB];
	s0 =	simm.s32 @p2 $0x1  }
0x17: {  	s4 =	simm.s32 $0x1BF5;
	[smem:$0x3FB6] =	sst s0  }
0x18: {  	s0 =	sld [smem:$0x3F99];
	_ =	swait.ge [sflag:s4], $0x0  }
0x19: {  	s7 =	sld [smem:$0x3F9A]  }
0x1a: {  	s8 =	sadd.s32 $0xFFFFE003, lr  }
0x1b: {  	s9 =	sadd.s32 $0xFFFFFEF7, lr;
	s5 =	simm.s32 $0xFFFFFFFF;
	p2 =	slt.u32 s8, $0xFFFFF086  }
0x1c: {  	p1 =	slt.u32 s9, $0xF7A;
	s5 =	simm.s32 @!p2 $0x0  }
0x1d: {  	s5 =	simm.s32 @p1 $0x1;
	p0 =	seq.s32 s7, s2  }
0x1e: {  	s7 =	smul.u32 @!p0 $0xF7A, s2;
	p2 =	seq.s32 @!p0 s5, $0x0  }
0x1f: {  	s9 =	smul.u32 $0xF7A, s1;
	s8 =	simm.s32 @!p0 $0x1BF5;
	p2 =	por !p2, p0  }
0x20: {  	[sflag:s8] =	ssyncset.s32 @!p0 $0xFFFFF086;
	s6 =	sadd.s32 @!p0 s3, s7;
	s7 =	simm.s32 @!p0 $0x108  }
0x21: {  	s3 =	sadd.s32 s3, s9;
	s6 =	sadd.s32 @!p0 $0x88, s6;
	s7 =	simm.s32 @p2 $0x1082  }
0x22: {  	[simem:s7], [sflag:s8] =	dma.local @!p0 [hbm:s6], $0xF7A  }
0x23: {  	s9 =	sor.u32 $0xD0000000, s2;
	s6 =	simm.s32 $0x108;
	_ =	swait.ge @!p0 [sflag:s8], $0x0  }
0x24: {  	s3 =	sadd.s32 $0x88, s3;
	s6 =	simm.s32 @!p1 $0x1082;
	[sflag:s4] =	ssyncset.s32 $0xFFFFF086  }
0x25: {  	[simem:s6], [sflag:s4] =	dma.local [hbm:s3], $0xF7A  }
0x26: {  	[smem:$0x3F9A] =	sst s1;
	(tag) =	ssettag s2;
	_ =	strace s9  }
0x27: {  	s1 =	sld [smem:$0x3FAA]  }
0x28: {  	s2 =	sld [smem:$0x3FAB]  }
0x29: {  	s4 =	sld [smem:$0x3FAD]  }
0x2a: {  	p0 =	seq.s32 s5, $0x0;
	s5 =	sld [smem:$0x3FAE]  }
0x2b: {  	s6 =	sld [smem:$0x3FAF]  }
0x2c: {  	s7 =	sld [smem:$0x3FB0]  }
0x2d: {  	s3 =	simm.s32 $0x108;
	s8 =	sld [smem:$0x3FB1]  }
0x2e: {  	s3 =	simm.s32 @!p0 $0x1082;
	s9 =	sld [smem:$0x3FB2]  }
0x2f: {  	lr =	sadd.s32 s0, s3;
	s0 =	sld [smem:$0x3FA9]  }
0x30: {  	s3 =	sld [smem:$0x3FAC]  }
0x31: {  	[smem:$0x3FB5] =	sst s10  }
0x32: {  	s10 =	sld [smem:$0x3FB3];
	_ =	sdelay $0x3  }
0x33: {  	p0 =	seq.s32 s10, $0x1;
	s10 =	sld [smem:$0x3FB5];
	_ =	sdelay $0x3  }
0x34: {  	[smem:$0x3FB5] =	sst s10  }
0x35: {  	s10 =	sld [smem:$0x3FB4];
	_ =	sdelay $0x3  }
0x36: {  	p1 =	seq.s32 s10, $0x1;
	s10 =	sld [smem:$0x3FB5];
	_ =	sdelay $0x3  }
0x37: {  	[smem:$0x3FB5] =	sst s10  }
0x38: {  	s10 =	sld [smem:$0x3FB6]  }
0x39: {  	_ = 	snop;
	(pc) =	sbr.ind lr, $3  }
0x3a: {  	_ = 	snop  }
0x3b: {  	_ = 	snop  }
0x3c: {  	p2 =	seq.s32 s10, $0x1;
	s10 =	sld [smem:$0x3FB5]  }
0x3d: {  	_ =	shalt  }
0x3e: {  	_ =	shalt  }
0x3f: {  	_ =	shalt  }
0x40: {  	_ =	shalt  }
0x41: {  	_ =	shalt  }
0x42: {  	_ =	shalt  }
0x43: {  	_ =	shalt  }
0x44: {  	_ =	shalt  }
0x45: {  	_ =	shalt  }
0x46: {  	_ =	shalt  }
0x47: {  	_ =	shalt  }
0x48: {  	_ =	shalt  }
0x49: {  	_ =	shalt  }
0x4a: {  	_ =	shalt  }
0x4b: {  	_ =	shalt  }
0x4c: {  	_ =	shalt  }
0x4d: {  	_ =	shalt  }
0x4e: {  	_ =	shalt  }
0x4f: {  	_ =	shalt  }
0x50: {  	_ =	shalt  }
0x51: {  	_ =	shalt  }
0x52: {  	_ =	shalt  }
0x53: {  	_ =	shalt  }
0x54: {  	_ =	shalt  }
0x55: {  	_ =	shalt  }
0x56: {  	_ =	shalt  }
0x57: {  	_ =	shalt  }
0x58: {  	_ =	shalt  }
0x59: {  	_ =	shalt  }
0x5a: {  	_ =	shalt  }
0x5b: {  	_ =	shalt  }
0x5c: {  	_ =	shalt  }
0x5d: {  	_ =	shalt  }
0x5e: {  	_ =	shalt  }
0x5f: {  	_ =	shalt  }
0x60: {  	_ =	shalt  }
0x61: {  	_ =	shalt  }
0x62: {  	_ =	shalt  }
0x63: {  	_ =	shalt  }
0x64: {  	_ =	shalt  }
0x65: {  	_ =	shalt  }
0x66: {  	_ =	shalt  }
0x67: {  	_ =	shalt  }
0x68: {  	_ =	shalt  }
0x69: {  	_ =	shalt  }
0x6a: {  	_ =	shalt  }
0x6b: {  	_ =	shalt  }
0x6c: {  	_ =	shalt  }
0x6d: {  	_ =	shalt  }
0x6e: {  	_ =	shalt  }
0x6f: {  	_ =	shalt  }
0x70: {  	_ =	shalt  }
0x71: {  	_ =	shalt  }
0x72: {  	_ =	shalt  }
0x73: {  	_ =	shalt  }
0x74: {  	_ =	shalt  }
0x75: {  	_ =	shalt  }
0x76: {  	_ =	shalt  }
0x77: {  	_ =	shalt  }
0x78: {  	_ =	shalt  }
0x79: {  	_ =	shalt  }
0x7a: {  	_ =	shalt  }
0x7b: {  	_ =	shalt  }
0x7c: {  	_ =	shalt  }
0x7d: {  	_ =	shalt  }
0x7e: {  	_ =	shalt  }
0x7f: {  	_ =	shalt  }
0x80: {  	_ =	shalt  }
0x81: {  	_ =	shalt  }
0x82: {  	_ =	shalt  }
0x83: {  	_ =	shalt  }
0x84: {  	_ =	shalt  }
0x85: {  	_ =	shalt  }
0x86: {  	_ =	shalt  }
0x87: {  	_ =	shalt  }
.Lfunc_end0:
.L_simem_size_0:
called_computation_lowered:
.L_overlay_start_0:
0x88: {  	s2 =	sld [smem:$0x3FD9]  }
0x89: {  	s3 =	sld [smem:$0x3FFE];
	_ =	sdelay $0x1  }
0x8a: {  	s1 =	srdreg.scid  }
0x8b: {  	s0 =	sand.u32 $0x1, s1  }
0x8c: {  	s17 =	sshll.u32 s0, $0xA;
	s2 =	sadd.s32 s3, s2  }
0x8d: {  	s2 =	sadd.s32 s2, s17  }
0x8e: {  	[smem:$0x3FC1] =	sst s2  }
0x8f: {  	_ = 	snop  }
0x90: {  	s2 =	sld [smem:$0x3FD0];
	(tm) =	ssettm $0x1  }
0x91: {  	s18 =	sld [smem:$0x3FFB];
	_ =	sdelay $0x3  }
0x92: {  	_ =	strace s18  }
0x93: {  	s3 =	sld [smem:$0x3FFC];
	_ =	sdelay $0x3  }
0x94: {  	_ =	strace s3  }
0x95: {  	s3 =	sld [smem:$0x3FFD];
	_ =	sdelay $0x3  }
0x96: {  	_ =	strace s3  }
0x97: {  	_ =	strace $0x8FFFFFFF  }
0x98: {  	s19 =	sld [smem:$0x3FDB];
	_ =	sdelay $0x1  }
0x99: {  	s4 =	simm.s32 $_scs_section_size  }
0x9a: {  	s5 =	simm.s32 $_size__tile_overlayer_lowered;
	s6 =	simm.s32 $_tile_overlayer_lowered  }
0x9b: {  	s22 =	simm.s32 $0x1BFF;
	s21 =	sshll.u32 s6, $0x1;
	s3 =	sadd.s32 s4, s19  }
0x9c: {  	s7 =	simm.s32 $0x0;
	s20 =	sshll.u32 s5, $0x1;
	s5 =	sadd.s32 s21, s3  }
0x9d: {  	[timem:s7], [sflag:s22] =	dma.local [hbm:s5], s20  }
0x9e: {  	_ =	swait.ge [sflag:s22], s20  }
0x9f: {  	s4 =	ssub.s32 $0x0, s20;
	[sflag:s22] =	ssyncset.done $0x0  }
0xa0: {  	[sflag:s22] =	ssyncadd.s32 s4;
	_ =	sdelay $0x1  }
0xa1: {  	s23 =	simm.s32 $0x1B8B  }
0xa2: {  	_ =	swait.ge [sflag:s23], $0x1  }
0xa3: {  	[sflag:s23] =	ssyncset.done $0x0  }
0xa4: {  	s25 =	simm.s32 $0x1B8E;
	s24 =	sld [smem:$0x3FFE];
	[sflag:s23] =	ssyncadd.s32 $0xFFFFFFFF  }
0xa5: {  	s26 =	simm.s32 $execute0_lowered;
	[smem:$0x3FD2] =	sst s25  }
0xa6: {  	s5 =	sshll.u32 s26, $0x1;
	_ =	strace $0x80000046;
	[dreg:$0x1] =	wrdreg $0xFFFFFFFF  }
0xa7: {  	s28 =	simm.s32 $_size_execute0_lowered;
	s3 =	sadd.s32 s3, s5;
	[dreg:$0x0] =	wrdreg $0x0  }
0xa8: {  	s5 =	sshll.u32 s28, $0x1;
	[dreg:$0x2] =	wrdreg s3  }
0xa9: {  	[dreg:$0x3] =	wrdreg s5  }
0xaa: {  	[dreg:$0x4] =	wrdreg $0xC0  }
0xab: {  	_ =	task [dreg:s7], $0x5FFFF  }
0xac: {  	[dreg:$0x1] =	wrdreg $0xFFFFFFFF  }
0xad: {  	[dreg:$0x0] =	wrdreg $0x60  }
0xae: {  	[dreg:$0x2] =	wrdreg s24  }
0xaf: {  	[dreg:$0x3] =	wrdreg s2  }
0xb0: {  	[dreg:$0x4] =	wrdreg $0x106000  }
0xb1: {  	[dreg:$0x5] =	wrdreg $0x68000  }
0xb2: {  	[dreg:$0x6] =	wrdreg $0x9  }
0xb3: {  	_ =	task.clear_ibuf [dreg:s7], $0x7FFFF;
	_ =	strace $0x90000046  }
0xb4: {  	s29 =	simm.s32 $0x9;
	_ =	strace $0x80000048  }
0xb5: {  	_ =	swait.ge [sflag:s29], $0x1  }
0xb6: {  	[sflag:s29] =	ssyncadd.s32 $0xFFFFFFFF  }
0xb7: {  	_ =	strace $0x90000048  }
0xb8: {  	_ =	sfence  }
0xb9: {  	s30 =	sld [smem:$0x0];
	_ =	sdelay $0x2  }
0xba: {  	s31 =	sshll.u32 s1, $0xD;
	s1 =	sshrl.u32 s1, $0x2  }
0xbb: {  	s3 =	sand.u32 $0x4000, s31;
	s1 =	sadd.s32 s1, s30  }
0xbc: {  	s0 =	sor.u32 s3, s0;
	s1 =	sshll.u32 s1, $0x11  }
0xbd: {  	s0 =	sor.u32 s1, s0  }
0xbe: {  	s0 =	sadd.s32 $0x8F2B, s0  }
0xbf: {  	[sflag:s0] =	ssyncadd.remote.s32 $0x1  }
0xc0: {  	_ =	sfence.sel $0xFFFF  }
0xc1: {  	[dreg:$0x0] =	wrdreg $0xFFFFFFFF;
	(pc) =	sbr.abs _section_cstart, $3  }
0xc2: {  	[dreg:$0x1] =	wrdreg $0xFFFFFFFF  }
0xc3: {  	_ =	task.clear_ibuf [dreg:s7], $0x2FFFF;
	_ =	strace $0x9FFFFFFF  }
0xc4: {  	(tm) =	ssettm $0x7FFFFFFF  }
0xc5: {  	_ =	shalt  }
tec
execute0_lowered:
.L_overlay_start_1:
0x0: {  	(tag) =	ssettag $0x1  }
0x1: {  	s0 =	rddreg [dreg:$0x0]  }
0x2: {  	s1 =	rddreg [dreg:$0x1]  }
0x3: {  	s2 =	rddreg [dreg:$0x2]  }
0x4: {  	s3 =	rddreg [dreg:$0x3];
	s5 =	srdreg.scid  }
0x5: {  	s10 =	stileid.u32;
	s4 =	simm.s32 $0x0;
	s19 =	simm.s32 $0x3  }
0x6: {  	s21 =	simm.s32 $0x1400;
	s28 =	simm.s32 $0x1380;
	s29 =	simm.s32 $0x2700  }
0x7: {  	s30 =	simm.s32 $0x2780;
	s31 =	simm.s32 $0x0;
	s5 =	sand.u32 $0x1, s5  }
0x8: {  	s8 =	smul.u32 $0x9E00, s10;
	[smem:$0x7FF] =	sst s4;
	s16 =	sadd.s32 $0x77400, s0  }
0x9: {  	s7 =	sadd.s32 $0x81400, s0;
	s9 =	smul.u32 $0x5000, s10;
	s23 =	sshll.u32 s10, $0x6  }
0xa: {  	s6 =	smul.u32 $0x9E000, s5;
	_ =	strace $0x80000047;
	[dreg:$0x5] =	wrdreg s7  }
0xb: {  	s5 =	ssub.s32 $0x2, s5;
	s7 =	sor.u32 $0x1C03, s23;
	s23 =	simm.s32 $0x2800  }
0xc: {  	s22 =	sshrl.u32 s5, $0x1;
	s24 =	sadd.s32 s8, s2;
	s13 =	sshrl.u32 s9, $0x3  }
0xd: {  	s20 =	sadd.s32 s8, s3;
	s6 =	sadd.s32 s8, s6;
	s5 =	ssub.s32 s5, s22  }
0xe: {  	[dreg:$0x6] =	wrdreg s24;
	s12 =	sadd.s32 $0x280, s13;
	s26 =	sadd.s32 s1, s13  }
0xf: {  	s10 =	sadd.s32 s16, s13;
	s14 =	sadd.s32 $0x500, s13;
	s17 =	sadd.s32 $0x780, s13  }
0x10: {  	s20 =	sshrl.u32 s20, $0x3;
	s22 =	simm.s32 $0x80;
	s24 =	simm.s32 $0x4800  }
0x11: {  	s6 =	sshrl.u32 s6, $0x3;
	[dreg:$0x8] =	wrdreg s26;
	s11 =	sadd.s32 s1, s12  }
0x12: {  	s12 =	sadd.s32 s16, s12;
	s13 =	sadd.s32 s1, s14;
	s14 =	sadd.s32 s16, s14  }
0x13: {  	s15 =	sadd.s32 s1, s17;
	s16 =	sadd.s32 s16, s17;
	s0 =	sadd.s32 s6, s0  }
0x14: {  	s18 =	smax.u32 s5, $0x1;
	s26 =	simm.s32 $0x2;
	s25 =	sadd.s32 $0x4FC00, s0  }
0x15: {  	s17 =	sadd.s32 $0x82800, s0;
	[dreg:$0x7] =	wrdreg s25;
	s25 =	simm.s32 $0x1  }
.LBB2_1:
0x16: {  	s0 =	rddreg [dreg:$0x6]  }
0x17: {  	s1 =	rddreg [dreg:$0x5];
	s0 =	sshrl.u32 s0, $0x3  }
0x18: {  	[spmem:s0], [sflag:s7] =	dma.local [hbm:s1], $0x13C0  }
0x19: {  	_ =	swait.ge [sflag:s19], $0x13C0  }
0x1a: {  	[sflag:s19] =	ssyncset.done $0x0  }
0x1b: {  	s8 =	rddreg [dreg:$0x7];
	[sflag:s19] =	ssyncadd.s32 $0xFFFFEC40  }
0x1c: {  	[spmem:s20], [sflag:s7] =	dma.local [hbm:s8], $0x13C0  }
0x1d: {  	_ =	swait.ge [sflag:s19], $0x13C0  }
0x1e: {  	[sflag:s19] =	ssyncset.done $0x0  }
0x1f: {  	[sflag:s19] =	ssyncadd.s32 $0xFFFFEC40  }
0x20: {  	[bflag:$0x0] =	sbarrier.arrive $0xFFFF  }
0x21: {  	s9 =	rddreg [dreg:$0x8]  }
0x22: {  	[tilespmem:s4], [sflag:$0x3] =	stream.linear.gather [hbm4b:s9+s4], $0x1400, $0x38;
	[tilespmem:$0x1A400] =	vst v63  }
0x23: {  	_ =	swait.ge [sflag:s19], $0x1400  }
0x24: {  	[sflag:s19] =	ssyncset.done $0x0  }
0x25: {  	[sflag:s19] =	ssyncadd.s32 $0xFFFFEC00  }
0x26: {  	[tilespmem:s21], [sflag:$0x3] =	stream.linear.gather [hbm4b:s10+s4], $0x1400, $0x38;
	[tilespmem:$0x1A400] =	vst v63  }
0x27: {  	_ =	swait.ge [sflag:s19], $0x1400  }
0x28: {  	[sflag:s19] =	ssyncset.done $0x0  }
0x29: {  	[sflag:s19] =	ssyncadd.s32 $0xFFFFEC00  }
0x2a: {  	[tilespmem:s23], [sflag:$0x1] =	stream.indirect.gather [spmem:s3], $0x40, s4, s22, $0xb8;
	[tilespmem:$0x1A400] =	vst v63  }
0x2b: {  	s5 =	simm.s32 $0x80  }
0x2c: {  	[tilespmem:s24], [sflag:$0x2] =	stream.indirect.gather [spmem:s3], $0x40, s5, s22, $0xb8;
	[tilespmem:$0x1A400] =	vst v63  }
0x2d: {  	_ =	swait.ge [sflag:s25], $0x2000  }
0x2e: {  	[sflag:s25] =	ssyncset.done $0x0  }
0x2f: {  	s6 =	simm.s32 $0x1400;
	[sflag:s25] =	ssyncadd.s32 $0xFFFFE000  }
0x30: {  	[spmem:s2] =	stream.indirect.scatter.add.f32 [tilespmem:s23], [sflag:$0x3], $0x40, s6, s22, $0xb8;
	[tilespmem:$0x1A400] =	vst v63  }
0x31: {  	_ =	swait.ge [sflag:s19], $0x2000  }
0x32: {  	[sflag:s19] =	ssyncset.done $0x0  }
0x33: {  	s8 =	simm.s32 $0x100;
	[sflag:s19] =	ssyncadd.s32 $0xFFFFE000  }
0x34: {  	[tilespmem:s23], [sflag:$0x1] =	stream.indirect.gather [spmem:s3], $0x40, s8, s22, $0xb8;
	[tilespmem:$0x1A400] =	vst v63  }
0x35: {  	_ =	swait.ge [sflag:s26], $0x2000  }
0x36: {  	[sflag:s26] =	ssyncset.done $0x0  }
0x37: {  	s9 =	simm.s32 $0x1480;
	[sflag:s26] =	ssyncadd.s32 $0xFFFFE000  }
0x38: {  	[spmem:s2] =	stream.indirect.scatter.add.f32 [tilespmem:s24], [sflag:$0x3], $0x40, s9, s22, $0xb8;
	[tilespmem:$0x1A400] =	vst v63  }
0x39: {  	_ =	swait.ge [sflag:s19], $0x2000  }
0x3a: {  	s1 =	simm.s32 $0x100;
	s5 =	simm.s32 $0x800;
	[sflag:s19] =	ssyncset.done $0x0  }
.LBB2_2:
0x3b: {  	s6 =	sadd.s32 $0x80, s1  }
0x3c: {  	[sflag:s19] =	ssyncadd.s32 $0xFFFFE000;
	s8 =	smov.u32 s5;
	s9 =	sadd.s32 $0x400, s5  }
0x3d: {  	[tilespmem:s24], [sflag:$0x2] =	stream.indirect.gather [spmem:s3], $0x40, s6, s22, $0xb8;
	[tilespmem:$0x1A400] =	vst v63  }
0x3e: {  	p0 =	sne.s32 s5, $0x4800;
	_ =	swait.ge [sflag:s25], $0x2000  }
0x3f: {  	[sflag:s25] =	ssyncset.done $0x0  }
0x40: {  	s5 =	sadd.s32 $0x1400, s1;
	[sflag:s25] =	ssyncadd.s32 $0xFFFFE000  }
0x41: {  	[spmem:s2] =	stream.indirect.scatter.add.f32 [tilespmem:s23], [sflag:$0x3], $0x40, s5, s22, $0xb8;
	[tilespmem:$0x1A400] =	vst v63  }
0x42: {  	_ =	swait.ge [sflag:s19], $0x2000  }
0x43: {  	[sflag:s19] =	ssyncset.done $0x0  }
0x44: {  	s5 =	sadd.s32 $0x100, s1;
	[sflag:s19] =	ssyncadd.s32 $0xFFFFE000  }
0x45: {  	[tilespmem:s23], [sflag:$0x1] =	stream.indirect.gather [spmem:s3], $0x40, s5, s22, $0xb8;
	[tilespmem:$0x1A400] =	vst v63  }
0x46: {  	_ =	swait.ge [sflag:s26], $0x2000  }
.Ltmp0:
0x47: {  	[sflag:s26] =	ssyncset.done $0x0;
	(pc) =	sbr.rel @p0 .LBB2_2-.Ltmp0, $4  }
0x48: {  	s1 =	sadd.s32 $0x1480, s1;
	[sflag:s26] =	ssyncadd.s32 $0xFFFFE000  }
0x49: {  	[spmem:s2] =	stream.indirect.scatter.add.f32 [tilespmem:s24], [sflag:$0x3], $0x40, s1, s22, $0xb8;
	[tilespmem:$0x1A400] =	vst v63  }
0x4a: {  	_ =	swait.ge [sflag:s19], $0x2000  }
0x4b: {  	s5 =	smov.u32 s9;
	s1 =	sshra.s32 s8, $0x2;
	[sflag:s19] =	ssyncset.done $0x0  }
0x4c: {  	s5 =	sadd.s32 $0x80, s1;
	[sflag:s19] =	ssyncadd.s32 $0xFFFFE000  }
0x4d: {  	[tilespmem:s24], [sflag:$0x2] =	stream.indirect.gather [spmem:s3], $0x40, s5, s22, $0xb8;
	[tilespmem:$0x1A400] =	vst v63  }
0x4e: {  	_ =	swait.ge [sflag:s25], $0x2000  }
0x4f: {  	[sflag:s25] =	ssyncset.done $0x0  }
0x50: {  	s9 =	sadd.s32 $0x1400, s1;
	[sflag:s25] =	ssyncadd.s32 $0xFFFFE000  }
0x51: {  	[spmem:s2] =	stream.indirect.scatter.add.f32 [tilespmem:s23], [sflag:$0x3], $0x40, s9, s22, $0xb8;
	[tilespmem:$0x1A400] =	vst v63  }
0x52: {  	_ =	swait.ge [sflag:s19], $0x2000  }
0x53: {  	[sflag:s19] =	ssyncset.done $0x0  }
0x54: {  	s6 =	sadd.s32 $0x100, s1;
	[sflag:s19] =	ssyncadd.s32 $0xFFFFE000  }
0x55: {  	[tilespmem:s23], [sflag:$0x1] =	stream.indirect.gather [spmem:s3], $0x40, s6, s22, $0xb8;
	[tilespmem:$0x1A400] =	vst v63  }
0x56: {  	_ =	swait.ge [sflag:s26], $0x2000  }
0x57: {  	[sflag:s26] =	ssyncset.done $0x0  }
0x58: {  	s8 =	sadd.s32 $0x1480, s1;
	[sflag:s26] =	ssyncadd.s32 $0xFFFFE000  }
0x59: {  	[spmem:s2] =	stream.indirect.scatter.add.f32 [tilespmem:s24], [sflag:$0x3], $0x40, s8, s22, $0xb8;
	[tilespmem:$0x1A400] =	vst v63  }
0x5a: {  	_ =	swait.ge [sflag:s19], $0x2000  }
0x5b: {  	[sflag:s19] =	ssyncset.done $0x0  }
0x5c: {  	[sflag:s19] =	ssyncadd.s32 $0xFFFFE000  }
0x5d: {  	[tilespmem:s24], [sflag:$0x2] =	stream.indirect.gather [spmem:s3], $0x40, s28, s22, $0xb8;
	[tilespmem:$0x1A400] =	vst v63  }
0x5e: {  	_ =	swait.ge [sflag:s25], $0x2000  }
0x5f: {  	[sflag:s25] =	ssyncset.done $0x0  }
0x60: {  	[sflag:s25] =	ssyncadd.s32 $0xFFFFE000  }
0x61: {  	[spmem:s2] =	stream.indirect.scatter.add.f32 [tilespmem:s23], [sflag:$0x3], $0x40, s29, s22, $0xb8;
	[tilespmem:$0x1A400] =	vst v63  }
0x62: {  	_ =	swait.ge [sflag:s19], $0x2000  }
0x63: {  	[sflag:s19] =	ssyncset.done $0x0  }
0x64: {  	[sflag:s19] =	ssyncadd.s32 $0xFFFFE000  }
0x65: {  	[tilespmem:s23], [sflag:$0x1] =	stream.indirect.gather [spmem:s3], $0x40, s28, s22, $0xb8;
	[tilespmem:$0x1A400] =	vst v63  }
0x66: {  	_ =	swait.ge [sflag:s26], $0x2000  }
0x67: {  	[sflag:s26] =	ssyncset.done $0x0  }
0x68: {  	[sflag:s26] =	ssyncadd.s32 $0xFFFFE000  }
0x69: {  	[spmem:s2] =	stream.indirect.scatter.add.f32 [tilespmem:s24], [sflag:$0x3], $0x40, s30, s22, $0xb8;
	[tilespmem:$0x1A400] =	vst v63  }
0x6a: {  	_ =	swait.ge [sflag:s19], $0x2000  }
0x6b: {  	[sflag:s19] =	ssyncset.done $0x0  }
0x6c: {  	[sflag:s19] =	ssyncadd.s32 $0xFFFFE000  }
0x6d: {  	_ =	swait.ge [sflag:s25], $0x2000  }
0x6e: {  	[sflag:s25] =	ssyncset.done $0x0  }
0x6f: {  	s9 =	simm.s32 $0x0;
	[sflag:s25] =	ssyncadd.s32 $0xFFFFE000  }
0x70: {  	[tilespmem:s9], [sflag:$0x3] =	stream.linear.gather [hbm4b:s11+s9], $0x1400, $0x38;
	[tilespmem:$0x1A400] =	vst v63  }
0x71: {  	_ =	swait.ge [sflag:s19], $0x1400  }
0x72: {  	[sflag:s19] =	ssyncset.done $0x0  }
0x73: {  	[sflag:s19] =	ssyncadd.s32 $0xFFFFEC00  }
0x74: {  	[tilespmem:s21], [sflag:$0x3] =	stream.linear.gather [hbm4b:s12+s9], $0x1400, $0x38;
	[tilespmem:$0x1A400] =	vst v63  }
0x75: {  	_ =	swait.ge [sflag:s19], $0x1400  }
0x76: {  	[sflag:s19] =	ssyncset.done $0x0  }
0x77: {  	[sflag:s19] =	ssyncadd.s32 $0xFFFFEC00  }
0x78: {  	[tilespmem:s23], [sflag:$0x1] =	stream.indirect.gather [spmem:s3], $0x40, s9, s22, $0xb8;
	[tilespmem:$0x1A400] =	vst v63  }
0x79: {  	s5 =	simm.s32 $0x80  }
0x7a: {  	[tilespmem:s24], [sflag:$0x2] =	stream.indirect.gather [spmem:s3], $0x40, s5, s22, $0xb8;
	[tilespmem:$0x1A400] =	vst v63  }
0x7b: {  	_ =	swait.ge [sflag:s25], $0x2000  }
0x7c: {  	[sflag:s25] =	ssyncset.done $0x0  }
0x7d: {  	s6 =	simm.s32 $0x1400;
	[sflag:s25] =	ssyncadd.s32 $0xFFFFE000  }
0x7e: {  	[spmem:s2] =	stream.indirect.scatter.add.f32 [tilespmem:s23], [sflag:$0x3], $0x40, s6, s22, $0xb8;
	[tilespmem:$0x1A400] =	vst v63  }
0x7f: {  	_ =	swait.ge [sflag:s19], $0x2000  }
0x80: {  	[sflag:s19] =	ssyncset.done $0x0  }
0x81: {  	s8 =	simm.s32 $0x100;
	[sflag:s19] =	ssyncadd.s32 $0xFFFFE000  }
0x82: {  	[tilespmem:s23], [sflag:$0x1] =	stream.indirect.gather [spmem:s3], $0x40, s8, s22, $0xb8;
	[tilespmem:$0x1A400] =	vst v63  }
0x83: {  	_ =	swait.ge [sflag:s26], $0x2000  }
0x84: {  	[sflag:s26] =	ssyncset.done $0x0  }
0x85: {  	s9 =	simm.s32 $0x1480;
	[sflag:s26] =	ssyncadd.s32 $0xFFFFE000  }
0x86: {  	[spmem:s2] =	stream.indirect.scatter.add.f32 [tilespmem:s24], [sflag:$0x3], $0x40, s9, s22, $0xb8;
	[tilespmem:$0x1A400] =	vst v63  }
0x87: {  	_ =	swait.ge [sflag:s19], $0x2000  }
0x88: {  	s1 =	simm.s32 $0x100;
	s5 =	simm.s32 $0x800;
	[sflag:s19] =	ssyncset.done $0x0  }
.LBB2_4:
0x89: {  	s6 =	sadd.s32 $0x80, s1  }
0x8a: {  	[sflag:s19] =	ssyncadd.s32 $0xFFFFE000;
	s8 =	smov.u32 s5;
	s9 =	sadd.s32 $0x400, s5  }
0x8b: {  	[tilespmem:s24], [sflag:$0x2] =	stream.indirect.gather [spmem:s3], $0x40, s6, s22, $0xb8;
	[tilespmem:$0x1A400] =	vst v63  }
0x8c: {  	p0 =	sne.s32 s5, $0x4800;
	_ =	swait.ge [sflag:s25], $0x2000  }
0x8d: {  	[sflag:s25] =	ssyncset.done $0x0  }
0x8e: {  	s5 =	sadd.s32 $0x1400, s1;
	[sflag:s25] =	ssyncadd.s32 $0xFFFFE000  }
0x8f: {  	[spmem:s2] =	stream.indirect.scatter.add.f32 [tilespmem:s23], [sflag:$0x3], $0x40, s5, s22, $0xb8;
	[tilespmem:$0x1A400] =	vst v63  }
0x90: {  	_ =	swait.ge [sflag:s19], $0x2000  }
0x91: {  	[sflag:s19] =	ssyncset.done $0x0  }
0x92: {  	s5 =	sadd.s32 $0x100, s1;
	[sflag:s19] =	ssyncadd.s32 $0xFFFFE000  }
0x93: {  	[tilespmem:s23], [sflag:$0x1] =	stream.indirect.gather [spmem:s3], $0x40, s5, s22, $0xb8;
	[tilespmem:$0x1A400] =	vst v63  }
0x94: {  	_ =	swait.ge [sflag:s26], $0x2000  }
.Ltmp1:
0x95: {  	[sflag:s26] =	ssyncset.done $0x0;
	(pc) =	sbr.rel @p0 .LBB2_4-.Ltmp1, $4  }
0x96: {  	s1 =	sadd.s32 $0x1480, s1;
	[sflag:s26] =	ssyncadd.s32 $0xFFFFE000  }
0x97: {  	[spmem:s2] =	stream.indirect.scatter.add.f32 [tilespmem:s24], [sflag:$0x3], $0x40, s1, s22, $0xb8;
	[tilespmem:$0x1A400] =	vst v63  }
0x98: {  	_ =	swait.ge [sflag:s19], $0x2000  }
0x99: {  	s5 =	smov.u32 s9;
	s1 =	sshra.s32 s8, $0x2;
	[sflag:s19] =	ssyncset.done $0x0  }
0x9a: {  	s5 =	sadd.s32 $0x80, s1;
	[sflag:s19] =	ssyncadd.s32 $0xFFFFE000  }
0x9b: {  	[tilespmem:s24], [sflag:$0x2] =	stream.indirect.gather [spmem:s3], $0x40, s5, s22, $0xb8;
	[tilespmem:$0x1A400] =	vst v63  }
0x9c: {  	_ =	swait.ge [sflag:s25], $0x2000  }
0x9d: {  	[sflag:s25] =	ssyncset.done $0x0  }
0x9e: {  	s9 =	sadd.s32 $0x1400, s1;
	[sflag:s25] =	ssyncadd.s32 $0xFFFFE000  }
0x9f: {  	[spmem:s2] =	stream.indirect.scatter.add.f32 [tilespmem:s23], [sflag:$0x3], $0x40, s9, s22, $0xb8;
	[tilespmem:$0x1A400] =	vst v63  }
0xa0: {  	_ =	swait.ge [sflag:s19], $0x2000  }
0xa1: {  	[sflag:s19] =	ssyncset.done $0x0  }
0xa2: {  	s6 =	sadd.s32 $0x100, s1;
	[sflag:s19] =	ssyncadd.s32 $0xFFFFE000  }
0xa3: {  	[tilespmem:s23], [sflag:$0x1] =	stream.indirect.gather [spmem:s3], $0x40, s6, s22, $0xb8;
	[tilespmem:$0x1A400] =	vst v63  }
0xa4: {  	_ =	swait.ge [sflag:s26], $0x2000  }
0xa5: {  	[sflag:s26] =	ssyncset.done $0x0  }
0xa6: {  	s8 =	sadd.s32 $0x1480, s1;
	[sflag:s26] =	ssyncadd.s32 $0xFFFFE000  }
0xa7: {  	[spmem:s2] =	stream.indirect.scatter.add.f32 [tilespmem:s24], [sflag:$0x3], $0x40, s8, s22, $0xb8;
	[tilespmem:$0x1A400] =	vst v63  }
0xa8: {  	_ =	swait.ge [sflag:s19], $0x2000  }
0xa9: {  	[sflag:s19] =	ssyncset.done $0x0  }
0xaa: {  	[sflag:s19] =	ssyncadd.s32 $0xFFFFE000  }
0xab: {  	[tilespmem:s24], [sflag:$0x2] =	stream.indirect.gather [spmem:s3], $0x40, s28, s22, $0xb8;
	[tilespmem:$0x1A400] =	vst v63  }
0xac: {  	_ =	swait.ge [sflag:s25], $0x2000  }
0xad: {  	[sflag:s25] =	ssyncset.done $0x0  }
0xae: {  	[sflag:s25] =	ssyncadd.s32 $0xFFFFE000  }
0xaf: {  	[spmem:s2] =	stream.indirect.scatter.add.f32 [tilespmem:s23], [sflag:$0x3], $0x40, s29, s22, $0xb8;
	[tilespmem:$0x1A400] =	vst v63  }
0xb0: {  	_ =	swait.ge [sflag:s19], $0x2000  }
0xb1: {  	[sflag:s19] =	ssyncset.done $0x0  }
0xb2: {  	[sflag:s19] =	ssyncadd.s32 $0xFFFFE000  }
0xb3: {  	[tilespmem:s23], [sflag:$0x1] =	stream.indirect.gather [spmem:s3], $0x40, s28, s22, $0xb8;
	[tilespmem:$0x1A400] =	vst v63  }
0xb4: {  	_ =	swait.ge [sflag:s26], $0x2000  }
0xb5: {  	[sflag:s26] =	ssyncset.done $0x0  }
0xb6: {  	[sflag:s26] =	ssyncadd.s32 $0xFFFFE000  }
0xb7: {  	[spmem:s2] =	stream.indirect.scatter.add.f32 [tilespmem:s24], [sflag:$0x3], $0x40, s30, s22, $0xb8;
	[tilespmem:$0x1A400] =	vst v63  }
0xb8: {  	_ =	swait.ge [sflag:s19], $0x2000  }
0xb9: {  	[sflag:s19] =	ssyncset.done $0x0  }
0xba: {  	[sflag:s19] =	ssyncadd.s32 $0xFFFFE000  }
0xbb: {  	_ =	swait.ge [sflag:s25], $0x2000  }
0xbc: {  	[sflag:s25] =	ssyncset.done $0x0  }
0xbd: {  	s9 =	simm.s32 $0x0;
	[sflag:s25] =	ssyncadd.s32 $0xFFFFE000  }
0xbe: {  	[tilespmem:s9], [sflag:$0x3] =	stream.linear.gather [hbm4b:s13+s9], $0x1400, $0x38;
	[tilespmem:$0x1A400] =	vst v63  }
0xbf: {  	_ =	swait.ge [sflag:s19], $0x1400  }
0xc0: {  	[sflag:s19] =	ssyncset.done $0x0  }
0xc1: {  	[sflag:s19] =	ssyncadd.s32 $0xFFFFEC00  }
0xc2: {  	[tilespmem:s21], [sflag:$0x3] =	stream.linear.gather [hbm4b:s14+s9], $0x1400, $0x38;
	[tilespmem:$0x1A400] =	vst v63  }
0xc3: {  	_ =	swait.ge [sflag:s19], $0x1400  }
0xc4: {  	[sflag:s19] =	ssyncset.done $0x0  }
0xc5: {  	[sflag:s19] =	ssyncadd.s32 $0xFFFFEC00  }
0xc6: {  	[tilespmem:s23], [sflag:$0x1] =	stream.indirect.gather [spmem:s3], $0x40, s9, s22, $0xb8;
	[tilespmem:$0x1A400] =	vst v63  }
0xc7: {  	s5 =	simm.s32 $0x80  }
0xc8: {  	[tilespmem:s24], [sflag:$0x2] =	stream.indirect.gather [spmem:s3], $0x40, s5, s22, $0xb8;
	[tilespmem:$0x1A400] =	vst v63  }
0xc9: {  	_ =	swait.ge [sflag:s25], $0x2000  }
0xca: {  	[sflag:s25] =	ssyncset.done $0x0  }
0xcb: {  	s6 =	simm.s32 $0x1400;
	[sflag:s25] =	ssyncadd.s32 $0xFFFFE000  }
0xcc: {  	[spmem:s2] =	stream.indirect.scatter.add.f32 [tilespmem:s23], [sflag:$0x3], $0x40, s6, s22, $0xb8;
	[tilespmem:$0x1A400] =	vst v63  }
0xcd: {  	_ =	swait.ge [sflag:s19], $0x2000  }
0xce: {  	[sflag:s19] =	ssyncset.done $0x0  }
0xcf: {  	s8 =	simm.s32 $0x100;
	[sflag:s19] =	ssyncadd.s32 $0xFFFFE000  }
0xd0: {  	[tilespmem:s23], [sflag:$0x1] =	stream.indirect.gather [spmem:s3], $0x40, s8, s22, $0xb8;
	[tilespmem:$0x1A400] =	vst v63  }
0xd1: {  	_ =	swait.ge [sflag:s26], $0x2000  }
0xd2: {  	[sflag:s26] =	ssyncset.done $0x0  }
0xd3: {  	s9 =	simm.s32 $0x1480;
	[sflag:s26] =	ssyncadd.s32 $0xFFFFE000  }
0xd4: {  	[spmem:s2] =	stream.indirect.scatter.add.f32 [tilespmem:s24], [sflag:$0x3], $0x40, s9, s22, $0xb8;
	[tilespmem:$0x1A400] =	vst v63  }
0xd5: {  	_ =	swait.ge [sflag:s19], $0x2000  }
0xd6: {  	s1 =	simm.s32 $0x100;
	s5 =	simm.s32 $0x800;
	[sflag:s19] =	ssyncset.done $0x0  }
.LBB2_6:
0xd7: {  	s6 =	sadd.s32 $0x80, s1  }
0xd8: {  	[sflag:s19] =	ssyncadd.s32 $0xFFFFE000;
	s8 =	smov.u32 s5;
	s9 =	sadd.s32 $0x400, s5  }
0xd9: {  	[tilespmem:s24], [sflag:$0x2] =	stream.indirect.gather [spmem:s3], $0x40, s6, s22, $0xb8;
	[tilespmem:$0x1A400] =	vst v63  }
0xda: {  	p0 =	sne.s32 s5, $0x4800;
	_ =	swait.ge [sflag:s25], $0x2000  }
0xdb: {  	[sflag:s25] =	ssyncset.done $0x0  }
0xdc: {  	s5 =	sadd.s32 $0x1400, s1;
	[sflag:s25] =	ssyncadd.s32 $0xFFFFE000  }
0xdd: {  	[spmem:s2] =	stream.indirect.scatter.add.f32 [tilespmem:s23], [sflag:$0x3], $0x40, s5, s22, $0xb8;
	[tilespmem:$0x1A400] =	vst v63  }
0xde: {  	_ =	swait.ge [sflag:s19], $0x2000  }
0xdf: {  	[sflag:s19] =	ssyncset.done $0x0  }
0xe0: {  	s5 =	sadd.s32 $0x100, s1;
	[sflag:s19] =	ssyncadd.s32 $0xFFFFE000  }
0xe1: {  	[tilespmem:s23], [sflag:$0x1] =	stream.indirect.gather [spmem:s3], $0x40, s5, s22, $0xb8;
	[tilespmem:$0x1A400] =	vst v63  }
0xe2: {  	_ =	swait.ge [sflag:s26], $0x2000  }
.Ltmp2:
0xe3: {  	[sflag:s26] =	ssyncset.done $0x0;
	(pc) =	sbr.rel @p0 .LBB2_6-.Ltmp2, $4  }
0xe4: {  	s1 =	sadd.s32 $0x1480, s1;
	[sflag:s26] =	ssyncadd.s32 $0xFFFFE000  }
0xe5: {  	[spmem:s2] =	stream.indirect.scatter.add.f32 [tilespmem:s24], [sflag:$0x3], $0x40, s1, s22, $0xb8;
	[tilespmem:$0x1A400] =	vst v63  }
0xe6: {  	_ =	swait.ge [sflag:s19], $0x2000  }
0xe7: {  	s5 =	smov.u32 s9;
	s1 =	sshra.s32 s8, $0x2;
	[sflag:s19] =	ssyncset.done $0x0  }
0xe8: {  	s5 =	sadd.s32 $0x80, s1;
	[sflag:s19] =	ssyncadd.s32 $0xFFFFE000  }
0xe9: {  	[tilespmem:s24], [sflag:$0x2] =	stream.indirect.gather [spmem:s3], $0x40, s5, s22, $0xb8;
	[tilespmem:$0x1A400] =	vst v63  }
0xea: {  	_ =	swait.ge [sflag:s25], $0x2000  }
0xeb: {  	[sflag:s25] =	ssyncset.done $0x0  }
0xec: {  	s9 =	sadd.s32 $0x1400, s1;
	[sflag:s25] =	ssyncadd.s32 $0xFFFFE000  }
0xed: {  	[spmem:s2] =	stream.indirect.scatter.add.f32 [tilespmem:s23], [sflag:$0x3], $0x40, s9, s22, $0xb8;
	[tilespmem:$0x1A400] =	vst v63  }
0xee: {  	_ =	swait.ge [sflag:s19], $0x2000  }
0xef: {  	[sflag:s19] =	ssyncset.done $0x0  }
0xf0: {  	s6 =	sadd.s32 $0x100, s1;
	[sflag:s19] =	ssyncadd.s32 $0xFFFFE000  }
0xf1: {  	[tilespmem:s23], [sflag:$0x1] =	stream.indirect.gather [spmem:s3], $0x40, s6, s22, $0xb8;
	[tilespmem:$0x1A400] =	vst v63  }
0xf2: {  	_ =	swait.ge [sflag:s26], $0x2000  }
0xf3: {  	[sflag:s26] =	ssyncset.done $0x0  }
0xf4: {  	s8 =	sadd.s32 $0x1480, s1;
	[sflag:s26] =	ssyncadd.s32 $0xFFFFE000  }
0xf5: {  	[spmem:s2] =	stream.indirect.scatter.add.f32 [tilespmem:s24], [sflag:$0x3], $0x40, s8, s22, $0xb8;
	[tilespmem:$0x1A400] =	vst v63  }
0xf6: {  	_ =	swait.ge [sflag:s19], $0x2000  }
0xf7: {  	[sflag:s19] =	ssyncset.done $0x0  }
0xf8: {  	[sflag:s19] =	ssyncadd.s32 $0xFFFFE000  }
0xf9: {  	[tilespmem:s24], [sflag:$0x2] =	stream.indirect.gather [spmem:s3], $0x40, s28, s22, $0xb8;
	[tilespmem:$0x1A400] =	vst v63  }
0xfa: {  	_ =	swait.ge [sflag:s25], $0x2000  }
0xfb: {  	[sflag:s25] =	ssyncset.done $0x0  }
0xfc: {  	[sflag:s25] =	ssyncadd.s32 $0xFFFFE000  }
0xfd: {  	[spmem:s2] =	stream.indirect.scatter.add.f32 [tilespmem:s23], [sflag:$0x3], $0x40, s29, s22, $0xb8;
	[tilespmem:$0x1A400] =	vst v63  }
0xfe: {  	_ =	swait.ge [sflag:s19], $0x2000  }
0xff: {  	[sflag:s19] =	ssyncset.done $0x0  }
0x100: {  	[sflag:s19] =	ssyncadd.s32 $0xFFFFE000  }
0x101: {  	[tilespmem:s23], [sflag:$0x1] =	stream.indirect.gather [spmem:s3], $0x40, s28, s22, $0xb8;
	[tilespmem:$0x1A400] =	vst v63  }
0x102: {  	_ =	swait.ge [sflag:s26], $0x2000  }
0x103: {  	[sflag:s26] =	ssyncset.done $0x0  }
0x104: {  	[sflag:s26] =	ssyncadd.s32 $0xFFFFE000  }
0x105: {  	[spmem:s2] =	stream.indirect.scatter.add.f32 [tilespmem:s24], [sflag:$0x3], $0x40, s30, s22, $0xb8;
	[tilespmem:$0x1A400] =	vst v63  }
0x106: {  	_ =	swait.ge [sflag:s19], $0x2000  }
0x107: {  	[sflag:s19] =	ssyncset.done $0x0  }
0x108: {  	[sflag:s19] =	ssyncadd.s32 $0xFFFFE000  }
0x109: {  	_ =	swait.ge [sflag:s25], $0x2000  }
0x10a: {  	[sflag:s25] =	ssyncset.done $0x0  }
0x10b: {  	s9 =	simm.s32 $0x0;
	[sflag:s25] =	ssyncadd.s32 $0xFFFFE000  }
0x10c: {  	[tilespmem:s9], [sflag:$0x3] =	stream.linear.gather [hbm4b:s15+s9], $0x1400, $0x38;
	[tilespmem:$0x1A400] =	vst v63  }
0x10d: {  	_ =	swait.ge [sflag:s19], $0x1400  }
0x10e: {  	[sflag:s19] =	ssyncset.done $0x0  }
0x10f: {  	[sflag:s19] =	ssyncadd.s32 $0xFFFFEC00  }
0x110: {  	[tilespmem:s21], [sflag:$0x3] =	stream.linear.gather [hbm4b:s16+s9], $0x1400, $0x38;
	[tilespmem:$0x1A400] =	vst v63  }
0x111: {  	_ =	swait.ge [sflag:s19], $0x1400  }
0x112: {  	[sflag:s19] =	ssyncset.done $0x0  }
0x113: {  	[sflag:s19] =	ssyncadd.s32 $0xFFFFEC00  }
0x114: {  	[tilespmem:s23], [sflag:$0x1] =	stream.indirect.gather [spmem:s3], $0x40, s9, s22, $0xb8;
	[tilespmem:$0x1A400] =	vst v63  }
0x115: {  	s5 =	simm.s32 $0x80  }
0x116: {  	[tilespmem:s24], [sflag:$0x2] =	stream.indirect.gather [spmem:s3], $0x40, s5, s22, $0xb8;
	[tilespmem:$0x1A400] =	vst v63  }
0x117: {  	_ =	swait.ge [sflag:s25], $0x2000  }
0x118: {  	[sflag:s25] =	ssyncset.done $0x0  }
0x119: {  	s6 =	simm.s32 $0x1400;
	[sflag:s25] =	ssyncadd.s32 $0xFFFFE000  }
0x11a: {  	[spmem:s2] =	stream.indirect.scatter.add.f32 [tilespmem:s23], [sflag:$0x3], $0x40, s6, s22, $0xb8;
	[tilespmem:$0x1A400] =	vst v63  }
0x11b: {  	_ =	swait.ge [sflag:s19], $0x2000  }
0x11c: {  	[sflag:s19] =	ssyncset.done $0x0  }
0x11d: {  	s8 =	simm.s32 $0x100;
	[sflag:s19] =	ssyncadd.s32 $0xFFFFE000  }
0x11e: {  	[tilespmem:s23], [sflag:$0x1] =	stream.indirect.gather [spmem:s3], $0x40, s8, s22, $0xb8;
	[tilespmem:$0x1A400] =	vst v63  }
0x11f: {  	_ =	swait.ge [sflag:s26], $0x2000  }
0x120: {  	[sflag:s26] =	ssyncset.done $0x0  }
0x121: {  	s9 =	simm.s32 $0x1480;
	[sflag:s26] =	ssyncadd.s32 $0xFFFFE000  }
0x122: {  	[spmem:s2] =	stream.indirect.scatter.add.f32 [tilespmem:s24], [sflag:$0x3], $0x40, s9, s22, $0xb8;
	[tilespmem:$0x1A400] =	vst v63  }
0x123: {  	_ =	swait.ge [sflag:s19], $0x2000  }
0x124: {  	s1 =	simm.s32 $0x100;
	s5 =	simm.s32 $0x800;
	[sflag:s19] =	ssyncset.done $0x0  }
.LBB2_8:
0x125: {  	s6 =	sadd.s32 $0x80, s1  }
0x126: {  	[sflag:s19] =	ssyncadd.s32 $0xFFFFE000;
	s8 =	smov.u32 s5;
	s9 =	sadd.s32 $0x400, s5  }
0x127: {  	[tilespmem:s24], [sflag:$0x2] =	stream.indirect.gather [spmem:s3], $0x40, s6, s22, $0xb8;
	[tilespmem:$0x1A400] =	vst v63  }
0x128: {  	p0 =	sne.s32 s5, $0x4800;
	_ =	swait.ge [sflag:s25], $0x2000  }
0x129: {  	[sflag:s25] =	ssyncset.done $0x0  }
0x12a: {  	s5 =	sadd.s32 $0x1400, s1;
	[sflag:s25] =	ssyncadd.s32 $0xFFFFE000  }
0x12b: {  	[spmem:s2] =	stream.indirect.scatter.add.f32 [tilespmem:s23], [sflag:$0x3], $0x40, s5, s22, $0xb8;
	[tilespmem:$0x1A400] =	vst v63  }
0x12c: {  	_ =	swait.ge [sflag:s19], $0x2000  }
0x12d: {  	[sflag:s19] =	ssyncset.done $0x0  }
0x12e: {  	s5 =	sadd.s32 $0x100, s1;
	[sflag:s19] =	ssyncadd.s32 $0xFFFFE000  }
0x12f: {  	[tilespmem:s23], [sflag:$0x1] =	stream.indirect.gather [spmem:s3], $0x40, s5, s22, $0xb8;
	[tilespmem:$0x1A400] =	vst v63  }
0x130: {  	_ =	swait.ge [sflag:s26], $0x2000  }
.Ltmp3:
0x131: {  	[sflag:s26] =	ssyncset.done $0x0;
	(pc) =	sbr.rel @p0 .LBB2_8-.Ltmp3, $4  }
0x132: {  	s1 =	sadd.s32 $0x1480, s1;
	[sflag:s26] =	ssyncadd.s32 $0xFFFFE000  }
0x133: {  	[spmem:s2] =	stream.indirect.scatter.add.f32 [tilespmem:s24], [sflag:$0x3], $0x40, s1, s22, $0xb8;
	[tilespmem:$0x1A400] =	vst v63  }
0x134: {  	_ =	swait.ge [sflag:s19], $0x2000  }
0x135: {  	s5 =	smov.u32 s9;
	s1 =	sshra.s32 s8, $0x2;
	[sflag:s19] =	ssyncset.done $0x0  }
0x136: {  	s5 =	sadd.s32 $0x80, s1;
	[sflag:s19] =	ssyncadd.s32 $0xFFFFE000  }
0x137: {  	[tilespmem:s24], [sflag:$0x2] =	stream.indirect.gather [spmem:s3], $0x40, s5, s22, $0xb8;
	[tilespmem:$0x1A400] =	vst v63  }
0x138: {  	_ =	swait.ge [sflag:s25], $0x2000  }
0x139: {  	[sflag:s25] =	ssyncset.done $0x0  }
0x13a: {  	s6 =	sadd.s32 $0x1400, s1;
	[sflag:s25] =	ssyncadd.s32 $0xFFFFE000  }
0x13b: {  	[spmem:s2] =	stream.indirect.scatter.add.f32 [tilespmem:s23], [sflag:$0x3], $0x40, s6, s22, $0xb8;
	[tilespmem:$0x1A400] =	vst v63  }
0x13c: {  	_ =	swait.ge [sflag:s19], $0x2000  }
0x13d: {  	[sflag:s19] =	ssyncset.done $0x0  }
0x13e: {  	s8 =	sadd.s32 $0x100, s1;
	[sflag:s19] =	ssyncadd.s32 $0xFFFFE000  }
0x13f: {  	[tilespmem:s23], [sflag:$0x1] =	stream.indirect.gather [spmem:s3], $0x40, s8, s22, $0xb8;
	[tilespmem:$0x1A400] =	vst v63  }
0x140: {  	_ =	swait.ge [sflag:s26], $0x2000  }
0x141: {  	[sflag:s26] =	ssyncset.done $0x0  }
0x142: {  	s9 =	sadd.s32 $0x1480, s1;
	[sflag:s26] =	ssyncadd.s32 $0xFFFFE000  }
0x143: {  	[spmem:s2] =	stream.indirect.scatter.add.f32 [tilespmem:s24], [sflag:$0x3], $0x40, s9, s22, $0xb8;
	[tilespmem:$0x1A400] =	vst v63  }
0x144: {  	_ =	swait.ge [sflag:s19], $0x2000  }
0x145: {  	[sflag:s19] =	ssyncset.done $0x0  }
0x146: {  	[sflag:s19] =	ssyncadd.s32 $0xFFFFE000  }
0x147: {  	[tilespmem:s24], [sflag:$0x2] =	stream.indirect.gather [spmem:s3], $0x40, s28, s22, $0xb8;
	[tilespmem:$0x1A400] =	vst v63  }
0x148: {  	_ =	swait.ge [sflag:s25], $0x2000  }
0x149: {  	[sflag:s25] =	ssyncset.done $0x0  }
0x14a: {  	[sflag:s25] =	ssyncadd.s32 $0xFFFFE000  }
0x14b: {  	[spmem:s2] =	stream.indirect.scatter.add.f32 [tilespmem:s23], [sflag:$0x3], $0x40, s29, s22, $0xb8;
	[tilespmem:$0x1A400] =	vst v63  }
0x14c: {  	_ =	swait.ge [sflag:s19], $0x2000  }
0x14d: {  	[sflag:s19] =	ssyncset.done $0x0  }
0x14e: {  	[sflag:s19] =	ssyncadd.s32 $0xFFFFE000  }
0x14f: {  	[tilespmem:s23], [sflag:$0x1] =	stream.indirect.gather [spmem:s3], $0x40, s28, s22, $0xb8;
	[tilespmem:$0x1A400] =	vst v63  }
0x150: {  	_ =	swait.ge [sflag:s26], $0x2000  }
0x151: {  	[sflag:s26] =	ssyncset.done $0x0  }
0x152: {  	[sflag:s26] =	ssyncadd.s32 $0xFFFFE000  }
0x153: {  	[spmem:s2] =	stream.indirect.scatter.add.f32 [tilespmem:s24], [sflag:$0x3], $0x40, s30, s22, $0xb8;
	[tilespmem:$0x1A400] =	vst v63  }
0x154: {  	_ =	swait.ge [sflag:s19], $0x2000  }
0x155: {  	[sflag:s19] =	ssyncset.done $0x0  }
0x156: {  	[sflag:s19] =	ssyncadd.s32 $0xFFFFE000  }
0x157: {  	_ =	swait.ge [sflag:s25], $0x2000  }
0x158: {  	s31 =	sadd.s32 $0x1, s31;
	[sflag:s25] =	ssyncset.done $0x0  }
0x159: {  	p0 =	sne.s32 s31, s18;
	[sflag:s25] =	ssyncadd.s32 $0xFFFFE000  }
.Ltmp4:
0x15a: {  	[bflag:$0x0] =	sbarrier.arrive $0xFFFF;
	(pc) =	sbr.rel @p0 .LBB2_1-.Ltmp4, $4  }
0x15b: {  	[hbm:s17], [sflag:s7] =	dma.local [spmem:s0], $0x13C0  }
0x15c: {  	_ =	swait.ge [sflag:s19], $0x13C0  }
0x15d: {  	[sflag:s19] =	ssyncset.done $0x0  }
0x15e: {  	[sflag:s19] =	ssyncadd.s32 $0xFFFFEC40  }
0x15f: {  	_ =	sfence.sel $0x180000  }
0x160: {  	[bflag:$0x0] =	sbarrier.arrive $0xFFFF  }
0x161: {  	_ =	strace $0x90000047  }
0x162: {  	s0 =	stileid.u32;
	[bflag:$0x2] =	sbarrier.arrive $0xFFFF  }
0x163: {  	p0 =	sne.s32 s0, $0x0;
	s0 =	rddreg [dreg:$0x4]  }
0x164: {  	s0 =	sadd.s32 @!p0 $0x100000, s0  }
0x165: {  	[sflag:s0] =	ssyncadd.tile.s32 @!p0 $0x1;
	_ =	shalt  }
.Lfunc_end2:
_tile_overlayer_lowered:
.L_overlay_start_2:
0x166: {  	(tag) =	ssettag $0x2  }
0x167: {  	s0 =	rddreg [dreg:$0x0];
	s2 =	stileid.u32  }
0x168: {  	s1 =	rddreg [dreg:$0x1];
	p0 =	sne.s32 s2, $0x0  }
0x169: {  	s3 =	rddreg [dreg:$0x2];
	[bflag:$0x3] =	sbarrier.arrive $0xFFFF;
	s2 =	simm.s32 @!p0 $0x1C03  }
0x16a: {  	[timem:s3], [sflag:s2] =	dma.local @!p0 [hbm:s0], s1  }
0x16b: {  	s0 =	simm.s32 @!p0 $0x3  }
0x16c: {  	_ =	swait.ge @!p0 [sflag:s0], s1  }
0x16d: {  	s1 =	ssub.s32 @!p0 $0x0, s1;
	[sflag:s0] =	ssyncset.done @!p0 $0x0  }
0x16e: {  	[sflag:s0] =	ssyncadd.s32 @!p0 s1  }
0x16f: {  	[bflag:$0x3] =	sbarrier.arrive $0xFFFF  }
0x170: {  	_ =	shalt  }

</sc_bundles>
